<compile_context>
chip_gen: v7x
topology: tpu7x:2x2x1
jax: 0.10.2.dev20260603
libtpu: 0.0.44.dev20260713+nightly
codegen_flags: <defaults>
</compile_context>

<pallas_src>
import functools

import jax
import jax.numpy as jnp
from jax import lax
from jax.experimental import pallas as pl
from jax.experimental.pallas import tpu as pltpu
from jax.experimental.pallas import tpu_sc as plsc

N = 10000
E = 320000
D = 128
G = 256
L = 3

NP = 10240
DH = D // 2
CH = 80
NCH = 250
EPS = NCH * CH
EP = 16 * EPS
RPS = NP // 16

BR = 1280
NB = NP // BR
PB = 256
GB = NP // PB

_f32 = jnp.float32



def _sc_scatter_body(mA_hbm, mB_hbm, src_hbm, dst_hbm, z_hbm, out_hbm,
                     src_v, dst_v, rows0, rows1, acc_sh, gsem0, gsem1):
    c = lax.axis_index("c")
    s = lax.axis_index("s")
    bufs = (rows0, rows1)
    gsems = (gsem0, gsem1)

    pltpu.sync_copy(z_hbm, acc_sh.at[pl.ds(s * RPS, RPS)])
    pltpu.sync_copy(src_hbm.at[s], src_v)
    pltpu.sync_copy(dst_hbm.at[s], dst_v)
    plsc.subcore_barrier()

    def run(m_hbm):
        def start_g(j, t):
            pltpu.async_copy(m_hbm.at[src_v.at[j]], bufs[t], gsems[t])

        def wait_g(j, t):
            pltpu.make_async_copy(m_hbm.at[src_v.at[j]], bufs[t],
                                  gsems[t]).wait()

        def scat(j, t):
            pltpu.sync_copy(bufs[t], acc_sh.at[dst_v.at[j]], add=True)

        start_g(0, 0)

        @pl.loop(0, NCH, step=2)
        def _(j):
            start_g(j + 1, 1)
            wait_g(j, 0)
            scat(j, 0)

            @pl.when(j + 2 < NCH)
            def _():
                start_g(j + 2, 0)

            wait_g(j + 1, 1)
            scat(j + 1, 1)

    @pl.when(c == 0)
    def _():
        run(mA_hbm)

    @pl.when(c == 1)
    def _():
        run(mB_hbm)

    plsc.subcore_barrier()
    pltpu.sync_copy(acc_sh.at[pl.ds(s * RPS, RPS)],
                    out_hbm.at[pl.ds(c * NP + s * RPS, RPS)])


def _sc_scatter_agg(mA, mB, src, dst, zeros):
    mesh = plsc.VectorSubcoreMesh(core_axis_name="c", subcore_axis_name="s")
    return pl.kernel(
        _sc_scatter_body,
        out_type=jax.ShapeDtypeStruct((2 * NP, DH), _f32),
        mesh=mesh,
        compiler_params=pltpu.CompilerParams(use_tc_tiling_on_sc=False),
        scratch_types=(
            [pltpu.VMEM((NCH, CH), jnp.int32)] * 2
            + [pltpu.VMEM((CH, DH), _f32)] * 2
            + [pltpu.VMEM_SHARED((NP, DH), _f32)]
            + [pltpu.SemaphoreType.DMA] * 2
        ),
    )(mA, mB, src, dst, zeros)



def _dot(a, b):
    return jnp.dot(a, b, preferred_element_type=_f32)


def _tc_input_body(x_ref, winT_ref, bin_ref, cw0_ref, h_ref, mA_ref, mB_ref):
    h = _dot(x_ref[...], winT_ref[...]) + bin_ref[...]
    h_ref[...] = h
    m = _dot(h, cw0_ref[...])
    mA_ref[...] = m[:, :DH]
    mB_ref[...] = m[:, DH:]


def _tc_input(xp, winT, binr, cw0):
    row = pl.BlockSpec((BR, D), lambda i: (i, 0))
    rowh = pl.BlockSpec((BR, DH), lambda i: (i, 0))
    full = lambda shape: pl.BlockSpec(shape, lambda i: (0, 0))
    return pl.pallas_call(
        _tc_input_body,
        grid=(NB,),
        in_specs=[row, full((D, D)), full((1, D)), full((D, D))],
        out_specs=[row, rowh, rowh],
        out_shape=[jax.ShapeDtypeStruct((NP, D), _f32),
                   jax.ShapeDtypeStruct((NP, DH), _f32),
                   jax.ShapeDtypeStruct((NP, DH), _f32)],
    )(xp, winT, binr, cw0)


def _tc_gh_body(h_ref, whhT_ref, bhh_ref, gh_ref):
    gh_ref[...] = _dot(h_ref[...], whhT_ref[...]) + bhh_ref[...]


def _tc_gh(h, whhT, bhh):
    return pl.pallas_call(
        _tc_gh_body,
        grid=(NB,),
        in_specs=[pl.BlockSpec((BR, D), lambda i: (i, 0)),
                  pl.BlockSpec((D, 3 * D), lambda i: (0, 0)),
                  pl.BlockSpec((1, 3 * D), lambda i: (0, 0))],
        out_specs=pl.BlockSpec((BR, 3 * D), lambda i: (i, 0)),
        out_shape=jax.ShapeDtypeStruct((NP, 3 * D), _f32),
    )(h, whhT, bhh)


def _gru_update(agg, h, gh, wihT, bih):
    gi = _dot(agg, wihT) + bih
    r = jax.nn.sigmoid(gi[:, :D] + gh[:, :D])
    z = jax.nn.sigmoid(gi[:, D:2 * D] + gh[:, D:2 * D])
    n = jnp.tanh(gi[:, 2 * D:] + r * gh[:, 2 * D:])
    return (1.0 - z) * n + z * h


def _tc_gru_body(pA_ref, pB_ref, h_ref, gh_ref, wihT_ref, bih_ref, cwn_ref,
                 hn_ref, mAn_ref, mBn_ref):
    agg = jnp.concatenate([pA_ref[...], pB_ref[...]], axis=1)
    hn = _gru_update(agg, h_ref[...], gh_ref[...],
                     wihT_ref[...], bih_ref[...])
    hn_ref[...] = hn
    mn = _dot(hn, cwn_ref[...])
    mAn_ref[...] = mn[:, :DH]
    mBn_ref[...] = mn[:, DH:]


def _tc_gru(parts, h, gh, wihT, bih, cwn):
    row = pl.BlockSpec((BR, D), lambda i: (i, 0))
    rowh = pl.BlockSpec((BR, DH), lambda i: (i, 0))
    full = lambda shape: pl.BlockSpec(shape, lambda i: (0, 0))
    return pl.pallas_call(
        _tc_gru_body,
        grid=(NB,),
        in_specs=[pl.BlockSpec((BR, DH), lambda i: (i, 0)),
                  pl.BlockSpec((BR, DH), lambda i: (i + NB, 0)),
                  row,
                  pl.BlockSpec((BR, 3 * D), lambda i: (i, 0)),
                  full((D, 3 * D)), full((1, 3 * D)), full((D, D))],
        out_specs=[row, rowh, rowh],
        out_shape=[jax.ShapeDtypeStruct((NP, D), _f32),
                   jax.ShapeDtypeStruct((NP, DH), _f32),
                   jax.ShapeDtypeStruct((NP, DH), _f32)],
    )(parts, parts, h, gh, wihT, bih, cwn)


def _tc_gru_last_body(pA_ref, pB_ref, h_ref, gh_ref, wihT_ref, bih_ref,
                      hn_ref):
    agg = jnp.concatenate([pA_ref[...], pB_ref[...]], axis=1)
    hn_ref[...] = _gru_update(agg, h_ref[...],
                              gh_ref[...], wihT_ref[...], bih_ref[...])


def _tc_gru_last(parts, h, gh, wihT, bih):
    row = pl.BlockSpec((BR, D), lambda i: (i, 0))
    full = lambda shape: pl.BlockSpec(shape, lambda i: (0, 0))
    return pl.pallas_call(
        _tc_gru_last_body,
        grid=(NB,),
        in_specs=[pl.BlockSpec((BR, DH), lambda i: (i, 0)),
                  pl.BlockSpec((BR, DH), lambda i: (i + NB, 0)),
                  row,
                  pl.BlockSpec((BR, 3 * D), lambda i: (i, 0)),
                  full((D, 3 * D)), full((1, 3 * D))],
        out_specs=row,
        out_shape=jax.ShapeDtypeStruct((NP, D), _f32),
    )(parts, parts, h, gh, wihT, bih)


def _tc_pool_body(h_ref, b_ref, gateT_ref, gateb_ref, fc1T_ref, fc1b_ref,
                  fc2T_ref, fc2b_ref, outT_ref, outb_ref, o_ref):
    iota_g = lax.broadcasted_iota(jnp.int32, (1, G), 1)
    gateT = gateT_ref[...]
    gate_b = gateb_ref[...]

    def block(b):
        rows = pl.ds(b * PB, PB)
        bcol = b_ref[rows, :]
        valid = bcol < G
        hb = jnp.where(valid, h_ref[rows, :], 0.0)
        mask = bcol == iota_g
        gb = _dot(hb, gateT) + gate_b
        return hb, mask, gb

    def pass1(b, gmax):
        _, mask, gb = block(b)
        m = jnp.max(jnp.where(mask, gb, -1e30), axis=0, keepdims=True)
        return jnp.maximum(gmax, m)

    gmax = lax.fori_loop(0, GB, pass1, jnp.full((1, G), -1e30, _f32))

    def pass2(b, carry):
        den, pooled = carry
        hb, mask, gb = block(b)
        maskf = mask.astype(_f32)
        gmaxn = lax.dot_general(maskf, gmax, (((1,), (1,)), ((), ())),
                                preferred_element_type=_f32,
                                precision=lax.Precision.HIGHEST)
        w = jnp.exp(gb - gmaxn)
        den = den + lax.dot_general(maskf, w, (((0,), (0,)), ((), ())),
                                    preferred_element_type=_f32,
                                    precision=lax.Precision.HIGHEST)
        pooled = pooled + lax.dot_general(maskf * w, hb,
                                          (((0,), (0,)), ((), ())),
                                          preferred_element_type=_f32,
                                          precision=lax.Precision.HIGHEST)
        return den, pooled

    den, pooled = lax.fori_loop(
        0, GB, pass2,
        (jnp.zeros((G, 1), _f32), jnp.zeros((G, D), _f32)))
    pooled = pooled / (den + 1e-16)
    o = jax.nn.relu(_dot(pooled, fc1T_ref[...]) + fc1b_ref[...])
    o = jax.nn.relu(_dot(o, fc2T_ref[...]) + fc2b_ref[...])
    o_ref[...] = _dot(o, outT_ref[...]) + outb_ref[...]


def _tc_pool(h, batch_col, gateT, gate_b, fc1T, fc1b, fc2T, fc2b, outT, outb):
    vm = lambda: pl.BlockSpec(memory_space=pltpu.VMEM)
    return pl.pallas_call(
        _tc_pool_body,
        in_specs=[vm() for _ in range(10)],
        out_specs=vm(),
        out_shape=jax.ShapeDtypeStruct((G, 1), _f32),
    )(h, batch_col, gateT, gate_b, fc1T, fc1b, fc2T, fc2b, outT, outb)



def kernel(x, edge_index, batch, W_in, b_in, conv_w, gru_Wih, gru_Whh,
           gru_bih, gru_bhh, gate_W, gate_b, fc1_W, fc1_b, fc2_W, fc2_b,
           out_W, out_b):
    xp = jnp.pad(x, ((0, NP - N), (0, 0)))
    src = edge_index[0].reshape(16, NCH, CH)
    dst = edge_index[1].reshape(16, NCH, CH)
    batch_col = jnp.pad(batch, (0, NP - N), constant_values=G).reshape(NP, 1)
    zeros = jnp.zeros((RPS, DH), _f32)

    winT = W_in.T
    wihT = gru_Wih.T
    whhT = gru_Whh.T
    binr = b_in.reshape(1, D)
    bih = gru_bih.reshape(1, 3 * D)
    bhh = gru_bhh.reshape(1, 3 * D)

    h, mA, mB = _tc_input(xp, winT, binr, conv_w[0])
    for i in range(L):
        parts = _sc_scatter_agg(mA, mB, src, dst, zeros)
        gh = _tc_gh(h, whhT, bhh)
        if i < L - 1:
            h, mA, mB = _tc_gru(parts, h, gh, wihT, bih, conv_w[i + 1])
        else:
            h = _tc_gru_last(parts, h, gh, wihT, bih)

    out = _tc_pool(h, batch_col, gate_W.T, gate_b.reshape(1, 1),
                   fc1_W.T, fc1_b.reshape(1, D), fc2_W.T, fc2_b.reshape(1, D),
                   out_W.T, out_b.reshape(1, 1))
    return out.reshape(-1)

# --- scband reference (transcript-rebuilt; emitter-appended) ---
"""Pipeline reference for scband-l-gnn-22960895164798 (READ-ONLY COPY).

The authoritative reference and input builder live on the scoring server;
editing this copy changes nothing except your own understanding.
"""

import jax, jax.numpy as jnp
import numpy as np

N = 10000
E = 320000
D = 128
G = 256
L = 3

def setup_inputs(seed: int = 0) -> dict:
    key = jax.random.key(seed)
    ks = jax.random.split(key, 16)
    inp = {}
    inp["x"] = jax.random.normal(ks[0], (N, D), dtype=jnp.float32)
    inp["edge_index"] = jax.random.randint(ks[1], (2, E), 0, N, dtype=jnp.int32)
    inp["batch"] = jnp.sort(jax.random.randint(ks[2], (N,), 0, G, dtype=jnp.int32))
    # learned parameters
    inp["W_in"] = jax.random.normal(ks[3], (D, D), dtype=jnp.float32) * 0.05
    inp["b_in"] = jnp.zeros((D,), dtype=jnp.float32)
    inp["conv_w"] = jax.random.normal(ks[4], (L, D, D), dtype=jnp.float32) * 0.05
    inp["gru_Wih"] = jax.random.normal(ks[5], (3 * D, D), dtype=jnp.float32) * 0.05
    inp["gru_Whh"] = jax.random.normal(ks[6], (3 * D, D), dtype=jnp.float32) * 0.05
    inp["gru_bih"] = jnp.zeros((3 * D,), dtype=jnp.float32)
    inp["gru_bhh"] = jnp.zeros((3 * D,), dtype=jnp.float32)
    inp["gate_W"] = jax.random.normal(ks[7], (1, D), dtype=jnp.float32) * 0.05
    inp["gate_b"] = jnp.zeros((1,), dtype=jnp.float32)
    inp["fc1_W"] = jax.random.normal(ks[8], (D, D), dtype=jnp.float32) * 0.05
    inp["fc1_b"] = jnp.zeros((D,), dtype=jnp.float32)
    inp["fc2_W"] = jax.random.normal(ks[9], (D, D), dtype=jnp.float32) * 0.05
    inp["fc2_b"] = jnp.zeros((D,), dtype=jnp.float32)
    inp["out_W"] = jax.random.normal(ks[10], (1, D), dtype=jnp.float32) * 0.05
    inp["out_b"] = jnp.zeros((1,), dtype=jnp.float32)
    return inp


def reference(x, edge_index, batch, W_in, b_in, conv_w, gru_Wih, gru_Whh, gru_bih, gru_bhh, gate_W, gate_b, fc1_W, fc1_b, fc2_W, fc2_b, out_W, out_b):
    src = edge_index[0]
    dst = edge_index[1]
    # input_transform
    h = x @ W_in.T + b_in
    # GatedGraphConv: num_layers iterations of (linear, scatter-add message passing, GRUCell)
    for i in range(L):
        m = h @ conv_w[i]
        agg = jnp.zeros_like(h).at[dst].add(m[src])
        gi = agg @ gru_Wih.T + gru_bih
        gh = h @ gru_Whh.T + gru_bhh
        i_r, i_z, i_n = jnp.split(gi, 3, axis=-1)
        h_r, h_z, h_n = jnp.split(gh, 3, axis=-1)
        r = jax.nn.sigmoid(i_r + h_r)
        z = jax.nn.sigmoid(i_z + h_z)
        n = jnp.tanh(i_n + r * h_n)
        h = (1.0 - z) * n + z * h
    # AttentionalAggregation: per-graph softmax gating then weighted segment sum
    gate = h @ gate_W.T + gate_b  # [N, 1]
    gmax = jax.ops.segment_max(gate, batch, num_segments=G)
    gmax = jax.lax.stop_gradient(gmax)
    w = jnp.exp(gate - gmax[batch])
    den = jax.ops.segment_sum(w, batch, num_segments=G)
    w = w / (den[batch] + 1e-16)
    pooled = jax.ops.segment_sum(w * h, batch, num_segments=G)  # [G, D]
    # hidden FC layers with relu
    out = jax.nn.relu(pooled @ fc1_W.T + fc1_b)
    out = jax.nn.relu(out @ fc2_W.T + fc2_b)
    out = out @ out_W.T + out_b  # [G, 1]
    return out.reshape(-1)

if __name__ == "__main__":
    import jax
    _d = setup_inputs()
    print(jax.jit(kernel)(*tuple(_d.values())))

</pallas_src>

<mosaic_0001>
#map = affine_map<(d0, d1) -> (0, 0)>
#map1 = affine_map<(d0, d1) -> (0, 0, 0)>
module attributes {stable_mosaic.version = 14 : i64} {
  func.func @_sc_scatter_body(%arg0: i32, %arg1: i32, %arg2: memref<10240x64xf32, #tpu.memory_space<hbm>>, %arg3: memref<10240x64xf32, #tpu.memory_space<hbm>>, %arg4: memref<16x250x80xi32, #tpu.memory_space<hbm>>, %arg5: memref<16x250x80xi32, #tpu.memory_space<hbm>>, %arg6: memref<640x64xf32, #tpu.memory_space<hbm>>, %arg7: memref<20480x64xf32, #tpu.memory_space<hbm>>, %arg8: memref<250x80xi32, #tpu.memory_space<vmem>>, %arg9: memref<250x80xi32, #tpu.memory_space<vmem>>, %arg10: memref<80x64xf32, #tpu.memory_space<vmem>>, %arg11: memref<80x64xf32, #tpu.memory_space<vmem>>, %arg12: memref<10240x64xf32, #tpu.memory_space<vmem_shared>>, %arg13: memref<!tpu.dma_semaphore, #tpu.memory_space<semaphore_mem>>, %arg14: memref<!tpu.dma_semaphore, #tpu.memory_space<semaphore_mem>>) attributes {dimension_semantics = [#tpu.dimension_semantics<core_parallel>, #tpu.dimension_semantics<subcore_parallel>], iteration_bounds = array<i64: 2, 16>, scalar_prefetch = 0 : i64, scratch_operands = 7 : i64, tpu.core_type = #tpu.core_type<sc_vector_subcore>, window_params = [{transform_indices = #map}, {transform_indices = #map}, {transform_indices = #map1}, {transform_indices = #map1}, {transform_indices = #map}, {transform_indices = #map}]} {
    %mul3A = arith.constant 640 : i32
    %mul3A_0 = arith.muli %arg1, %mul3A : i32
    "tpu.region"() ({
      %run_scoped3A = tpu.sem_alloc : memref<!tpu.dma_semaphore, #tpu.memory_space<semaphore_mem>>
      %dma_start3A = arith.constant 0 : i32
      %dma_start3A_15 = tpu.memref_slice %arg12[%mul3A_0, %dma_start3A] : memref<10240x64xf32, #tpu.memory_space<vmem_shared>> -> memref<640x64xf32, #tpu.memory_space<vmem_shared>>
      tpu.enqueue_dma source(%arg6 : memref<640x64xf32, #tpu.memory_space<hbm>>) target(%dma_start3A_15 : memref<640x64xf32, #tpu.memory_space<vmem_shared>>) target_semaphore(%run_scoped3A : memref<!tpu.dma_semaphore, #tpu.memory_space<semaphore_mem>>)
      %dma_wait3A = arith.constant 0 : i32
      %dma_wait3A_16 = tpu.memref_slice %arg12[%mul3A_0, %dma_wait3A] : memref<10240x64xf32, #tpu.memory_space<vmem_shared>> -> memref<640x64xf32, #tpu.memory_space<vmem_shared>>
      tpu.wait_dma2 semaphore(%run_scoped3A : memref<!tpu.dma_semaphore, #tpu.memory_space<semaphore_mem>>) src(%arg6 : memref<640x64xf32, #tpu.memory_space<hbm>>) dst(%dma_wait3A_16 : memref<640x64xf32, #tpu.memory_space<vmem_shared>>)
      tpu.yield
    }) : () -> ()
    "tpu.region"() ({
      %run_scoped3A = tpu.sem_alloc : memref<!tpu.dma_semaphore, #tpu.memory_space<semaphore_mem>>
      %dma_start3A = arith.constant 0 : i32
      %dma_start3A_15 = arith.constant 0 : i32
      %dma_start3A_16 = tpu.memref_slice %arg4[%arg1, %dma_start3A, %dma_start3A_15] : memref<16x250x80xi32, #tpu.memory_space<hbm>> -> memref<1x250x80xi32, #tpu.memory_space<hbm>>
      %dma_start3A_17 = tpu.memref_squeeze %dma_start3A_16 : memref<1x250x80xi32, #tpu.memory_space<hbm>> -> memref<250x80xi32, #tpu.memory_space<hbm>>
      %dma_start3A_18 = arith.constant 0 : i32
      %dma_start3A_19 = arith.constant 0 : i32
      %dma_start3A_20 = tpu.memref_slice %arg4[%arg1, %dma_start3A_18, %dma_start3A_19] : memref<16x250x80xi32, #tpu.memory_space<hbm>> -> memref<1x250x80xi32, #tpu.memory_space<hbm>>
      %dma_start3A_21 = tpu.memref_squeeze %dma_start3A_20 : memref<1x250x80xi32, #tpu.memory_space<hbm>> -> memref<250x80xi32, #tpu.memory_space<hbm>>
      tpu.enqueue_dma source(%dma_start3A_21 : memref<250x80xi32, #tpu.memory_space<hbm>>) target(%arg8 : memref<250x80xi32, #tpu.memory_space<vmem>>) target_semaphore(%run_scoped3A : memref<!tpu.dma_semaphore, #tpu.memory_space<semaphore_mem>>)
      %dma_wait3A = arith.constant 0 : i32
      %dma_wait3A_22 = arith.constant 0 : i32
      %dma_wait3A_23 = tpu.memref_slice %arg4[%arg1, %dma_wait3A, %dma_wait3A_22] : memref<16x250x80xi32, #tpu.memory_space<hbm>> -> memref<1x250x80xi32, #tpu.memory_space<hbm>>
      %dma_wait3A_24 = tpu.memref_squeeze %dma_wait3A_23 : memref<1x250x80xi32, #tpu.memory_space<hbm>> -> memref<250x80xi32, #tpu.memory_space<hbm>>
      %dma_wait3A_25 = arith.constant 0 : i32
      %dma_wait3A_26 = arith.constant 0 : i32
      %dma_wait3A_27 = tpu.memref_slice %arg4[%arg1, %dma_wait3A_25, %dma_wait3A_26] : memref<16x250x80xi32, #tpu.memory_space<hbm>> -> memref<1x250x80xi32, #tpu.memory_space<hbm>>
      %dma_wait3A_28 = tpu.memref_squeeze %dma_wait3A_27 : memref<1x250x80xi32, #tpu.memory_space<hbm>> -> memref<250x80xi32, #tpu.memory_space<hbm>>
      tpu.wait_dma2 semaphore(%run_scoped3A : memref<!tpu.dma_semaphore, #tpu.memory_space<semaphore_mem>>) src(%dma_wait3A_28 : memref<250x80xi32, #tpu.memory_space<hbm>>) dst(%arg8 : memref<250x80xi32, #tpu.memory_space<vmem>>)
      tpu.yield
    }) : () -> ()
    "tpu.region"() ({
      %run_scoped3A = tpu.sem_alloc : memref<!tpu.dma_semaphore, #tpu.memory_space<semaphore_mem>>
      %dma_start3A = arith.constant 0 : i32
      %dma_start3A_15 = arith.constant 0 : i32
      %dma_start3A_16 = tpu.memref_slice %arg5[%arg1, %dma_start3A, %dma_start3A_15] : memref<16x250x80xi32, #tpu.memory_space<hbm>> -> memref<1x250x80xi32, #tpu.memory_space<hbm>>
      %dma_start3A_17 = tpu.memref_squeeze %dma_start3A_16 : memref<1x250x80xi32, #tpu.memory_space<hbm>> -> memref<250x80xi32, #tpu.memory_space<hbm>>
      %dma_start3A_18 = arith.constant 0 : i32
      %dma_start3A_19 = arith.constant 0 : i32
      %dma_start3A_20 = tpu.memref_slice %arg5[%arg1, %dma_start3A_18, %dma_start3A_19] : memref<16x250x80xi32, #tpu.memory_space<hbm>> -> memref<1x250x80xi32, #tpu.memory_space<hbm>>
      %dma_start3A_21 = tpu.memref_squeeze %dma_start3A_20 : memref<1x250x80xi32, #tpu.memory_space<hbm>> -> memref<250x80xi32, #tpu.memory_space<hbm>>
      tpu.enqueue_dma source(%dma_start3A_21 : memref<250x80xi32, #tpu.memory_space<hbm>>) target(%arg9 : memref<250x80xi32, #tpu.memory_space<vmem>>) target_semaphore(%run_scoped3A : memref<!tpu.dma_semaphore, #tpu.memory_space<semaphore_mem>>)
      %dma_wait3A = arith.constant 0 : i32
      %dma_wait3A_22 = arith.constant 0 : i32
      %dma_wait3A_23 = tpu.memref_slice %arg5[%arg1, %dma_wait3A, %dma_wait3A_22] : memref<16x250x80xi32, #tpu.memory_space<hbm>> -> memref<1x250x80xi32, #tpu.memory_space<hbm>>
      %dma_wait3A_24 = tpu.memref_squeeze %dma_wait3A_23 : memref<1x250x80xi32, #tpu.memory_space<hbm>> -> memref<250x80xi32, #tpu.memory_space<hbm>>
      %dma_wait3A_25 = arith.constant 0 : i32
      %dma_wait3A_26 = arith.constant 0 : i32
      %dma_wait3A_27 = tpu.memref_slice %arg5[%arg1, %dma_wait3A_25, %dma_wait3A_26] : memref<16x250x80xi32, #tpu.memory_space<hbm>> -> memref<1x250x80xi32, #tpu.memory_space<hbm>>
      %dma_wait3A_28 = tpu.memref_squeeze %dma_wait3A_27 : memref<1x250x80xi32, #tpu.memory_space<hbm>> -> memref<250x80xi32, #tpu.memory_space<hbm>>
      tpu.wait_dma2 semaphore(%run_scoped3A : memref<!tpu.dma_semaphore, #tpu.memory_space<semaphore_mem>>) src(%dma_wait3A_28 : memref<250x80xi32, #tpu.memory_space<hbm>>) dst(%arg9 : memref<250x80xi32, #tpu.memory_space<vmem>>)
      tpu.yield
    }) : () -> ()
    %barrier3A = arith.constant 0 : index
    tpu.barrier barrier_id(%barrier3A)
    %eq3A = arith.constant 0 : i32
    %eq3A_1 = arith.cmpi eq, %arg0, %eq3A : i32
    %convert_element_type3A = arith.extui %eq3A_1 : i1 to i32
    %cond3A = arith.constant 0 : i32
    %cond3A_2 = arith.cmpi ne, %convert_element_type3A, %cond3A : i32
    scf.if %cond3A_2 {
      %dma_start3A = arith.constant 0 : i32
      %dma_start3A_15 = arith.constant 0 : i32
      %dma_start3A_16 = tpu.memref_slice %arg8[%dma_start3A, %dma_start3A_15] : memref<250x80xi32, #tpu.memory_space<vmem>> -> memref<1x80xi32, #tpu.memory_space<vmem>>
      %dma_start3A_17 = tpu.memref_squeeze %dma_start3A_16 : memref<1x80xi32, #tpu.memory_space<vmem>> -> memref<80xi32, #tpu.memory_space<vmem>>
      %dma_start3A_18 = arith.constant 0 : i32
      %dma_start3A_19 = arith.constant 0 : i32
      %dma_start3A_20 = tpu.memref_slice %arg2[%dma_start3A_18, %dma_start3A_19] : memref<10240x64xf32, #tpu.memory_space<hbm>> -> memref<10240x64xf32, #tpu.memory_space<hbm>>
      tpu.enqueue_indirect_dma source(%dma_start3A_20 : memref<10240x64xf32, #tpu.memory_space<hbm>>) target(%arg10 : memref<80x64xf32, #tpu.memory_space<vmem>>) offsets(%dma_start3A_17 : memref<80xi32, #tpu.memory_space<vmem>>) semaphore(%arg13 : memref<!tpu.dma_semaphore, #tpu.memory_space<semaphore_mem>>)
      %scan3A = arith.constant 0 : i32
      %scan3A_21 = arith.constant 125 : i32
      %scan3A_22 = arith.addi %scan3A, %scan3A_21 : i32
      %scan3A_23 = arith.constant 1 : i32
      scf.for %scan3A_25 = %scan3A to %scan3A_22 step %scan3A_23  : i32 {
        %mul3A_26 = arith.constant 2 : i32
        %mul3A_27 = arith.muli %scan3A_25, %mul3A_26 : i32
        %add3A_28 = arith.constant 0 : i32
        %add3A_29 = arith.addi %add3A_28, %mul3A_27 : i32
        %add3A_30 = arith.constant 1 : i32
        %add3A_31 = arith.addi %add3A_29, %add3A_30 : i32
        %dma_start3A_32 = arith.constant 0 : i32
        %dma_start3A_33 = tpu.memref_slice %arg8[%add3A_31, %dma_start3A_32] : memref<250x80xi32, #tpu.memory_space<vmem>> -> memref<1x80xi32, #tpu.memory_space<vmem>>
        %dma_start3A_34 = tpu.memref_squeeze %dma_start3A_33 : memref<1x80xi32, #tpu.memory_space<vmem>> -> memref<80xi32, #tpu.memory_space<vmem>>
        %dma_start3A_35 = arith.constant 0 : i32
        %dma_start3A_36 = arith.constant 0 : i32
        %dma_start3A_37 = tpu.memref_slice %arg2[%dma_start3A_35, %dma_start3A_36] : memref<10240x64xf32, #tpu.memory_space<hbm>> -> memref<10240x64xf32, #tpu.memory_space<hbm>>
        tpu.enqueue_indirect_dma source(%dma_start3A_37 : memref<10240x64xf32, #tpu.memory_space<hbm>>) target(%arg11 : memref<80x64xf32, #tpu.memory_space<vmem>>) offsets(%dma_start3A_34 : memref<80xi32, #tpu.memory_space<vmem>>) semaphore(%arg14 : memref<!tpu.dma_semaphore, #tpu.memory_space<semaphore_mem>>)
        %dma_wait3A = arith.constant 0 : i32
        %dma_wait3A_38 = tpu.memref_slice %arg8[%add3A_29, %dma_wait3A] : memref<250x80xi32, #tpu.memory_space<vmem>> -> memref<1x80xi32, #tpu.memory_space<vmem>>
        %dma_wait3A_39 = tpu.memref_squeeze %dma_wait3A_38 : memref<1x80xi32, #tpu.memory_space<vmem>> -> memref<80xi32, #tpu.memory_space<vmem>>
        %dma_wait3A_40 = arith.constant 0 : i32
        %dma_wait3A_41 = arith.constant 0 : i32
        %dma_wait3A_42 = tpu.memref_slice %arg2[%dma_wait3A_40, %dma_wait3A_41] : memref<10240x64xf32, #tpu.memory_space<hbm>> -> memref<10240x64xf32, #tpu.memory_space<hbm>>
        tpu.wait_indirect_dma semaphore(%arg13 : memref<!tpu.dma_semaphore, #tpu.memory_space<semaphore_mem>>) src(%dma_wait3A_42 : memref<10240x64xf32, #tpu.memory_space<hbm>>) dst(%arg10 : memref<80x64xf32, #tpu.memory_space<vmem>>)
        "tpu.region"() ({
          %run_scoped3A = tpu.sem_alloc : memref<!tpu.dma_semaphore, #tpu.memory_space<semaphore_mem>>
          %dma_start3A_59 = arith.constant 0 : i32
          %dma_start3A_60 = tpu.memref_slice %arg9[%add3A_29, %dma_start3A_59] : memref<250x80xi32, #tpu.memory_space<vmem>> -> memref<1x80xi32, #tpu.memory_space<vmem>>
          %dma_start3A_61 = tpu.memref_squeeze %dma_start3A_60 : memref<1x80xi32, #tpu.memory_space<vmem>> -> memref<80xi32, #tpu.memory_space<vmem>>
          %dma_start3A_62 = arith.constant 0 : i32
          %dma_start3A_63 = arith.constant 0 : i32
          %dma_start3A_64 = tpu.memref_slice %arg12[%dma_start3A_62, %dma_start3A_63] : memref<10240x64xf32, #tpu.memory_space<vmem_shared>> -> memref<10240x64xf32, #tpu.memory_space<vmem_shared>>
          tpu.enqueue_indirect_dma source(%arg10 : memref<80x64xf32, #tpu.memory_space<vmem>>) target(%dma_start3A_64 : memref<10240x64xf32, #tpu.memory_space<vmem_shared>>) offsets(%dma_start3A_61 : memref<80xi32, #tpu.memory_space<vmem>>) semaphore(%run_scoped3A : memref<!tpu.dma_semaphore, #tpu.memory_space<semaphore_mem>>) {add = true}
          %dma_wait3A_65 = arith.constant 0 : i32
          %dma_wait3A_66 = tpu.memref_slice %arg9[%add3A_29, %dma_wait3A_65] : memref<250x80xi32, #tpu.memory_space<vmem>> -> memref<1x80xi32, #tpu.memory_space<vmem>>
          %dma_wait3A_67 = tpu.memref_squeeze %dma_wait3A_66 : memref<1x80xi32, #tpu.memory_space<vmem>> -> memref<80xi32, #tpu.memory_space<vmem>>
          %dma_wait3A_68 = arith.constant 0 : i32
          %dma_wait3A_69 = arith.constant 0 : i32
          %dma_wait3A_70 = tpu.memref_slice %arg12[%dma_wait3A_68, %dma_wait3A_69] : memref<10240x64xf32, #tpu.memory_space<vmem_shared>> -> memref<10240x64xf32, #tpu.memory_space<vmem_shared>>
          tpu.wait_indirect_dma semaphore(%run_scoped3A : memref<!tpu.dma_semaphore, #tpu.memory_space<semaphore_mem>>) src(%arg10 : memref<80x64xf32, #tpu.memory_space<vmem>>) dst(%dma_wait3A_70 : memref<10240x64xf32, #tpu.memory_space<vmem_shared>>)
          tpu.yield
        }) : () -> ()
        %add3A_43 = arith.constant 2 : i32
        %add3A_44 = arith.addi %add3A_29, %add3A_43 : i32
        %lt3A = arith.constant 250 : i32
        %lt3A_45 = arith.cmpi slt, %add3A_44, %lt3A : i32
        %convert_element_type3A_46 = arith.extui %lt3A_45 : i1 to i32
        %cond3A_47 = arith.constant 0 : i32
        %cond3A_48 = arith.cmpi ne, %convert_element_type3A_46, %cond3A_47 : i32
        scf.if %cond3A_48 {
          %add3A_59 = arith.constant 2 : i32
          %add3A_60 = arith.addi %add3A_29, %add3A_59 : i32
          %dma_start3A_61 = arith.constant 0 : i32
          %dma_start3A_62 = tpu.memref_slice %arg8[%add3A_60, %dma_start3A_61] : memref<250x80xi32, #tpu.memory_space<vmem>> -> memref<1x80xi32, #tpu.memory_space<vmem>>
          %dma_start3A_63 = tpu.memref_squeeze %dma_start3A_62 : memref<1x80xi32, #tpu.memory_space<vmem>> -> memref<80xi32, #tpu.memory_space<vmem>>
          %dma_start3A_64 = arith.constant 0 : i32
          %dma_start3A_65 = arith.constant 0 : i32
          %dma_start3A_66 = tpu.memref_slice %arg2[%dma_start3A_64, %dma_start3A_65] : memref<10240x64xf32, #tpu.memory_space<hbm>> -> memref<10240x64xf32, #tpu.memory_space<hbm>>
          tpu.enqueue_indirect_dma source(%dma_start3A_66 : memref<10240x64xf32, #tpu.memory_space<hbm>>) target(%arg10 : memref<80x64xf32, #tpu.memory_space<vmem>>) offsets(%dma_start3A_63 : memref<80xi32, #tpu.memory_space<vmem>>) semaphore(%arg13 : memref<!tpu.dma_semaphore, #tpu.memory_space<semaphore_mem>>)
        } else {
        }
        %add3A_49 = arith.constant 1 : i32
        %add3A_50 = arith.addi %add3A_29, %add3A_49 : i32
        %dma_wait3A_51 = arith.constant 0 : i32
        %dma_wait3A_52 = tpu.memref_slice %arg8[%add3A_50, %dma_wait3A_51] : memref<250x80xi32, #tpu.memory_space<vmem>> -> memref<1x80xi32, #tpu.memory_space<vmem>>
        %dma_wait3A_53 = tpu.memref_squeeze %dma_wait3A_52 : memref<1x80xi32, #tpu.memory_space<vmem>> -> memref<80xi32, #tpu.memory_space<vmem>>
        %dma_wait3A_54 = arith.constant 0 : i32
        %dma_wait3A_55 = arith.constant 0 : i32
        %dma_wait3A_56 = tpu.memref_slice %arg2[%dma_wait3A_54, %dma_wait3A_55] : memref<10240x64xf32, #tpu.memory_space<hbm>> -> memref<10240x64xf32, #tpu.memory_space<hbm>>
        tpu.wait_indirect_dma semaphore(%arg14 : memref<!tpu.dma_semaphore, #tpu.memory_space<semaphore_mem>>) src(%dma_wait3A_56 : memref<10240x64xf32, #tpu.memory_space<hbm>>) dst(%arg11 : memref<80x64xf32, #tpu.memory_space<vmem>>)
        %add3A_57 = arith.constant 1 : i32
        %add3A_58 = arith.addi %add3A_29, %add3A_57 : i32
        "tpu.region"() ({
          %run_scoped3A = tpu.sem_alloc : memref<!tpu.dma_semaphore, #tpu.memory_space<semaphore_mem>>
          %dma_start3A_59 = arith.constant 0 : i32
          %dma_start3A_60 = tpu.memref_slice %arg9[%add3A_58, %dma_start3A_59] : memref<250x80xi32, #tpu.memory_space<vmem>> -> memref<1x80xi32, #tpu.memory_space<vmem>>
          %dma_start3A_61 = tpu.memref_squeeze %dma_start3A_60 : memref<1x80xi32, #tpu.memory_space<vmem>> -> memref<80xi32, #tpu.memory_space<vmem>>
          %dma_start3A_62 = arith.constant 0 : i32
          %dma_start3A_63 = arith.constant 0 : i32
          %dma_start3A_64 = tpu.memref_slice %arg12[%dma_start3A_62, %dma_start3A_63] : memref<10240x64xf32, #tpu.memory_space<vmem_shared>> -> memref<10240x64xf32, #tpu.memory_space<vmem_shared>>
          tpu.enqueue_indirect_dma source(%arg11 : memref<80x64xf32, #tpu.memory_space<vmem>>) target(%dma_start3A_64 : memref<10240x64xf32, #tpu.memory_space<vmem_shared>>) offsets(%dma_start3A_61 : memref<80xi32, #tpu.memory_space<vmem>>) semaphore(%run_scoped3A : memref<!tpu.dma_semaphore, #tpu.memory_space<semaphore_mem>>) {add = true}
          %dma_wait3A_65 = arith.constant 0 : i32
          %dma_wait3A_66 = tpu.memref_slice %arg9[%add3A_58, %dma_wait3A_65] : memref<250x80xi32, #tpu.memory_space<vmem>> -> memref<1x80xi32, #tpu.memory_space<vmem>>
          %dma_wait3A_67 = tpu.memref_squeeze %dma_wait3A_66 : memref<1x80xi32, #tpu.memory_space<vmem>> -> memref<80xi32, #tpu.memory_space<vmem>>
          %dma_wait3A_68 = arith.constant 0 : i32
          %dma_wait3A_69 = arith.constant 0 : i32
          %dma_wait3A_70 = tpu.memref_slice %arg12[%dma_wait3A_68, %dma_wait3A_69] : memref<10240x64xf32, #tpu.memory_space<vmem_shared>> -> memref<10240x64xf32, #tpu.memory_space<vmem_shared>>
          tpu.wait_indirect_dma semaphore(%run_scoped3A : memref<!tpu.dma_semaphore, #tpu.memory_space<semaphore_mem>>) src(%arg11 : memref<80x64xf32, #tpu.memory_space<vmem>>) dst(%dma_wait3A_70 : memref<10240x64xf32, #tpu.memory_space<vmem_shared>>)
          tpu.yield
        }) : () -> ()
      }
      %scan3A_24 = arith.constant 125 : i32
    } else {
    }
    %eq3A_3 = arith.constant 1 : i32
    %eq3A_4 = arith.cmpi eq, %arg0, %eq3A_3 : i32
    %convert_element_type3A_5 = arith.extui %eq3A_4 : i1 to i32
    %cond3A_6 = arith.constant 0 : i32
    %cond3A_7 = arith.cmpi ne, %convert_element_type3A_5, %cond3A_6 : i32
    scf.if %cond3A_7 {
      %dma_start3A = arith.constant 0 : i32
      %dma_start3A_15 = arith.constant 0 : i32
      %dma_start3A_16 = tpu.memref_slice %arg8[%dma_start3A, %dma_start3A_15] : memref<250x80xi32, #tpu.memory_space<vmem>> -> memref<1x80xi32, #tpu.memory_space<vmem>>
      %dma_start3A_17 = tpu.memref_squeeze %dma_start3A_16 : memref<1x80xi32, #tpu.memory_space<vmem>> -> memref<80xi32, #tpu.memory_space<vmem>>
      %dma_start3A_18 = arith.constant 0 : i32
      %dma_start3A_19 = arith.constant 0 : i32
      %dma_start3A_20 = tpu.memref_slice %arg3[%dma_start3A_18, %dma_start3A_19] : memref<10240x64xf32, #tpu.memory_space<hbm>> -> memref<10240x64xf32, #tpu.memory_space<hbm>>
      tpu.enqueue_indirect_dma source(%dma_start3A_20 : memref<10240x64xf32, #tpu.memory_space<hbm>>) target(%arg10 : memref<80x64xf32, #tpu.memory_space<vmem>>) offsets(%dma_start3A_17 : memref<80xi32, #tpu.memory_space<vmem>>) semaphore(%arg13 : memref<!tpu.dma_semaphore, #tpu.memory_space<semaphore_mem>>)
      %scan3A = arith.constant 0 : i32
      %scan3A_21 = arith.constant 125 : i32
      %scan3A_22 = arith.addi %scan3A, %scan3A_21 : i32
      %scan3A_23 = arith.constant 1 : i32
      scf.for %scan3A_25 = %scan3A to %scan3A_22 step %scan3A_23  : i32 {
        %mul3A_26 = arith.constant 2 : i32
        %mul3A_27 = arith.muli %scan3A_25, %mul3A_26 : i32
        %add3A_28 = arith.constant 0 : i32
        %add3A_29 = arith.addi %add3A_28, %mul3A_27 : i32
        %add3A_30 = arith.constant 1 : i32
        %add3A_31 = arith.addi %add3A_29, %add3A_30 : i32
        %dma_start3A_32 = arith.constant 0 : i32
        %dma_start3A_33 = tpu.memref_slice %arg8[%add3A_31, %dma_start3A_32] : memref<250x80xi32, #tpu.memory_space<vmem>> -> memref<1x80xi32, #tpu.memory_space<vmem>>
        %dma_start3A_34 = tpu.memref_squeeze %dma_start3A_33 : memref<1x80xi32, #tpu.memory_space<vmem>> -> memref<80xi32, #tpu.memory_space<vmem>>
        %dma_start3A_35 = arith.constant 0 : i32
        %dma_start3A_36 = arith.constant 0 : i32
        %dma_start3A_37 = tpu.memref_slice %arg3[%dma_start3A_35, %dma_start3A_36] : memref<10240x64xf32, #tpu.memory_space<hbm>> -> memref<10240x64xf32, #tpu.memory_space<hbm>>
        tpu.enqueue_indirect_dma source(%dma_start3A_37 : memref<10240x64xf32, #tpu.memory_space<hbm>>) target(%arg11 : memref<80x64xf32, #tpu.memory_space<vmem>>) offsets(%dma_start3A_34 : memref<80xi32, #tpu.memory_space<vmem>>) semaphore(%arg14 : memref<!tpu.dma_semaphore, #tpu.memory_space<semaphore_mem>>)
        %dma_wait3A = arith.constant 0 : i32
        %dma_wait3A_38 = tpu.memref_slice %arg8[%add3A_29, %dma_wait3A] : memref<250x80xi32, #tpu.memory_space<vmem>> -> memref<1x80xi32, #tpu.memory_space<vmem>>
        %dma_wait3A_39 = tpu.memref_squeeze %dma_wait3A_38 : memref<1x80xi32, #tpu.memory_space<vmem>> -> memref<80xi32, #tpu.memory_space<vmem>>
        %dma_wait3A_40 = arith.constant 0 : i32
        %dma_wait3A_41 = arith.constant 0 : i32
        %dma_wait3A_42 = tpu.memref_slice %arg3[%dma_wait3A_40, %dma_wait3A_41] : memref<10240x64xf32, #tpu.memory_space<hbm>> -> memref<10240x64xf32, #tpu.memory_space<hbm>>
        tpu.wait_indirect_dma semaphore(%arg13 : memref<!tpu.dma_semaphore, #tpu.memory_space<semaphore_mem>>) src(%dma_wait3A_42 : memref<10240x64xf32, #tpu.memory_space<hbm>>) dst(%arg10 : memref<80x64xf32, #tpu.memory_space<vmem>>)
        "tpu.region"() ({
          %run_scoped3A = tpu.sem_alloc : memref<!tpu.dma_semaphore, #tpu.memory_space<semaphore_mem>>
          %dma_start3A_59 = arith.constant 0 : i32
          %dma_start3A_60 = tpu.memref_slice %arg9[%add3A_29, %dma_start3A_59] : memref<250x80xi32, #tpu.memory_space<vmem>> -> memref<1x80xi32, #tpu.memory_space<vmem>>
          %dma_start3A_61 = tpu.memref_squeeze %dma_start3A_60 : memref<1x80xi32, #tpu.memory_space<vmem>> -> memref<80xi32, #tpu.memory_space<vmem>>
          %dma_start3A_62 = arith.constant 0 : i32
          %dma_start3A_63 = arith.constant 0 : i32
          %dma_start3A_64 = tpu.memref_slice %arg12[%dma_start3A_62, %dma_start3A_63] : memref<10240x64xf32, #tpu.memory_space<vmem_shared>> -> memref<10240x64xf32, #tpu.memory_space<vmem_shared>>
          tpu.enqueue_indirect_dma source(%arg10 : memref<80x64xf32, #tpu.memory_space<vmem>>) target(%dma_start3A_64 : memref<10240x64xf32, #tpu.memory_space<vmem_shared>>) offsets(%dma_start3A_61 : memref<80xi32, #tpu.memory_space<vmem>>) semaphore(%run_scoped3A : memref<!tpu.dma_semaphore, #tpu.memory_space<semaphore_mem>>) {add = true}
          %dma_wait3A_65 = arith.constant 0 : i32
          %dma_wait3A_66 = tpu.memref_slice %arg9[%add3A_29, %dma_wait3A_65] : memref<250x80xi32, #tpu.memory_space<vmem>> -> memref<1x80xi32, #tpu.memory_space<vmem>>
          %dma_wait3A_67 = tpu.memref_squeeze %dma_wait3A_66 : memref<1x80xi32, #tpu.memory_space<vmem>> -> memref<80xi32, #tpu.memory_space<vmem>>
          %dma_wait3A_68 = arith.constant 0 : i32
          %dma_wait3A_69 = arith.constant 0 : i32
          %dma_wait3A_70 = tpu.memref_slice %arg12[%dma_wait3A_68, %dma_wait3A_69] : memref<10240x64xf32, #tpu.memory_space<vmem_shared>> -> memref<10240x64xf32, #tpu.memory_space<vmem_shared>>
          tpu.wait_indirect_dma semaphore(%run_scoped3A : memref<!tpu.dma_semaphore, #tpu.memory_space<semaphore_mem>>) src(%arg10 : memref<80x64xf32, #tpu.memory_space<vmem>>) dst(%dma_wait3A_70 : memref<10240x64xf32, #tpu.memory_space<vmem_shared>>)
          tpu.yield
        }) : () -> ()
        %add3A_43 = arith.constant 2 : i32
        %add3A_44 = arith.addi %add3A_29, %add3A_43 : i32
        %lt3A = arith.constant 250 : i32
        %lt3A_45 = arith.cmpi slt, %add3A_44, %lt3A : i32
        %convert_element_type3A_46 = arith.extui %lt3A_45 : i1 to i32
        %cond3A_47 = arith.constant 0 : i32
        %cond3A_48 = arith.cmpi ne, %convert_element_type3A_46, %cond3A_47 : i32
        scf.if %cond3A_48 {
          %add3A_59 = arith.constant 2 : i32
          %add3A_60 = arith.addi %add3A_29, %add3A_59 : i32
          %dma_start3A_61 = arith.constant 0 : i32
          %dma_start3A_62 = tpu.memref_slice %arg8[%add3A_60, %dma_start3A_61] : memref<250x80xi32, #tpu.memory_space<vmem>> -> memref<1x80xi32, #tpu.memory_space<vmem>>
          %dma_start3A_63 = tpu.memref_squeeze %dma_start3A_62 : memref<1x80xi32, #tpu.memory_space<vmem>> -> memref<80xi32, #tpu.memory_space<vmem>>
          %dma_start3A_64 = arith.constant 0 : i32
          %dma_start3A_65 = arith.constant 0 : i32
          %dma_start3A_66 = tpu.memref_slice %arg3[%dma_start3A_64, %dma_start3A_65] : memref<10240x64xf32, #tpu.memory_space<hbm>> -> memref<10240x64xf32, #tpu.memory_space<hbm>>
          tpu.enqueue_indirect_dma source(%dma_start3A_66 : memref<10240x64xf32, #tpu.memory_space<hbm>>) target(%arg10 : memref<80x64xf32, #tpu.memory_space<vmem>>) offsets(%dma_start3A_63 : memref<80xi32, #tpu.memory_space<vmem>>) semaphore(%arg13 : memref<!tpu.dma_semaphore, #tpu.memory_space<semaphore_mem>>)
        } else {
        }
        %add3A_49 = arith.constant 1 : i32
        %add3A_50 = arith.addi %add3A_29, %add3A_49 : i32
        %dma_wait3A_51 = arith.constant 0 : i32
        %dma_wait3A_52 = tpu.memref_slice %arg8[%add3A_50, %dma_wait3A_51] : memref<250x80xi32, #tpu.memory_space<vmem>> -> memref<1x80xi32, #tpu.memory_space<vmem>>
        %dma_wait3A_53 = tpu.memref_squeeze %dma_wait3A_52 : memref<1x80xi32, #tpu.memory_space<vmem>> -> memref<80xi32, #tpu.memory_space<vmem>>
        %dma_wait3A_54 = arith.constant 0 : i32
        %dma_wait3A_55 = arith.constant 0 : i32
        %dma_wait3A_56 = tpu.memref_slice %arg3[%dma_wait3A_54, %dma_wait3A_55] : memref<10240x64xf32, #tpu.memory_space<hbm>> -> memref<10240x64xf32, #tpu.memory_space<hbm>>
        tpu.wait_indirect_dma semaphore(%arg14 : memref<!tpu.dma_semaphore, #tpu.memory_space<semaphore_mem>>) src(%dma_wait3A_56 : memref<10240x64xf32, #tpu.memory_space<hbm>>) dst(%arg11 : memref<80x64xf32, #tpu.memory_space<vmem>>)
        %add3A_57 = arith.constant 1 : i32
        %add3A_58 = arith.addi %add3A_29, %add3A_57 : i32
        "tpu.region"() ({
          %run_scoped3A = tpu.sem_alloc : memref<!tpu.dma_semaphore, #tpu.memory_space<semaphore_mem>>
          %dma_start3A_59 = arith.constant 0 : i32
          %dma_start3A_60 = tpu.memref_slice %arg9[%add3A_58, %dma_start3A_59] : memref<250x80xi32, #tpu.memory_space<vmem>> -> memref<1x80xi32, #tpu.memory_space<vmem>>
          %dma_start3A_61 = tpu.memref_squeeze %dma_start3A_60 : memref<1x80xi32, #tpu.memory_space<vmem>> -> memref<80xi32, #tpu.memory_space<vmem>>
          %dma_start3A_62 = arith.constant 0 : i32
          %dma_start3A_63 = arith.constant 0 : i32
          %dma_start3A_64 = tpu.memref_slice %arg12[%dma_start3A_62, %dma_start3A_63] : memref<10240x64xf32, #tpu.memory_space<vmem_shared>> -> memref<10240x64xf32, #tpu.memory_space<vmem_shared>>
          tpu.enqueue_indirect_dma source(%arg11 : memref<80x64xf32, #tpu.memory_space<vmem>>) target(%dma_start3A_64 : memref<10240x64xf32, #tpu.memory_space<vmem_shared>>) offsets(%dma_start3A_61 : memref<80xi32, #tpu.memory_space<vmem>>) semaphore(%run_scoped3A : memref<!tpu.dma_semaphore, #tpu.memory_space<semaphore_mem>>) {add = true}
          %dma_wait3A_65 = arith.constant 0 : i32
          %dma_wait3A_66 = tpu.memref_slice %arg9[%add3A_58, %dma_wait3A_65] : memref<250x80xi32, #tpu.memory_space<vmem>> -> memref<1x80xi32, #tpu.memory_space<vmem>>
          %dma_wait3A_67 = tpu.memref_squeeze %dma_wait3A_66 : memref<1x80xi32, #tpu.memory_space<vmem>> -> memref<80xi32, #tpu.memory_space<vmem>>
          %dma_wait3A_68 = arith.constant 0 : i32
          %dma_wait3A_69 = arith.constant 0 : i32
          %dma_wait3A_70 = tpu.memref_slice %arg12[%dma_wait3A_68, %dma_wait3A_69] : memref<10240x64xf32, #tpu.memory_space<vmem_shared>> -> memref<10240x64xf32, #tpu.memory_space<vmem_shared>>
          tpu.wait_indirect_dma semaphore(%run_scoped3A : memref<!tpu.dma_semaphore, #tpu.memory_space<semaphore_mem>>) src(%arg11 : memref<80x64xf32, #tpu.memory_space<vmem>>) dst(%dma_wait3A_70 : memref<10240x64xf32, #tpu.memory_space<vmem_shared>>)
          tpu.yield
        }) : () -> ()
      }
      %scan3A_24 = arith.constant 125 : i32
    } else {
    }
    %barrier3A_8 = arith.constant 0 : index
    tpu.barrier barrier_id(%barrier3A_8)
    %mul3A_9 = arith.constant 640 : i32
    %mul3A_10 = arith.muli %arg1, %mul3A_9 : i32
    %mul3A_11 = arith.constant 10240 : i32
    %mul3A_12 = arith.muli %arg0, %mul3A_11 : i32
    %mul3A_13 = arith.constant 640 : i32
    %mul3A_14 = arith.muli %arg1, %mul3A_13 : i32
    %add3A = arith.addi %mul3A_12, %mul3A_14 : i32
    "tpu.region"() ({
      %run_scoped3A = tpu.sem_alloc : memref<!tpu.dma_semaphore, #tpu.memory_space<semaphore_mem>>
      %dma_start3A = arith.constant 0 : i32
      %dma_start3A_15 = tpu.memref_slice %arg7[%add3A, %dma_start3A] : memref<20480x64xf32, #tpu.memory_space<hbm>> -> memref<640x64xf32, #tpu.memory_space<hbm>>
      %dma_start3A_16 = arith.constant 0 : i32
      %dma_start3A_17 = tpu.memref_slice %arg12[%mul3A_10, %dma_start3A_16] : memref<10240x64xf32, #tpu.memory_space<vmem_shared>> -> memref<640x64xf32, #tpu.memory_space<vmem_shared>>
      tpu.enqueue_dma source(%dma_start3A_17 : memref<640x64xf32, #tpu.memory_space<vmem_shared>>) target(%dma_start3A_15 : memref<640x64xf32, #tpu.memory_space<hbm>>) target_semaphore(%run_scoped3A : memref<!tpu.dma_semaphore, #tpu.memory_space<semaphore_mem>>)
      %dma_wait3A = arith.constant 0 : i32
      %dma_wait3A_18 = tpu.memref_slice %arg7[%add3A, %dma_wait3A] : memref<20480x64xf32, #tpu.memory_space<hbm>> -> memref<640x64xf32, #tpu.memory_space<hbm>>
      %dma_wait3A_19 = arith.constant 0 : i32
      %dma_wait3A_20 = tpu.memref_slice %arg12[%mul3A_10, %dma_wait3A_19] : memref<10240x64xf32, #tpu.memory_space<vmem_shared>> -> memref<640x64xf32, #tpu.memory_space<vmem_shared>>
      tpu.wait_dma2 semaphore(%run_scoped3A : memref<!tpu.dma_semaphore, #tpu.memory_space<semaphore_mem>>) src(%dma_wait3A_20 : memref<640x64xf32, #tpu.memory_space<vmem_shared>>) dst(%dma_wait3A_18 : memref<640x64xf32, #tpu.memory_space<hbm>>)
      tpu.yield
    }) : () -> ()
    return
  }
}

#map = affine_map<(d0, d1) -> (0, 0)>
#map1 = affine_map<(d0, d1) -> (0, 0, 0)>
module attributes {stable_mosaic.version = 14 : i64} {
  func.func @_sc_scatter_body(%arg0: i32, %arg1: i32, %arg2: memref<10240x64xf32, #tpu.memory_space<hbm>>, %arg3: memref<10240x64xf32, #tpu.memory_space<hbm>>, %arg4: memref<16x250x80xi32, #tpu.memory_space<hbm>>, %arg5: memref<16x250x80xi32, #tpu.memory_space<hbm>>, %arg6: memref<640x64xf32, #tpu.memory_space<hbm>>, %arg7: memref<20480x64xf32, #tpu.memory_space<hbm>>, %arg8: memref<250x80xi32, #tpu.memory_space<vmem>>, %arg9: memref<250x80xi32, #tpu.memory_space<vmem>>, %arg10: memref<80x64xf32, #tpu.memory_space<vmem>>, %arg11: memref<80x64xf32, #tpu.memory_space<vmem>>, %arg12: memref<10240x64xf32, #tpu.memory_space<vmem_shared>>, %arg13: memref<!tpu.dma_semaphore, #tpu.memory_space<semaphore_mem>>, %arg14: memref<!tpu.dma_semaphore, #tpu.memory_space<semaphore_mem>>) attributes {dimension_semantics = [#tpu.dimension_semantics<core_parallel>, #tpu.dimension_semantics<subcore_parallel>], iteration_bounds = array<i64: 2, 16>, scalar_prefetch = 0 : i64, scratch_operands = 7 : i64, tpu.core_type = #tpu.core_type<sc_vector_subcore>, window_params = [{transform_indices = #map}, {transform_indices = #map}, {transform_indices = #map1}, {transform_indices = #map1}, {transform_indices = #map}, {transform_indices = #map}]} {
    %mul3A = arith.constant 640 : i32
    %mul3A_0 = arith.muli %arg1, %mul3A : i32
    "tpu.region"() ({
      %run_scoped3A = tpu.sem_alloc : memref<!tpu.dma_semaphore, #tpu.memory_space<semaphore_mem>>
      %dma_start3A = arith.constant 0 : i32
      %dma_start3A_15 = tpu.memref_slice %arg12[%mul3A_0, %dma_start3A] : memref<10240x64xf32, #tpu.memory_space<vmem_shared>> -> memref<640x64xf32, #tpu.memory_space<vmem_shared>>
      tpu.enqueue_dma source(%arg6 : memref<640x64xf32, #tpu.memory_space<hbm>>) target(%dma_start3A_15 : memref<640x64xf32, #tpu.memory_space<vmem_shared>>) target_semaphore(%run_scoped3A : memref<!tpu.dma_semaphore, #tpu.memory_space<semaphore_mem>>)
      %dma_wait3A = arith.constant 0 : i32
      %dma_wait3A_16 = tpu.memref_slice %arg12[%mul3A_0, %dma_wait3A] : memref<10240x64xf32, #tpu.memory_space<vmem_shared>> -> memref<640x64xf32, #tpu.memory_space<vmem_shared>>
      tpu.wait_dma2 semaphore(%run_scoped3A : memref<!tpu.dma_semaphore, #tpu.memory_space<semaphore_mem>>) src(%arg6 : memref<640x64xf32, #tpu.memory_space<hbm>>) dst(%dma_wait3A_16 : memref<640x64xf32, #tpu.memory_space<vmem_shared>>)
      tpu.yield
    }) : () -> ()
    "tpu.region"() ({
      %run_scoped3A = tpu.sem_alloc : memref<!tpu.dma_semaphore, #tpu.memory_space<semaphore_mem>>
      %dma_start3A = arith.constant 0 : i32
      %dma_start3A_15 = arith.constant 0 : i32
      %dma_start3A_16 = tpu.memref_slice %arg4[%arg1, %dma_start3A, %dma_start3A_15] : memref<16x250x80xi32, #tpu.memory_space<hbm>> -> memref<1x250x80xi32, #tpu.memory_space<hbm>>
      %dma_start3A_17 = tpu.memref_squeeze %dma_start3A_16 : memref<1x250x80xi32, #tpu.memory_space<hbm>> -> memref<250x80xi32, #tpu.memory_space<hbm>>
      %dma_start3A_18 = arith.constant 0 : i32
      %dma_start3A_19 = arith.constant 0 : i32
      %dma_start3A_20 = tpu.memref_slice %arg4[%arg1, %dma_start3A_18, %dma_start3A_19] : memref<16x250x80xi32, #tpu.memory_space<hbm>> -> memref<1x250x80xi32, #tpu.memory_space<hbm>>
      %dma_start3A_21 = tpu.memref_squeeze %dma_start3A_20 : memref<1x250x80xi32, #tpu.memory_space<hbm>> -> memref<250x80xi32, #tpu.memory_space<hbm>>
      tpu.enqueue_dma source(%dma_start3A_21 : memref<250x80xi32, #tpu.memory_space<hbm>>) target(%arg8 : memref<250x80xi32, #tpu.memory_space<vmem>>) target_semaphore(%run_scoped3A : memref<!tpu.dma_semaphore, #tpu.memory_space<semaphore_mem>>)
      %dma_wait3A = arith.constant 0 : i32
      %dma_wait3A_22 = arith.constant 0 : i32
      %dma_wait3A_23 = tpu.memref_slice %arg4[%arg1, %dma_wait3A, %dma_wait3A_22] : memref<16x250x80xi32, #tpu.memory_space<hbm>> -> memref<1x250x80xi32, #tpu.memory_space<hbm>>
      %dma_wait3A_24 = tpu.memref_squeeze %dma_wait3A_23 : memref<1x250x80xi32, #tpu.memory_space<hbm>> -> memref<250x80xi32, #tpu.memory_space<hbm>>
      %dma_wait3A_25 = arith.constant 0 : i32
      %dma_wait3A_26 = arith.constant 0 : i32
      %dma_wait3A_27 = tpu.memref_slice %arg4[%arg1, %dma_wait3A_25, %dma_wait3A_26] : memref<16x250x80xi32, #tpu.memory_space<hbm>> -> memref<1x250x80xi32, #tpu.memory_space<hbm>>
      %dma_wait3A_28 = tpu.memref_squeeze %dma_wait3A_27 : memref<1x250x80xi32, #tpu.memory_space<hbm>> -> memref<250x80xi32, #tpu.memory_space<hbm>>
      tpu.wait_dma2 semaphore(%run_scoped3A : memref<!tpu.dma_semaphore, #tpu.memory_space<semaphore_mem>>) src(%dma_wait3A_28 : memref<250x80xi32, #tpu.memory_space<hbm>>) dst(%arg8 : memref<250x80xi32, #tpu.memory_space<vmem>>)
      tpu.yield
    }) : () -> ()
    "tpu.region"() ({
      %run_scoped3A = tpu.sem_alloc : memref<!tpu.dma_semaphore, #tpu.memory_space<semaphore_mem>>
      %dma_start3A = arith.constant 0 : i32
      %dma_start3A_15 = arith.constant 0 : i32
      %dma_start3A_16 = tpu.memref_slice %arg5[%arg1, %dma_start3A, %dma_start3A_15] : memref<16x250x80xi32, #tpu.memory_space<hbm>> -> memref<1x250x80xi32, #tpu.memory_space<hbm>>
      %dma_start3A_17 = tpu.memref_squeeze %dma_start3A_16 : memref<1x250x80xi32, #tpu.memory_space<hbm>> -> memref<250x80xi32, #tpu.memory_space<hbm>>
      %dma_start3A_18 = arith.constant 0 : i32
      %dma_start3A_19 = arith.constant 0 : i32
      %dma_start3A_20 = tpu.memref_slice %arg5[%arg1, %dma_start3A_18, %dma_start3A_19] : memref<16x250x80xi32, #tpu.memory_space<hbm>> -> memref<1x250x80xi32, #tpu.memory_space<hbm>>
      %dma_start3A_21 = tpu.memref_squeeze %dma_start3A_20 : memref<1x250x80xi32, #tpu.memory_space<hbm>> -> memref<250x80xi32, #tpu.memory_space<hbm>>
      tpu.enqueue_dma source(%dma_start3A_21 : memref<250x80xi32, #tpu.memory_space<hbm>>) target(%arg9 : memref<250x80xi32, #tpu.memory_space<vmem>>) target_semaphore(%run_scoped3A : memref<!tpu.dma_semaphore, #tpu.memory_space<semaphore_mem>>)
      %dma_wait3A = arith.constant 0 : i32
      %dma_wait3A_22 = arith.constant 0 : i32
      %dma_wait3A_23 = tpu.memref_slice %arg5[%arg1, %dma_wait3A, %dma_wait3A_22] : memref<16x250x80xi32, #tpu.memory_space<hbm>> -> memref<1x250x80xi32, #tpu.memory_space<hbm>>
      %dma_wait3A_24 = tpu.memref_squeeze %dma_wait3A_23 : memref<1x250x80xi32, #tpu.memory_space<hbm>> -> memref<250x80xi32, #tpu.memory_space<hbm>>
      %dma_wait3A_25 = arith.constant 0 : i32
      %dma_wait3A_26 = arith.constant 0 : i32
      %dma_wait3A_27 = tpu.memref_slice %arg5[%arg1, %dma_wait3A_25, %dma_wait3A_26] : memref<16x250x80xi32, #tpu.memory_space<hbm>> -> memref<1x250x80xi32, #tpu.memory_space<hbm>>
      %dma_wait3A_28 = tpu.memref_squeeze %dma_wait3A_27 : memref<1x250x80xi32, #tpu.memory_space<hbm>> -> memref<250x80xi32, #tpu.memory_space<hbm>>
      tpu.wait_dma2 semaphore(%run_scoped3A : memref<!tpu.dma_semaphore, #tpu.memory_space<semaphore_mem>>) src(%dma_wait3A_28 : memref<250x80xi32, #tpu.memory_space<hbm>>) dst(%arg9 : memref<250x80xi32, #tpu.memory_space<vmem>>)
      tpu.yield
    }) : () -> ()
    %barrier3A = arith.constant 0 : index
    tpu.barrier barrier_id(%barrier3A)
    %eq3A = arith.constant 0 : i32
    %eq3A_1 = arith.cmpi eq, %arg0, %eq3A : i32
    %convert_element_type3A = arith.extui %eq3A_1 : i1 to i32
    %cond3A = arith.constant 0 : i32
    %cond3A_2 = arith.cmpi ne, %convert_element_type3A, %cond3A : i32
    scf.if %cond3A_2 {
      %dma_start3A = arith.constant 0 : i32
      %dma_start3A_15 = arith.constant 0 : i32
      %dma_start3A_16 = tpu.memref_slice %arg8[%dma_start3A, %dma_start3A_15] : memref<250x80xi32, #tpu.memory_space<vmem>> -> memref<1x80xi32, #tpu.memory_space<vmem>>
      %dma_start3A_17 = tpu.memref_squeeze %dma_start3A_16 : memref<1x80xi32, #tpu.memory_space<vmem>> -> memref<80xi32, #tpu.memory_space<vmem>>
      %dma_start3A_18 = arith.constant 0 : i32
      %dma_start3A_19 = arith.constant 0 : i32
      %dma_start3A_20 = tpu.memref_slice %arg2[%dma_start3A_18, %dma_start3A_19] : memref<10240x64xf32, #tpu.memory_space<hbm>> -> memref<10240x64xf32, #tpu.memory_space<hbm>>
      tpu.enqueue_indirect_dma source(%dma_start3A_20 : memref<10240x64xf32, #tpu.memory_space<hbm>>) target(%arg10 : memref<80x64xf32, #tpu.memory_space<vmem>>) offsets(%dma_start3A_17 : memref<80xi32, #tpu.memory_space<vmem>>) semaphore(%arg13 : memref<!tpu.dma_semaphore, #tpu.memory_space<semaphore_mem>>)
      %scan3A = arith.constant 0 : i32
      %scan3A_21 = arith.constant 125 : i32
      %scan3A_22 = arith.addi %scan3A, %scan3A_21 : i32
      %scan3A_23 = arith.constant 1 : i32
      scf.for %scan3A_25 = %scan3A to %scan3A_22 step %scan3A_23  : i32 {
        %mul3A_26 = arith.constant 2 : i32
        %mul3A_27 = arith.muli %scan3A_25, %mul3A_26 : i32
        %add3A_28 = arith.constant 0 : i32
        %add3A_29 = arith.addi %add3A_28, %mul3A_27 : i32
        %add3A_30 = arith.constant 1 : i32
        %add3A_31 = arith.addi %add3A_29, %add3A_30 : i32
        %dma_start3A_32 = arith.constant 0 : i32
        %dma_start3A_33 = tpu.memref_slice %arg8[%add3A_31, %dma_start3A_32] : memref<250x80xi32, #tpu.memory_space<vmem>> -> memref<1x80xi32, #tpu.memory_space<vmem>>
        %dma_start3A_34 = tpu.memref_squeeze %dma_start3A_33 : memref<1x80xi32, #tpu.memory_space<vmem>> -> memref<80xi32, #tpu.memory_space<vmem>>
        %dma_start3A_35 = arith.constant 0 : i32
        %dma_start3A_36 = arith.constant 0 : i32
        %dma_start3A_37 = tpu.memref_slice %arg2[%dma_start3A_35, %dma_start3A_36] : memref<10240x64xf32, #tpu.memory_space<hbm>> -> memref<10240x64xf32, #tpu.memory_space<hbm>>
        tpu.enqueue_indirect_dma source(%dma_start3A_37 : memref<10240x64xf32, #tpu.memory_space<hbm>>) target(%arg11 : memref<80x64xf32, #tpu.memory_space<vmem>>) offsets(%dma_start3A_34 : memref<80xi32, #tpu.memory_space<vmem>>) semaphore(%arg14 : memref<!tpu.dma_semaphore, #tpu.memory_space<semaphore_mem>>)
        %dma_wait3A = arith.constant 0 : i32
        %dma_wait3A_38 = tpu.memref_slice %arg8[%add3A_29, %dma_wait3A] : memref<250x80xi32, #tpu.memory_space<vmem>> -> memref<1x80xi32, #tpu.memory_space<vmem>>
        %dma_wait3A_39 = tpu.memref_squeeze %dma_wait3A_38 : memref<1x80xi32, #tpu.memory_space<vmem>> -> memref<80xi32, #tpu.memory_space<vmem>>
        %dma_wait3A_40 = arith.constant 0 : i32
        %dma_wait3A_41 = arith.constant 0 : i32
        %dma_wait3A_42 = tpu.memref_slice %arg2[%dma_wait3A_40, %dma_wait3A_41] : memref<10240x64xf32, #tpu.memory_space<hbm>> -> memref<10240x64xf32, #tpu.memory_space<hbm>>
        tpu.wait_indirect_dma semaphore(%arg13 : memref<!tpu.dma_semaphore, #tpu.memory_space<semaphore_mem>>) src(%dma_wait3A_42 : memref<10240x64xf32, #tpu.memory_space<hbm>>) dst(%arg10 : memref<80x64xf32, #tpu.memory_space<vmem>>)
        "tpu.region"() ({
          %run_scoped3A = tpu.sem_alloc : memref<!tpu.dma_semaphore, #tpu.memory_space<semaphore_mem>>
          %dma_start3A_59 = arith.constant 0 : i32
          %dma_start3A_60 = tpu.memref_slice %arg9[%add3A_29, %dma_start3A_59] : memref<250x80xi32, #tpu.memory_space<vmem>> -> memref<1x80xi32, #tpu.memory_space<vmem>>
          %dma_start3A_61 = tpu.memref_squeeze %dma_start3A_60 : memref<1x80xi32, #tpu.memory_space<vmem>> -> memref<80xi32, #tpu.memory_space<vmem>>
          %dma_start3A_62 = arith.constant 0 : i32
          %dma_start3A_63 = arith.constant 0 : i32
          %dma_start3A_64 = tpu.memref_slice %arg12[%dma_start3A_62, %dma_start3A_63] : memref<10240x64xf32, #tpu.memory_space<vmem_shared>> -> memref<10240x64xf32, #tpu.memory_space<vmem_shared>>
          tpu.enqueue_indirect_dma source(%arg10 : memref<80x64xf32, #tpu.memory_space<vmem>>) target(%dma_start3A_64 : memref<10240x64xf32, #tpu.memory_space<vmem_shared>>) offsets(%dma_start3A_61 : memref<80xi32, #tpu.memory_space<vmem>>) semaphore(%run_scoped3A : memref<!tpu.dma_semaphore, #tpu.memory_space<semaphore_mem>>) {add = true}
          %dma_wait3A_65 = arith.constant 0 : i32
          %dma_wait3A_66 = tpu.memref_slice %arg9[%add3A_29, %dma_wait3A_65] : memref<250x80xi32, #tpu.memory_space<vmem>> -> memref<1x80xi32, #tpu.memory_space<vmem>>
          %dma_wait3A_67 = tpu.memref_squeeze %dma_wait3A_66 : memref<1x80xi32, #tpu.memory_space<vmem>> -> memref<80xi32, #tpu.memory_space<vmem>>
          %dma_wait3A_68 = arith.constant 0 : i32
          %dma_wait3A_69 = arith.constant 0 : i32
          %dma_wait3A_70 = tpu.memref_slice %arg12[%dma_wait3A_68, %dma_wait3A_69] : memref<10240x64xf32, #tpu.memory_space<vmem_shared>> -> memref<10240x64xf32, #tpu.memory_space<vmem_shared>>
          tpu.wait_indirect_dma semaphore(%run_scoped3A : memref<!tpu.dma_semaphore, #tpu.memory_space<semaphore_mem>>) src(%arg10 : memref<80x64xf32, #tpu.memory_space<vmem>>) dst(%dma_wait3A_70 : memref<10240x64xf32, #tpu.memory_space<vmem_shared>>)
          tpu.yield
        }) : () -> ()
        %add3A_43 = arith.constant 2 : i32
        %add3A_44 = arith.addi %add3A_29, %add3A_43 : i32
        %lt3A = arith.constant 250 : i32
        %lt3A_45 = arith.cmpi slt, %add3A_44, %lt3A : i32
        %convert_element_type3A_46 = arith.extui %lt3A_45 : i1 to i32
        %cond3A_47 = arith.constant 0 : i32
        %cond3A_48 = arith.cmpi ne, %convert_element_type3A_46, %cond3A_47 : i32
        scf.if %cond3A_48 {
          %add3A_59 = arith.constant 2 : i32
          %add3A_60 = arith.addi %add3A_29, %add3A_59 : i32
          %dma_start3A_61 = arith.constant 0 : i32
          %dma_start3A_62 = tpu.memref_slice %arg8[%add3A_60, %dma_start3A_61] : memref<250x80xi32, #tpu.memory_space<vmem>> -> memref<1x80xi32, #tpu.memory_space<vmem>>
          %dma_start3A_63 = tpu.memref_squeeze %dma_start3A_62 : memref<1x80xi32, #tpu.memory_space<vmem>> -> memref<80xi32, #tpu.memory_space<vmem>>
          %dma_start3A_64 = arith.constant 0 : i32
          %dma_start3A_65 = arith.constant 0 : i32
          %dma_start3A_66 = tpu.memref_slice %arg2[%dma_start3A_64, %dma_start3A_65] : memref<10240x64xf32, #tpu.memory_space<hbm>> -> memref<10240x64xf32, #tpu.memory_space<hbm>>
          tpu.enqueue_indirect_dma source(%dma_start3A_66 : memref<10240x64xf32, #tpu.memory_space<hbm>>) target(%arg10 : memref<80x64xf32, #tpu.memory_space<vmem>>) offsets(%dma_start3A_63 : memref<80xi32, #tpu.memory_space<vmem>>) semaphore(%arg13 : memref<!tpu.dma_semaphore, #tpu.memory_space<semaphore_mem>>)
        } else {
        }
        %add3A_49 = arith.constant 1 : i32
        %add3A_50 = arith.addi %add3A_29, %add3A_49 : i32
        %dma_wait3A_51 = arith.constant 0 : i32
        %dma_wait3A_52 = tpu.memref_slice %arg8[%add3A_50, %dma_wait3A_51] : memref<250x80xi32, #tpu.memory_space<vmem>> -> memref<1x80xi32, #tpu.memory_space<vmem>>
        %dma_wait3A_53 = tpu.memref_squeeze %dma_wait3A_52 : memref<1x80xi32, #tpu.memory_space<vmem>> -> memref<80xi32, #tpu.memory_space<vmem>>
        %dma_wait3A_54 = arith.constant 0 : i32
        %dma_wait3A_55 = arith.constant 0 : i32
        %dma_wait3A_56 = tpu.memref_slice %arg2[%dma_wait3A_54, %dma_wait3A_55] : memref<10240x64xf32, #tpu.memory_space<hbm>> -> memref<10240x64xf32, #tpu.memory_space<hbm>>
        tpu.wait_indirect_dma semaphore(%arg14 : memref<!tpu.dma_semaphore, #tpu.memory_space<semaphore_mem>>) src(%dma_wait3A_56 : memref<10240x64xf32, #tpu.memory_space<hbm>>) dst(%arg11 : memref<80x64xf32, #tpu.memory_space<vmem>>)
        %add3A_57 = arith.constant 1 : i32
        %add3A_58 = arith.addi %add3A_29, %add3A_57 : i32
        "tpu.region"() ({
          %run_scoped3A = tpu.sem_alloc : memref<!tpu.dma_semaphore, #tpu.memory_space<semaphore_mem>>
          %dma_start3A_59 = arith.constant 0 : i32
          %dma_start3A_60 = tpu.memref_slice %arg9[%add3A_58, %dma_start3A_59] : memref<250x80xi32, #tpu.memory_space<vmem>> -> memref<1x80xi32, #tpu.memory_space<vmem>>
          %dma_start3A_61 = tpu.memref_squeeze %dma_start3A_60 : memref<1x80xi32, #tpu.memory_space<vmem>> -> memref<80xi32, #tpu.memory_space<vmem>>
          %dma_start3A_62 = arith.constant 0 : i32
          %dma_start3A_63 = arith.constant 0 : i32
          %dma_start3A_64 = tpu.memref_slice %arg12[%dma_start3A_62, %dma_start3A_63] : memref<10240x64xf32, #tpu.memory_space<vmem_shared>> -> memref<10240x64xf32, #tpu.memory_space<vmem_shared>>
          tpu.enqueue_indirect_dma source(%arg11 : memref<80x64xf32, #tpu.memory_space<vmem>>) target(%dma_start3A_64 : memref<10240x64xf32, #tpu.memory_space<vmem_shared>>) offsets(%dma_start3A_61 : memref<80xi32, #tpu.memory_space<vmem>>) semaphore(%run_scoped3A : memref<!tpu.dma_semaphore, #tpu.memory_space<semaphore_mem>>) {add = true}
          %dma_wait3A_65 = arith.constant 0 : i32
          %dma_wait3A_66 = tpu.memref_slice %arg9[%add3A_58, %dma_wait3A_65] : memref<250x80xi32, #tpu.memory_space<vmem>> -> memref<1x80xi32, #tpu.memory_space<vmem>>
          %dma_wait3A_67 = tpu.memref_squeeze %dma_wait3A_66 : memref<1x80xi32, #tpu.memory_space<vmem>> -> memref<80xi32, #tpu.memory_space<vmem>>
          %dma_wait3A_68 = arith.constant 0 : i32
          %dma_wait3A_69 = arith.constant 0 : i32
          %dma_wait3A_70 = tpu.memref_slice %arg12[%dma_wait3A_68, %dma_wait3A_69] : memref<10240x64xf32, #tpu.memory_space<vmem_shared>> -> memref<10240x64xf32, #tpu.memory_space<vmem_shared>>
          tpu.wait_indirect_dma semaphore(%run_scoped3A : memref<!tpu.dma_semaphore, #tpu.memory_space<semaphore_mem>>) src(%arg11 : memref<80x64xf32, #tpu.memory_space<vmem>>) dst(%dma_wait3A_70 : memref<10240x64xf32, #tpu.memory_space<vmem_shared>>)
          tpu.yield
        }) : () -> ()
      }
      %scan3A_24 = arith.constant 125 : i32
    } else {
    }
    %eq3A_3 = arith.constant 1 : i32
    %eq3A_4 = arith.cmpi eq, %arg0, %eq3A_3 : i32
    %convert_element_type3A_5 = arith.extui %eq3A_4 : i1 to i32
    %cond3A_6 = arith.constant 0 : i32
    %cond3A_7 = arith.cmpi ne, %convert_element_type3A_5, %cond3A_6 : i32
    scf.if %cond3A_7 {
      %dma_start3A = arith.constant 0 : i32
      %dma_start3A_15 = arith.constant 0 : i32
      %dma_start3A_16 = tpu.memref_slice %arg8[%dma_start3A, %dma_start3A_15] : memref<250x80xi32, #tpu.memory_space<vmem>> -> memref<1x80xi32, #tpu.memory_space<vmem>>
      %dma_start3A_17 = tpu.memref_squeeze %dma_start3A_16 : memref<1x80xi32, #tpu.memory_space<vmem>> -> memref<80xi32, #tpu.memory_space<vmem>>
      %dma_start3A_18 = arith.constant 0 : i32
      %dma_start3A_19 = arith.constant 0 : i32
      %dma_start3A_20 = tpu.memref_slice %arg3[%dma_start3A_18, %dma_start3A_19] : memref<10240x64xf32, #tpu.memory_space<hbm>> -> memref<10240x64xf32, #tpu.memory_space<hbm>>
      tpu.enqueue_indirect_dma source(%dma_start3A_20 : memref<10240x64xf32, #tpu.memory_space<hbm>>) target(%arg10 : memref<80x64xf32, #tpu.memory_space<vmem>>) offsets(%dma_start3A_17 : memref<80xi32, #tpu.memory_space<vmem>>) semaphore(%arg13 : memref<!tpu.dma_semaphore, #tpu.memory_space<semaphore_mem>>)
      %scan3A = arith.constant 0 : i32
      %scan3A_21 = arith.constant 125 : i32
      %scan3A_22 = arith.addi %scan3A, %scan3A_21 : i32
      %scan3A_23 = arith.constant 1 : i32
      scf.for %scan3A_25 = %scan3A to %scan3A_22 step %scan3A_23  : i32 {
        %mul3A_26 = arith.constant 2 : i32
        %mul3A_27 = arith.muli %scan3A_25, %mul3A_26 : i32
        %add3A_28 = arith.constant 0 : i32
        %add3A_29 = arith.addi %add3A_28, %mul3A_27 : i32
        %add3A_30 = arith.constant 1 : i32
        %add3A_31 = arith.addi %add3A_29, %add3A_30 : i32
        %dma_start3A_32 = arith.constant 0 : i32
        %dma_start3A_33 = tpu.memref_slice %arg8[%add3A_31, %dma_start3A_32] : memref<250x80xi32, #tpu.memory_space<vmem>> -> memref<1x80xi32, #tpu.memory_space<vmem>>
        %dma_start3A_34 = tpu.memref_squeeze %dma_start3A_33 : memref<1x80xi32, #tpu.memory_space<vmem>> -> memref<80xi32, #tpu.memory_space<vmem>>
        %dma_start3A_35 = arith.constant 0 : i32
        %dma_start3A_36 = arith.constant 0 : i32
        %dma_start3A_37 = tpu.memref_slice %arg3[%dma_start3A_35, %dma_start3A_36] : memref<10240x64xf32, #tpu.memory_space<hbm>> -> memref<10240x64xf32, #tpu.memory_space<hbm>>
        tpu.enqueue_indirect_dma source(%dma_start3A_37 : memref<10240x64xf32, #tpu.memory_space<hbm>>) target(%arg11 : memref<80x64xf32, #tpu.memory_space<vmem>>) offsets(%dma_start3A_34 : memref<80xi32, #tpu.memory_space<vmem>>) semaphore(%arg14 : memref<!tpu.dma_semaphore, #tpu.memory_space<semaphore_mem>>)
        %dma_wait3A = arith.constant 0 : i32
        %dma_wait3A_38 = tpu.memref_slice %arg8[%add3A_29, %dma_wait3A] : memref<250x80xi32, #tpu.memory_space<vmem>> -> memref<1x80xi32, #tpu.memory_space<vmem>>
        %dma_wait3A_39 = tpu.memref_squeeze %dma_wait3A_38 : memref<1x80xi32, #tpu.memory_space<vmem>> -> memref<80xi32, #tpu.memory_space<vmem>>
        %dma_wait3A_40 = arith.constant 0 : i32
        %dma_wait3A_41 = arith.constant 0 : i32
        %dma_wait3A_42 = tpu.memref_slice %arg3[%dma_wait3A_40, %dma_wait3A_41] : memref<10240x64xf32, #tpu.memory_space<hbm>> -> memref<10240x64xf32, #tpu.memory_space<hbm>>
        tpu.wait_indirect_dma semaphore(%arg13 : memref<!tpu.dma_semaphore, #tpu.memory_space<semaphore_mem>>) src(%dma_wait3A_42 : memref<10240x64xf32, #tpu.memory_space<hbm>>) dst(%arg10 : memref<80x64xf32, #tpu.memory_space<vmem>>)
        "tpu.region"() ({
          %run_scoped3A = tpu.sem_alloc : memref<!tpu.dma_semaphore, #tpu.memory_space<semaphore_mem>>
          %dma_start3A_59 = arith.constant 0 : i32
          %dma_start3A_60 = tpu.memref_slice %arg9[%add3A_29, %dma_start3A_59] : memref<250x80xi32, #tpu.memory_space<vmem>> -> memref<1x80xi32, #tpu.memory_space<vmem>>
          %dma_start3A_61 = tpu.memref_squeeze %dma_start3A_60 : memref<1x80xi32, #tpu.memory_space<vmem>> -> memref<80xi32, #tpu.memory_space<vmem>>
          %dma_start3A_62 = arith.constant 0 : i32
          %dma_start3A_63 = arith.constant 0 : i32
          %dma_start3A_64 = tpu.memref_slice %arg12[%dma_start3A_62, %dma_start3A_63] : memref<10240x64xf32, #tpu.memory_space<vmem_shared>> -> memref<10240x64xf32, #tpu.memory_space<vmem_shared>>
          tpu.enqueue_indirect_dma source(%arg10 : memref<80x64xf32, #tpu.memory_space<vmem>>) target(%dma_start3A_64 : memref<10240x64xf32, #tpu.memory_space<vmem_shared>>) offsets(%dma_start3A_61 : memref<80xi32, #tpu.memory_space<vmem>>) semaphore(%run_scoped3A : memref<!tpu.dma_semaphore, #tpu.memory_space<semaphore_mem>>) {add = true}
          %dma_wait3A_65 = arith.constant 0 : i32
          %dma_wait3A_66 = tpu.memref_slice %arg9[%add3A_29, %dma_wait3A_65] : memref<250x80xi32, #tpu.memory_space<vmem>> -> memref<1x80xi32, #tpu.memory_space<vmem>>
          %dma_wait3A_67 = tpu.memref_squeeze %dma_wait3A_66 : memref<1x80xi32, #tpu.memory_space<vmem>> -> memref<80xi32, #tpu.memory_space<vmem>>
          %dma_wait3A_68 = arith.constant 0 : i32
          %dma_wait3A_69 = arith.constant 0 : i32
          %dma_wait3A_70 = tpu.memref_slice %arg12[%dma_wait3A_68, %dma_wait3A_69] : memref<10240x64xf32, #tpu.memory_space<vmem_shared>> -> memref<10240x64xf32, #tpu.memory_space<vmem_shared>>
          tpu.wait_indirect_dma semaphore(%run_scoped3A : memref<!tpu.dma_semaphore, #tpu.memory_space<semaphore_mem>>) src(%arg10 : memref<80x64xf32, #tpu.memory_space<vmem>>) dst(%dma_wait3A_70 : memref<10240x64xf32, #tpu.memory_space<vmem_shared>>)
          tpu.yield
        }) : () -> ()
        %add3A_43 = arith.constant 2 : i32
        %add3A_44 = arith.addi %add3A_29, %add3A_43 : i32
        %lt3A = arith.constant 250 : i32
        %lt3A_45 = arith.cmpi slt, %add3A_44, %lt3A : i32
        %convert_element_type3A_46 = arith.extui %lt3A_45 : i1 to i32
        %cond3A_47 = arith.constant 0 : i32
        %cond3A_48 = arith.cmpi ne, %convert_element_type3A_46, %cond3A_47 : i32
        scf.if %cond3A_48 {
          %add3A_59 = arith.constant 2 : i32
          %add3A_60 = arith.addi %add3A_29, %add3A_59 : i32
          %dma_start3A_61 = arith.constant 0 : i32
          %dma_start3A_62 = tpu.memref_slice %arg8[%add3A_60, %dma_start3A_61] : memref<250x80xi32, #tpu.memory_space<vmem>> -> memref<1x80xi32, #tpu.memory_space<vmem>>
          %dma_start3A_63 = tpu.memref_squeeze %dma_start3A_62 : memref<1x80xi32, #tpu.memory_space<vmem>> -> memref<80xi32, #tpu.memory_space<vmem>>
          %dma_start3A_64 = arith.constant 0 : i32
          %dma_start3A_65 = arith.constant 0 : i32
          %dma_start3A_66 = tpu.memref_slice %arg3[%dma_start3A_64, %dma_start3A_65] : memref<10240x64xf32, #tpu.memory_space<hbm>> -> memref<10240x64xf32, #tpu.memory_space<hbm>>
          tpu.enqueue_indirect_dma source(%dma_start3A_66 : memref<10240x64xf32, #tpu.memory_space<hbm>>) target(%arg10 : memref<80x64xf32, #tpu.memory_space<vmem>>) offsets(%dma_start3A_63 : memref<80xi32, #tpu.memory_space<vmem>>) semaphore(%arg13 : memref<!tpu.dma_semaphore, #tpu.memory_space<semaphore_mem>>)
        } else {
        }
        %add3A_49 = arith.constant 1 : i32
        %add3A_50 = arith.addi %add3A_29, %add3A_49 : i32
        %dma_wait3A_51 = arith.constant 0 : i32
        %dma_wait3A_52 = tpu.memref_slice %arg8[%add3A_50, %dma_wait3A_51] : memref<250x80xi32, #tpu.memory_space<vmem>> -> memref<1x80xi32, #tpu.memory_space<vmem>>
        %dma_wait3A_53 = tpu.memref_squeeze %dma_wait3A_52 : memref<1x80xi32, #tpu.memory_space<vmem>> -> memref<80xi32, #tpu.memory_space<vmem>>
        %dma_wait3A_54 = arith.constant 0 : i32
        %dma_wait3A_55 = arith.constant 0 : i32
        %dma_wait3A_56 = tpu.memref_slice %arg3[%dma_wait3A_54, %dma_wait3A_55] : memref<10240x64xf32, #tpu.memory_space<hbm>> -> memref<10240x64xf32, #tpu.memory_space<hbm>>
        tpu.wait_indirect_dma semaphore(%arg14 : memref<!tpu.dma_semaphore, #tpu.memory_space<semaphore_mem>>) src(%dma_wait3A_56 : memref<10240x64xf32, #tpu.memory_space<hbm>>) dst(%arg11 : memref<80x64xf32, #tpu.memory_space<vmem>>)
        %add3A_57 = arith.constant 1 : i32
        %add3A_58 = arith.addi %add3A_29, %add3A_57 : i32
        "tpu.region"() ({
          %run_scoped3A = tpu.sem_alloc : memref<!tpu.dma_semaphore, #tpu.memory_space<semaphore_mem>>
          %dma_start3A_59 = arith.constant 0 : i32
          %dma_start3A_60 = tpu.memref_slice %arg9[%add3A_58, %dma_start3A_59] : memref<250x80xi32, #tpu.memory_space<vmem>> -> memref<1x80xi32, #tpu.memory_space<vmem>>
          %dma_start3A_61 = tpu.memref_squeeze %dma_start3A_60 : memref<1x80xi32, #tpu.memory_space<vmem>> -> memref<80xi32, #tpu.memory_space<vmem>>
          %dma_start3A_62 = arith.constant 0 : i32
          %dma_start3A_63 = arith.constant 0 : i32
          %dma_start3A_64 = tpu.memref_slice %arg12[%dma_start3A_62, %dma_start3A_63] : memref<10240x64xf32, #tpu.memory_space<vmem_shared>> -> memref<10240x64xf32, #tpu.memory_space<vmem_shared>>
          tpu.enqueue_indirect_dma source(%arg11 : memref<80x64xf32, #tpu.memory_space<vmem>>) target(%dma_start3A_64 : memref<10240x64xf32, #tpu.memory_space<vmem_shared>>) offsets(%dma_start3A_61 : memref<80xi32, #tpu.memory_space<vmem>>) semaphore(%run_scoped3A : memref<!tpu.dma_semaphore, #tpu.memory_space<semaphore_mem>>) {add = true}
          %dma_wait3A_65 = arith.constant 0 : i32
          %dma_wait3A_66 = tpu.memref_slice %arg9[%add3A_58, %dma_wait3A_65] : memref<250x80xi32, #tpu.memory_space<vmem>> -> memref<1x80xi32, #tpu.memory_space<vmem>>
          %dma_wait3A_67 = tpu.memref_squeeze %dma_wait3A_66 : memref<1x80xi32, #tpu.memory_space<vmem>> -> memref<80xi32, #tpu.memory_space<vmem>>
          %dma_wait3A_68 = arith.constant 0 : i32
          %dma_wait3A_69 = arith.constant 0 : i32
          %dma_wait3A_70 = tpu.memref_slice %arg12[%dma_wait3A_68, %dma_wait3A_69] : memref<10240x64xf32, #tpu.memory_space<vmem_shared>> -> memref<10240x64xf32, #tpu.memory_space<vmem_shared>>
          tpu.wait_indirect_dma semaphore(%run_scoped3A : memref<!tpu.dma_semaphore, #tpu.memory_space<semaphore_mem>>) src(%arg11 : memref<80x64xf32, #tpu.memory_space<vmem>>) dst(%dma_wait3A_70 : memref<10240x64xf32, #tpu.memory_space<vmem_shared>>)
          tpu.yield
        }) : () -> ()
      }
      %scan3A_24 = arith.constant 125 : i32
    } else {
    }
    %barrier3A_8 = arith.constant 0 : index
    tpu.barrier barrier_id(%barrier3A_8)
    %mul3A_9 = arith.constant 640 : i32
    %mul3A_10 = arith.muli %arg1, %mul3A_9 : i32
    %mul3A_11 = arith.constant 10240 : i32
    %mul3A_12 = arith.muli %arg0, %mul3A_11 : i32
    %mul3A_13 = arith.constant 640 : i32
    %mul3A_14 = arith.muli %arg1, %mul3A_13 : i32
    %add3A = arith.addi %mul3A_12, %mul3A_14 : i32
    "tpu.region"() ({
      %run_scoped3A = tpu.sem_alloc : memref<!tpu.dma_semaphore, #tpu.memory_space<semaphore_mem>>
      %dma_start3A = arith.constant 0 : i32
      %dma_start3A_15 = tpu.memref_slice %arg7[%add3A, %dma_start3A] : memref<20480x64xf32, #tpu.memory_space<hbm>> -> memref<640x64xf32, #tpu.memory_space<hbm>>
      %dma_start3A_16 = arith.constant 0 : i32
      %dma_start3A_17 = tpu.memref_slice %arg12[%mul3A_10, %dma_start3A_16] : memref<10240x64xf32, #tpu.memory_space<vmem_shared>> -> memref<640x64xf32, #tpu.memory_space<vmem_shared>>
      tpu.enqueue_dma source(%dma_start3A_17 : memref<640x64xf32, #tpu.memory_space<vmem_shared>>) target(%dma_start3A_15 : memref<640x64xf32, #tpu.memory_space<hbm>>) target_semaphore(%run_scoped3A : memref<!tpu.dma_semaphore, #tpu.memory_space<semaphore_mem>>)
      %dma_wait3A = arith.constant 0 : i32
      %dma_wait3A_18 = tpu.memref_slice %arg7[%add3A, %dma_wait3A] : memref<20480x64xf32, #tpu.memory_space<hbm>> -> memref<640x64xf32, #tpu.memory_space<hbm>>
      %dma_wait3A_19 = arith.constant 0 : i32
      %dma_wait3A_20 = tpu.memref_slice %arg12[%mul3A_10, %dma_wait3A_19] : memref<10240x64xf32, #tpu.memory_space<vmem_shared>> -> memref<640x64xf32, #tpu.memory_space<vmem_shared>>
      tpu.wait_dma2 semaphore(%run_scoped3A : memref<!tpu.dma_semaphore, #tpu.memory_space<semaphore_mem>>) src(%dma_wait3A_20 : memref<640x64xf32, #tpu.memory_space<vmem_shared>>) dst(%dma_wait3A_18 : memref<640x64xf32, #tpu.memory_space<hbm>>)
      tpu.yield
    }) : () -> ()
    return
  }
}

#map = affine_map<(d0, d1) -> (0, 0)>
#map1 = affine_map<(d0, d1) -> (0, 0, 0)>
module attributes {stable_mosaic.version = 14 : i64} {
  func.func @_sc_scatter_body(%arg0: i32, %arg1: i32, %arg2: memref<10240x64xf32, #tpu.memory_space<hbm>>, %arg3: memref<10240x64xf32, #tpu.memory_space<hbm>>, %arg4: memref<16x250x80xi32, #tpu.memory_space<hbm>>, %arg5: memref<16x250x80xi32, #tpu.memory_space<hbm>>, %arg6: memref<640x64xf32, #tpu.memory_space<hbm>>, %arg7: memref<20480x64xf32, #tpu.memory_space<hbm>>, %arg8: memref<250x80xi32, #tpu.memory_space<vmem>>, %arg9: memref<250x80xi32, #tpu.memory_space<vmem>>, %arg10: memref<80x64xf32, #tpu.memory_space<vmem>>, %arg11: memref<80x64xf32, #tpu.memory_space<vmem>>, %arg12: memref<10240x64xf32, #tpu.memory_space<vmem_shared>>, %arg13: memref<!tpu.dma_semaphore, #tpu.memory_space<semaphore_mem>>, %arg14: memref<!tpu.dma_semaphore, #tpu.memory_space<semaphore_mem>>) attributes {dimension_semantics = [#tpu.dimension_semantics<core_parallel>, #tpu.dimension_semantics<subcore_parallel>], iteration_bounds = array<i64: 2, 16>, scalar_prefetch = 0 : i64, scratch_operands = 7 : i64, tpu.core_type = #tpu.core_type<sc_vector_subcore>, window_params = [{transform_indices = #map}, {transform_indices = #map}, {transform_indices = #map1}, {transform_indices = #map1}, {transform_indices = #map}, {transform_indices = #map}]} {
    %mul3A = arith.constant 640 : i32
    %mul3A_0 = arith.muli %arg1, %mul3A : i32
    "tpu.region"() ({
      %run_scoped3A = tpu.sem_alloc : memref<!tpu.dma_semaphore, #tpu.memory_space<semaphore_mem>>
      %dma_start3A = arith.constant 0 : i32
      %dma_start3A_15 = tpu.memref_slice %arg12[%mul3A_0, %dma_start3A] : memref<10240x64xf32, #tpu.memory_space<vmem_shared>> -> memref<640x64xf32, #tpu.memory_space<vmem_shared>>
      tpu.enqueue_dma source(%arg6 : memref<640x64xf32, #tpu.memory_space<hbm>>) target(%dma_start3A_15 : memref<640x64xf32, #tpu.memory_space<vmem_shared>>) target_semaphore(%run_scoped3A : memref<!tpu.dma_semaphore, #tpu.memory_space<semaphore_mem>>)
      %dma_wait3A = arith.constant 0 : i32
      %dma_wait3A_16 = tpu.memref_slice %arg12[%mul3A_0, %dma_wait3A] : memref<10240x64xf32, #tpu.memory_space<vmem_shared>> -> memref<640x64xf32, #tpu.memory_space<vmem_shared>>
      tpu.wait_dma2 semaphore(%run_scoped3A : memref<!tpu.dma_semaphore, #tpu.memory_space<semaphore_mem>>) src(%arg6 : memref<640x64xf32, #tpu.memory_space<hbm>>) dst(%dma_wait3A_16 : memref<640x64xf32, #tpu.memory_space<vmem_shared>>)
      tpu.yield
    }) : () -> ()
    "tpu.region"() ({
      %run_scoped3A = tpu.sem_alloc : memref<!tpu.dma_semaphore, #tpu.memory_space<semaphore_mem>>
      %dma_start3A = arith.constant 0 : i32
      %dma_start3A_15 = arith.constant 0 : i32
      %dma_start3A_16 = tpu.memref_slice %arg4[%arg1, %dma_start3A, %dma_start3A_15] : memref<16x250x80xi32, #tpu.memory_space<hbm>> -> memref<1x250x80xi32, #tpu.memory_space<hbm>>
      %dma_start3A_17 = tpu.memref_squeeze %dma_start3A_16 : memref<1x250x80xi32, #tpu.memory_space<hbm>> -> memref<250x80xi32, #tpu.memory_space<hbm>>
      %dma_start3A_18 = arith.constant 0 : i32
      %dma_start3A_19 = arith.constant 0 : i32
      %dma_start3A_20 = tpu.memref_slice %arg4[%arg1, %dma_start3A_18, %dma_start3A_19] : memref<16x250x80xi32, #tpu.memory_space<hbm>> -> memref<1x250x80xi32, #tpu.memory_space<hbm>>
      %dma_start3A_21 = tpu.memref_squeeze %dma_start3A_20 : memref<1x250x80xi32, #tpu.memory_space<hbm>> -> memref<250x80xi32, #tpu.memory_space<hbm>>
      tpu.enqueue_dma source(%dma_start3A_21 : memref<250x80xi32, #tpu.memory_space<hbm>>) target(%arg8 : memref<250x80xi32, #tpu.memory_space<vmem>>) target_semaphore(%run_scoped3A : memref<!tpu.dma_semaphore, #tpu.memory_space<semaphore_mem>>)
      %dma_wait3A = arith.constant 0 : i32
      %dma_wait3A_22 = arith.constant 0 : i32
      %dma_wait3A_23 = tpu.memref_slice %arg4[%arg1, %dma_wait3A, %dma_wait3A_22] : memref<16x250x80xi32, #tpu.memory_space<hbm>> -> memref<1x250x80xi32, #tpu.memory_space<hbm>>
      %dma_wait3A_24 = tpu.memref_squeeze %dma_wait3A_23 : memref<1x250x80xi32, #tpu.memory_space<hbm>> -> memref<250x80xi32, #tpu.memory_space<hbm>>
      %dma_wait3A_25 = arith.constant 0 : i32
      %dma_wait3A_26 = arith.constant 0 : i32
      %dma_wait3A_27 = tpu.memref_slice %arg4[%arg1, %dma_wait3A_25, %dma_wait3A_26] : memref<16x250x80xi32, #tpu.memory_space<hbm>> -> memref<1x250x80xi32, #tpu.memory_space<hbm>>
      %dma_wait3A_28 = tpu.memref_squeeze %dma_wait3A_27 : memref<1x250x80xi32, #tpu.memory_space<hbm>> -> memref<250x80xi32, #tpu.memory_space<hbm>>
      tpu.wait_dma2 semaphore(%run_scoped3A : memref<!tpu.dma_semaphore, #tpu.memory_space<semaphore_mem>>) src(%dma_wait3A_28 : memref<250x80xi32, #tpu.memory_space<hbm>>) dst(%arg8 : memref<250x80xi32, #tpu.memory_space<vmem>>)
      tpu.yield
    }) : () -> ()
    "tpu.region"() ({
      %run_scoped3A = tpu.sem_alloc : memref<!tpu.dma_semaphore, #tpu.memory_space<semaphore_mem>>
      %dma_start3A = arith.constant 0 : i32
      %dma_start3A_15 = arith.constant 0 : i32
      %dma_start3A_16 = tpu.memref_slice %arg5[%arg1, %dma_start3A, %dma_start3A_15] : memref<16x250x80xi32, #tpu.memory_space<hbm>> -> memref<1x250x80xi32, #tpu.memory_space<hbm>>
      %dma_start3A_17 = tpu.memref_squeeze %dma_start3A_16 : memref<1x250x80xi32, #tpu.memory_space<hbm>> -> memref<250x80xi32, #tpu.memory_space<hbm>>
      %dma_start3A_18 = arith.constant 0 : i32
      %dma_start3A_19 = arith.constant 0 : i32
      %dma_start3A_20 = tpu.memref_slice %arg5[%arg1, %dma_start3A_18, %dma_start3A_19] : memref<16x250x80xi32, #tpu.memory_space<hbm>> -> memref<1x250x80xi32, #tpu.memory_space<hbm>>
      %dma_start3A_21 = tpu.memref_squeeze %dma_start3A_20 : memref<1x250x80xi32, #tpu.memory_space<hbm>> -> memref<250x80xi32, #tpu.memory_space<hbm>>
      tpu.enqueue_dma source(%dma_start3A_21 : memref<250x80xi32, #tpu.memory_space<hbm>>) target(%arg9 : memref<250x80xi32, #tpu.memory_space<vmem>>) target_semaphore(%run_scoped3A : memref<!tpu.dma_semaphore, #tpu.memory_space<semaphore_mem>>)
      %dma_wait3A = arith.constant 0 : i32
      %dma_wait3A_22 = arith.constant 0 : i32
      %dma_wait3A_23 = tpu.memref_slice %arg5[%arg1, %dma_wait3A, %dma_wait3A_22] : memref<16x250x80xi32, #tpu.memory_space<hbm>> -> memref<1x250x80xi32, #tpu.memory_space<hbm>>
      %dma_wait3A_24 = tpu.memref_squeeze %dma_wait3A_23 : memref<1x250x80xi32, #tpu.memory_space<hbm>> -> memref<250x80xi32, #tpu.memory_space<hbm>>
      %dma_wait3A_25 = arith.constant 0 : i32
      %dma_wait3A_26 = arith.constant 0 : i32
      %dma_wait3A_27 = tpu.memref_slice %arg5[%arg1, %dma_wait3A_25, %dma_wait3A_26] : memref<16x250x80xi32, #tpu.memory_space<hbm>> -> memref<1x250x80xi32, #tpu.memory_space<hbm>>
      %dma_wait3A_28 = tpu.memref_squeeze %dma_wait3A_27 : memref<1x250x80xi32, #tpu.memory_space<hbm>> -> memref<250x80xi32, #tpu.memory_space<hbm>>
      tpu.wait_dma2 semaphore(%run_scoped3A : memref<!tpu.dma_semaphore, #tpu.memory_space<semaphore_mem>>) src(%dma_wait3A_28 : memref<250x80xi32, #tpu.memory_space<hbm>>) dst(%arg9 : memref<250x80xi32, #tpu.memory_space<vmem>>)
      tpu.yield
    }) : () -> ()
    %barrier3A = arith.constant 0 : index
    tpu.barrier barrier_id(%barrier3A)
    %eq3A = arith.constant 0 : i32
    %eq3A_1 = arith.cmpi eq, %arg0, %eq3A : i32
    %convert_element_type3A = arith.extui %eq3A_1 : i1 to i32
    %cond3A = arith.constant 0 : i32
    %cond3A_2 = arith.cmpi ne, %convert_element_type3A, %cond3A : i32
    scf.if %cond3A_2 {
      %dma_start3A = arith.constant 0 : i32
      %dma_start3A_15 = arith.constant 0 : i32
      %dma_start3A_16 = tpu.memref_slice %arg8[%dma_start3A, %dma_start3A_15] : memref<250x80xi32, #tpu.memory_space<vmem>> -> memref<1x80xi32, #tpu.memory_space<vmem>>
      %dma_start3A_17 = tpu.memref_squeeze %dma_start3A_16 : memref<1x80xi32, #tpu.memory_space<vmem>> -> memref<80xi32, #tpu.memory_space<vmem>>
      %dma_start3A_18 = arith.constant 0 : i32
      %dma_start3A_19 = arith.constant 0 : i32
      %dma_start3A_20 = tpu.memref_slice %arg2[%dma_start3A_18, %dma_start3A_19] : memref<10240x64xf32, #tpu.memory_space<hbm>> -> memref<10240x64xf32, #tpu.memory_space<hbm>>
      tpu.enqueue_indirect_dma source(%dma_start3A_20 : memref<10240x64xf32, #tpu.memory_space<hbm>>) target(%arg10 : memref<80x64xf32, #tpu.memory_space<vmem>>) offsets(%dma_start3A_17 : memref<80xi32, #tpu.memory_space<vmem>>) semaphore(%arg13 : memref<!tpu.dma_semaphore, #tpu.memory_space<semaphore_mem>>)
      %scan3A = arith.constant 0 : i32
      %scan3A_21 = arith.constant 125 : i32
      %scan3A_22 = arith.addi %scan3A, %scan3A_21 : i32
      %scan3A_23 = arith.constant 1 : i32
      scf.for %scan3A_25 = %scan3A to %scan3A_22 step %scan3A_23  : i32 {
        %mul3A_26 = arith.constant 2 : i32
        %mul3A_27 = arith.muli %scan3A_25, %mul3A_26 : i32
        %add3A_28 = arith.constant 0 : i32
        %add3A_29 = arith.addi %add3A_28, %mul3A_27 : i32
        %add3A_30 = arith.constant 1 : i32
        %add3A_31 = arith.addi %add3A_29, %add3A_30 : i32
        %dma_start3A_32 = arith.constant 0 : i32
        %dma_start3A_33 = tpu.memref_slice %arg8[%add3A_31, %dma_start3A_32] : memref<250x80xi32, #tpu.memory_space<vmem>> -> memref<1x80xi32, #tpu.memory_space<vmem>>
        %dma_start3A_34 = tpu.memref_squeeze %dma_start3A_33 : memref<1x80xi32, #tpu.memory_space<vmem>> -> memref<80xi32, #tpu.memory_space<vmem>>
        %dma_start3A_35 = arith.constant 0 : i32
        %dma_start3A_36 = arith.constant 0 : i32
        %dma_start3A_37 = tpu.memref_slice %arg2[%dma_start3A_35, %dma_start3A_36] : memref<10240x64xf32, #tpu.memory_space<hbm>> -> memref<10240x64xf32, #tpu.memory_space<hbm>>
        tpu.enqueue_indirect_dma source(%dma_start3A_37 : memref<10240x64xf32, #tpu.memory_space<hbm>>) target(%arg11 : memref<80x64xf32, #tpu.memory_space<vmem>>) offsets(%dma_start3A_34 : memref<80xi32, #tpu.memory_space<vmem>>) semaphore(%arg14 : memref<!tpu.dma_semaphore, #tpu.memory_space<semaphore_mem>>)
        %dma_wait3A = arith.constant 0 : i32
        %dma_wait3A_38 = tpu.memref_slice %arg8[%add3A_29, %dma_wait3A] : memref<250x80xi32, #tpu.memory_space<vmem>> -> memref<1x80xi32, #tpu.memory_space<vmem>>
        %dma_wait3A_39 = tpu.memref_squeeze %dma_wait3A_38 : memref<1x80xi32, #tpu.memory_space<vmem>> -> memref<80xi32, #tpu.memory_space<vmem>>
        %dma_wait3A_40 = arith.constant 0 : i32
        %dma_wait3A_41 = arith.constant 0 : i32
        %dma_wait3A_42 = tpu.memref_slice %arg2[%dma_wait3A_40, %dma_wait3A_41] : memref<10240x64xf32, #tpu.memory_space<hbm>> -> memref<10240x64xf32, #tpu.memory_space<hbm>>
        tpu.wait_indirect_dma semaphore(%arg13 : memref<!tpu.dma_semaphore, #tpu.memory_space<semaphore_mem>>) src(%dma_wait3A_42 : memref<10240x64xf32, #tpu.memory_space<hbm>>) dst(%arg10 : memref<80x64xf32, #tpu.memory_space<vmem>>)
        "tpu.region"() ({
          %run_scoped3A = tpu.sem_alloc : memref<!tpu.dma_semaphore, #tpu.memory_space<semaphore_mem>>
          %dma_start3A_59 = arith.constant 0 : i32
          %dma_start3A_60 = tpu.memref_slice %arg9[%add3A_29, %dma_start3A_59] : memref<250x80xi32, #tpu.memory_space<vmem>> -> memref<1x80xi32, #tpu.memory_space<vmem>>
          %dma_start3A_61 = tpu.memref_squeeze %dma_start3A_60 : memref<1x80xi32, #tpu.memory_space<vmem>> -> memref<80xi32, #tpu.memory_space<vmem>>
          %dma_start3A_62 = arith.constant 0 : i32
          %dma_start3A_63 = arith.constant 0 : i32
          %dma_start3A_64 = tpu.memref_slice %arg12[%dma_start3A_62, %dma_start3A_63] : memref<10240x64xf32, #tpu.memory_space<vmem_shared>> -> memref<10240x64xf32, #tpu.memory_space<vmem_shared>>
          tpu.enqueue_indirect_dma source(%arg10 : memref<80x64xf32, #tpu.memory_space<vmem>>) target(%dma_start3A_64 : memref<10240x64xf32, #tpu.memory_space<vmem_shared>>) offsets(%dma_start3A_61 : memref<80xi32, #tpu.memory_space<vmem>>) semaphore(%run_scoped3A : memref<!tpu.dma_semaphore, #tpu.memory_space<semaphore_mem>>) {add = true}
          %dma_wait3A_65 = arith.constant 0 : i32
          %dma_wait3A_66 = tpu.memref_slice %arg9[%add3A_29, %dma_wait3A_65] : memref<250x80xi32, #tpu.memory_space<vmem>> -> memref<1x80xi32, #tpu.memory_space<vmem>>
          %dma_wait3A_67 = tpu.memref_squeeze %dma_wait3A_66 : memref<1x80xi32, #tpu.memory_space<vmem>> -> memref<80xi32, #tpu.memory_space<vmem>>
          %dma_wait3A_68 = arith.constant 0 : i32
          %dma_wait3A_69 = arith.constant 0 : i32
          %dma_wait3A_70 = tpu.memref_slice %arg12[%dma_wait3A_68, %dma_wait3A_69] : memref<10240x64xf32, #tpu.memory_space<vmem_shared>> -> memref<10240x64xf32, #tpu.memory_space<vmem_shared>>
          tpu.wait_indirect_dma semaphore(%run_scoped3A : memref<!tpu.dma_semaphore, #tpu.memory_space<semaphore_mem>>) src(%arg10 : memref<80x64xf32, #tpu.memory_space<vmem>>) dst(%dma_wait3A_70 : memref<10240x64xf32, #tpu.memory_space<vmem_shared>>)
          tpu.yield
        }) : () -> ()
        %add3A_43 = arith.constant 2 : i32
        %add3A_44 = arith.addi %add3A_29, %add3A_43 : i32
        %lt3A = arith.constant 250 : i32
        %lt3A_45 = arith.cmpi slt, %add3A_44, %lt3A : i32
        %convert_element_type3A_46 = arith.extui %lt3A_45 : i1 to i32
        %cond3A_47 = arith.constant 0 : i32
        %cond3A_48 = arith.cmpi ne, %convert_element_type3A_46, %cond3A_47 : i32
        scf.if %cond3A_48 {
          %add3A_59 = arith.constant 2 : i32
          %add3A_60 = arith.addi %add3A_29, %add3A_59 : i32
          %dma_start3A_61 = arith.constant 0 : i32
          %dma_start3A_62 = tpu.memref_slice %arg8[%add3A_60, %dma_start3A_61] : memref<250x80xi32, #tpu.memory_space<vmem>> -> memref<1x80xi32, #tpu.memory_space<vmem>>
          %dma_start3A_63 = tpu.memref_squeeze %dma_start3A_62 : memref<1x80xi32, #tpu.memory_space<vmem>> -> memref<80xi32, #tpu.memory_space<vmem>>
          %dma_start3A_64 = arith.constant 0 : i32
          %dma_start3A_65 = arith.constant 0 : i32
          %dma_start3A_66 = tpu.memref_slice %arg2[%dma_start3A_64, %dma_start3A_65] : memref<10240x64xf32, #tpu.memory_space<hbm>> -> memref<10240x64xf32, #tpu.memory_space<hbm>>
          tpu.enqueue_indirect_dma source(%dma_start3A_66 : memref<10240x64xf32, #tpu.memory_space<hbm>>) target(%arg10 : memref<80x64xf32, #tpu.memory_space<vmem>>) offsets(%dma_start3A_63 : memref<80xi32, #tpu.memory_space<vmem>>) semaphore(%arg13 : memref<!tpu.dma_semaphore, #tpu.memory_space<semaphore_mem>>)
        } else {
        }
        %add3A_49 = arith.constant 1 : i32
        %add3A_50 = arith.addi %add3A_29, %add3A_49 : i32
        %dma_wait3A_51 = arith.constant 0 : i32
        %dma_wait3A_52 = tpu.memref_slice %arg8[%add3A_50, %dma_wait3A_51] : memref<250x80xi32, #tpu.memory_space<vmem>> -> memref<1x80xi32, #tpu.memory_space<vmem>>
        %dma_wait3A_53 = tpu.memref_squeeze %dma_wait3A_52 : memref<1x80xi32, #tpu.memory_space<vmem>> -> memref<80xi32, #tpu.memory_space<vmem>>
        %dma_wait3A_54 = arith.constant 0 : i32
        %dma_wait3A_55 = arith.constant 0 : i32
        %dma_wait3A_56 = tpu.memref_slice %arg2[%dma_wait3A_54, %dma_wait3A_55] : memref<10240x64xf32, #tpu.memory_space<hbm>> -> memref<10240x64xf32, #tpu.memory_space<hbm>>
        tpu.wait_indirect_dma semaphore(%arg14 : memref<!tpu.dma_semaphore, #tpu.memory_space<semaphore_mem>>) src(%dma_wait3A_56 : memref<10240x64xf32, #tpu.memory_space<hbm>>) dst(%arg11 : memref<80x64xf32, #tpu.memory_space<vmem>>)
        %add3A_57 = arith.constant 1 : i32
        %add3A_58 = arith.addi %add3A_29, %add3A_57 : i32
        "tpu.region"() ({
          %run_scoped3A = tpu.sem_alloc : memref<!tpu.dma_semaphore, #tpu.memory_space<semaphore_mem>>
          %dma_start3A_59 = arith.constant 0 : i32
          %dma_start3A_60 = tpu.memref_slice %arg9[%add3A_58, %dma_start3A_59] : memref<250x80xi32, #tpu.memory_space<vmem>> -> memref<1x80xi32, #tpu.memory_space<vmem>>
          %dma_start3A_61 = tpu.memref_squeeze %dma_start3A_60 : memref<1x80xi32, #tpu.memory_space<vmem>> -> memref<80xi32, #tpu.memory_space<vmem>>
          %dma_start3A_62 = arith.constant 0 : i32
          %dma_start3A_63 = arith.constant 0 : i32
          %dma_start3A_64 = tpu.memref_slice %arg12[%dma_start3A_62, %dma_start3A_63] : memref<10240x64xf32, #tpu.memory_space<vmem_shared>> -> memref<10240x64xf32, #tpu.memory_space<vmem_shared>>
          tpu.enqueue_indirect_dma source(%arg11 : memref<80x64xf32, #tpu.memory_space<vmem>>) target(%dma_start3A_64 : memref<10240x64xf32, #tpu.memory_space<vmem_shared>>) offsets(%dma_start3A_61 : memref<80xi32, #tpu.memory_space<vmem>>) semaphore(%run_scoped3A : memref<!tpu.dma_semaphore, #tpu.memory_space<semaphore_mem>>) {add = true}
          %dma_wait3A_65 = arith.constant 0 : i32
          %dma_wait3A_66 = tpu.memref_slice %arg9[%add3A_58, %dma_wait3A_65] : memref<250x80xi32, #tpu.memory_space<vmem>> -> memref<1x80xi32, #tpu.memory_space<vmem>>
          %dma_wait3A_67 = tpu.memref_squeeze %dma_wait3A_66 : memref<1x80xi32, #tpu.memory_space<vmem>> -> memref<80xi32, #tpu.memory_space<vmem>>
          %dma_wait3A_68 = arith.constant 0 : i32
          %dma_wait3A_69 = arith.constant 0 : i32
          %dma_wait3A_70 = tpu.memref_slice %arg12[%dma_wait3A_68, %dma_wait3A_69] : memref<10240x64xf32, #tpu.memory_space<vmem_shared>> -> memref<10240x64xf32, #tpu.memory_space<vmem_shared>>
          tpu.wait_indirect_dma semaphore(%run_scoped3A : memref<!tpu.dma_semaphore, #tpu.memory_space<semaphore_mem>>) src(%arg11 : memref<80x64xf32, #tpu.memory_space<vmem>>) dst(%dma_wait3A_70 : memref<10240x64xf32, #tpu.memory_space<vmem_shared>>)
          tpu.yield
        }) : () -> ()
      }
      %scan3A_24 = arith.constant 125 : i32
    } else {
    }
    %eq3A_3 = arith.constant 1 : i32
    %eq3A_4 = arith.cmpi eq, %arg0, %eq3A_3 : i32
    %convert_element_type3A_5 = arith.extui %eq3A_4 : i1 to i32
    %cond3A_6 = arith.constant 0 : i32
    %cond3A_7 = arith.cmpi ne, %convert_element_type3A_5, %cond3A_6 : i32
    scf.if %cond3A_7 {
      %dma_start3A = arith.constant 0 : i32
      %dma_start3A_15 = arith.constant 0 : i32
      %dma_start3A_16 = tpu.memref_slice %arg8[%dma_start3A, %dma_start3A_15] : memref<250x80xi32, #tpu.memory_space<vmem>> -> memref<1x80xi32, #tpu.memory_space<vmem>>
      %dma_start3A_17 = tpu.memref_squeeze %dma_start3A_16 : memref<1x80xi32, #tpu.memory_space<vmem>> -> memref<80xi32, #tpu.memory_space<vmem>>
      %dma_start3A_18 = arith.constant 0 : i32
      %dma_start3A_19 = arith.constant 0 : i32
      %dma_start3A_20 = tpu.memref_slice %arg3[%dma_start3A_18, %dma_start3A_19] : memref<10240x64xf32, #tpu.memory_space<hbm>> -> memref<10240x64xf32, #tpu.memory_space<hbm>>
      tpu.enqueue_indirect_dma source(%dma_start3A_20 : memref<10240x64xf32, #tpu.memory_space<hbm>>) target(%arg10 : memref<80x64xf32, #tpu.memory_space<vmem>>) offsets(%dma_start3A_17 : memref<80xi32, #tpu.memory_space<vmem>>) semaphore(%arg13 : memref<!tpu.dma_semaphore, #tpu.memory_space<semaphore_mem>>)
      %scan3A = arith.constant 0 : i32
      %scan3A_21 = arith.constant 125 : i32
      %scan3A_22 = arith.addi %scan3A, %scan3A_21 : i32
      %scan3A_23 = arith.constant 1 : i32
      scf.for %scan3A_25 = %scan3A to %scan3A_22 step %scan3A_23  : i32 {
        %mul3A_26 = arith.constant 2 : i32
        %mul3A_27 = arith.muli %scan3A_25, %mul3A_26 : i32
        %add3A_28 = arith.constant 0 : i32
        %add3A_29 = arith.addi %add3A_28, %mul3A_27 : i32
        %add3A_30 = arith.constant 1 : i32
        %add3A_31 = arith.addi %add3A_29, %add3A_30 : i32
        %dma_start3A_32 = arith.constant 0 : i32
        %dma_start3A_33 = tpu.memref_slice %arg8[%add3A_31, %dma_start3A_32] : memref<250x80xi32, #tpu.memory_space<vmem>> -> memref<1x80xi32, #tpu.memory_space<vmem>>
        %dma_start3A_34 = tpu.memref_squeeze %dma_start3A_33 : memref<1x80xi32, #tpu.memory_space<vmem>> -> memref<80xi32, #tpu.memory_space<vmem>>
        %dma_start3A_35 = arith.constant 0 : i32
        %dma_start3A_36 = arith.constant 0 : i32
        %dma_start3A_37 = tpu.memref_slice %arg3[%dma_start3A_35, %dma_start3A_36] : memref<10240x64xf32, #tpu.memory_space<hbm>> -> memref<10240x64xf32, #tpu.memory_space<hbm>>
        tpu.enqueue_indirect_dma source(%dma_start3A_37 : memref<10240x64xf32, #tpu.memory_space<hbm>>) target(%arg11 : memref<80x64xf32, #tpu.memory_space<vmem>>) offsets(%dma_start3A_34 : memref<80xi32, #tpu.memory_space<vmem>>) semaphore(%arg14 : memref<!tpu.dma_semaphore, #tpu.memory_space<semaphore_mem>>)
        %dma_wait3A = arith.constant 0 : i32
        %dma_wait3A_38 = tpu.memref_slice %arg8[%add3A_29, %dma_wait3A] : memref<250x80xi32, #tpu.memory_space<vmem>> -> memref<1x80xi32, #tpu.memory_space<vmem>>
        %dma_wait3A_39 = tpu.memref_squeeze %dma_wait3A_38 : memref<1x80xi32, #tpu.memory_space<vmem>> -> memref<80xi32, #tpu.memory_space<vmem>>
        %dma_wait3A_40 = arith.constant 0 : i32
        %dma_wait3A_41 = arith.constant 0 : i32
        %dma_wait3A_42 = tpu.memref_slice %arg3[%dma_wait3A_40, %dma_wait3A_41] : memref<10240x64xf32, #tpu.memory_space<hbm>> -> memref<10240x64xf32, #tpu.memory_space<hbm>>
        tpu.wait_indirect_dma semaphore(%arg13 : memref<!tpu.dma_semaphore, #tpu.memory_space<semaphore_mem>>) src(%dma_wait3A_42 : memref<10240x64xf32, #tpu.memory_space<hbm>>) dst(%arg10 : memref<80x64xf32, #tpu.memory_space<vmem>>)
        "tpu.region"() ({
          %run_scoped3A = tpu.sem_alloc : memref<!tpu.dma_semaphore, #tpu.memory_space<semaphore_mem>>
          %dma_start3A_59 = arith.constant 0 : i32
          %dma_start3A_60 = tpu.memref_slice %arg9[%add3A_29, %dma_start3A_59] : memref<250x80xi32, #tpu.memory_space<vmem>> -> memref<1x80xi32, #tpu.memory_space<vmem>>
          %dma_start3A_61 = tpu.memref_squeeze %dma_start3A_60 : memref<1x80xi32, #tpu.memory_space<vmem>> -> memref<80xi32, #tpu.memory_space<vmem>>
          %dma_start3A_62 = arith.constant 0 : i32
          %dma_start3A_63 = arith.constant 0 : i32
          %dma_start3A_64 = tpu.memref_slice %arg12[%dma_start3A_62, %dma_start3A_63] : memref<10240x64xf32, #tpu.memory_space<vmem_shared>> -> memref<10240x64xf32, #tpu.memory_space<vmem_shared>>
          tpu.enqueue_indirect_dma source(%arg10 : memref<80x64xf32, #tpu.memory_space<vmem>>) target(%dma_start3A_64 : memref<10240x64xf32, #tpu.memory_space<vmem_shared>>) offsets(%dma_start3A_61 : memref<80xi32, #tpu.memory_space<vmem>>) semaphore(%run_scoped3A : memref<!tpu.dma_semaphore, #tpu.memory_space<semaphore_mem>>) {add = true}
          %dma_wait3A_65 = arith.constant 0 : i32
          %dma_wait3A_66 = tpu.memref_slice %arg9[%add3A_29, %dma_wait3A_65] : memref<250x80xi32, #tpu.memory_space<vmem>> -> memref<1x80xi32, #tpu.memory_space<vmem>>
          %dma_wait3A_67 = tpu.memref_squeeze %dma_wait3A_66 : memref<1x80xi32, #tpu.memory_space<vmem>> -> memref<80xi32, #tpu.memory_space<vmem>>
          %dma_wait3A_68 = arith.constant 0 : i32
          %dma_wait3A_69 = arith.constant 0 : i32
          %dma_wait3A_70 = tpu.memref_slice %arg12[%dma_wait3A_68, %dma_wait3A_69] : memref<10240x64xf32, #tpu.memory_space<vmem_shared>> -> memref<10240x64xf32, #tpu.memory_space<vmem_shared>>
          tpu.wait_indirect_dma semaphore(%run_scoped3A : memref<!tpu.dma_semaphore, #tpu.memory_space<semaphore_mem>>) src(%arg10 : memref<80x64xf32, #tpu.memory_space<vmem>>) dst(%dma_wait3A_70 : memref<10240x64xf32, #tpu.memory_space<vmem_shared>>)
          tpu.yield
        }) : () -> ()
        %add3A_43 = arith.constant 2 : i32
        %add3A_44 = arith.addi %add3A_29, %add3A_43 : i32
        %lt3A = arith.constant 250 : i32
        %lt3A_45 = arith.cmpi slt, %add3A_44, %lt3A : i32
        %convert_element_type3A_46 = arith.extui %lt3A_45 : i1 to i32
        %cond3A_47 = arith.constant 0 : i32
        %cond3A_48 = arith.cmpi ne, %convert_element_type3A_46, %cond3A_47 : i32
        scf.if %cond3A_48 {
          %add3A_59 = arith.constant 2 : i32
          %add3A_60 = arith.addi %add3A_29, %add3A_59 : i32
          %dma_start3A_61 = arith.constant 0 : i32
          %dma_start3A_62 = tpu.memref_slice %arg8[%add3A_60, %dma_start3A_61] : memref<250x80xi32, #tpu.memory_space<vmem>> -> memref<1x80xi32, #tpu.memory_space<vmem>>
          %dma_start3A_63 = tpu.memref_squeeze %dma_start3A_62 : memref<1x80xi32, #tpu.memory_space<vmem>> -> memref<80xi32, #tpu.memory_space<vmem>>
          %dma_start3A_64 = arith.constant 0 : i32
          %dma_start3A_65 = arith.constant 0 : i32
          %dma_start3A_66 = tpu.memref_slice %arg3[%dma_start3A_64, %dma_start3A_65] : memref<10240x64xf32, #tpu.memory_space<hbm>> -> memref<10240x64xf32, #tpu.memory_space<hbm>>
          tpu.enqueue_indirect_dma source(%dma_start3A_66 : memref<10240x64xf32, #tpu.memory_space<hbm>>) target(%arg10 : memref<80x64xf32, #tpu.memory_space<vmem>>) offsets(%dma_start3A_63 : memref<80xi32, #tpu.memory_space<vmem>>) semaphore(%arg13 : memref<!tpu.dma_semaphore, #tpu.memory_space<semaphore_mem>>)
        } else {
        }
        %add3A_49 = arith.constant 1 : i32
        %add3A_50 = arith.addi %add3A_29, %add3A_49 : i32
        %dma_wait3A_51 = arith.constant 0 : i32
        %dma_wait3A_52 = tpu.memref_slice %arg8[%add3A_50, %dma_wait3A_51] : memref<250x80xi32, #tpu.memory_space<vmem>> -> memref<1x80xi32, #tpu.memory_space<vmem>>
        %dma_wait3A_53 = tpu.memref_squeeze %dma_wait3A_52 : memref<1x80xi32, #tpu.memory_space<vmem>> -> memref<80xi32, #tpu.memory_space<vmem>>
        %dma_wait3A_54 = arith.constant 0 : i32
        %dma_wait3A_55 = arith.constant 0 : i32
        %dma_wait3A_56 = tpu.memref_slice %arg3[%dma_wait3A_54, %dma_wait3A_55] : memref<10240x64xf32, #tpu.memory_space<hbm>> -> memref<10240x64xf32, #tpu.memory_space<hbm>>
        tpu.wait_indirect_dma semaphore(%arg14 : memref<!tpu.dma_semaphore, #tpu.memory_space<semaphore_mem>>) src(%dma_wait3A_56 : memref<10240x64xf32, #tpu.memory_space<hbm>>) dst(%arg11 : memref<80x64xf32, #tpu.memory_space<vmem>>)
        %add3A_57 = arith.constant 1 : i32
        %add3A_58 = arith.addi %add3A_29, %add3A_57 : i32
        "tpu.region"() ({
          %run_scoped3A = tpu.sem_alloc : memref<!tpu.dma_semaphore, #tpu.memory_space<semaphore_mem>>
          %dma_start3A_59 = arith.constant 0 : i32
          %dma_start3A_60 = tpu.memref_slice %arg9[%add3A_58, %dma_start3A_59] : memref<250x80xi32, #tpu.memory_space<vmem>> -> memref<1x80xi32, #tpu.memory_space<vmem>>
          %dma_start3A_61 = tpu.memref_squeeze %dma_start3A_60 : memref<1x80xi32, #tpu.memory_space<vmem>> -> memref<80xi32, #tpu.memory_space<vmem>>
          %dma_start3A_62 = arith.constant 0 : i32
          %dma_start3A_63 = arith.constant 0 : i32
          %dma_start3A_64 = tpu.memref_slice %arg12[%dma_start3A_62, %dma_start3A_63] : memref<10240x64xf32, #tpu.memory_space<vmem_shared>> -> memref<10240x64xf32, #tpu.memory_space<vmem_shared>>
          tpu.enqueue_indirect_dma source(%arg11 : memref<80x64xf32, #tpu.memory_space<vmem>>) target(%dma_start3A_64 : memref<10240x64xf32, #tpu.memory_space<vmem_shared>>) offsets(%dma_start3A_61 : memref<80xi32, #tpu.memory_space<vmem>>) semaphore(%run_scoped3A : memref<!tpu.dma_semaphore, #tpu.memory_space<semaphore_mem>>) {add = true}
          %dma_wait3A_65 = arith.constant 0 : i32
          %dma_wait3A_66 = tpu.memref_slice %arg9[%add3A_58, %dma_wait3A_65] : memref<250x80xi32, #tpu.memory_space<vmem>> -> memref<1x80xi32, #tpu.memory_space<vmem>>
          %dma_wait3A_67 = tpu.memref_squeeze %dma_wait3A_66 : memref<1x80xi32, #tpu.memory_space<vmem>> -> memref<80xi32, #tpu.memory_space<vmem>>
          %dma_wait3A_68 = arith.constant 0 : i32
          %dma_wait3A_69 = arith.constant 0 : i32
          %dma_wait3A_70 = tpu.memref_slice %arg12[%dma_wait3A_68, %dma_wait3A_69] : memref<10240x64xf32, #tpu.memory_space<vmem_shared>> -> memref<10240x64xf32, #tpu.memory_space<vmem_shared>>
          tpu.wait_indirect_dma semaphore(%run_scoped3A : memref<!tpu.dma_semaphore, #tpu.memory_space<semaphore_mem>>) src(%arg11 : memref<80x64xf32, #tpu.memory_space<vmem>>) dst(%dma_wait3A_70 : memref<10240x64xf32, #tpu.memory_space<vmem_shared>>)
          tpu.yield
        }) : () -> ()
      }
      %scan3A_24 = arith.constant 125 : i32
    } else {
    }
    %barrier3A_8 = arith.constant 0 : index
    tpu.barrier barrier_id(%barrier3A_8)
    %mul3A_9 = arith.constant 640 : i32
    %mul3A_10 = arith.muli %arg1, %mul3A_9 : i32
    %mul3A_11 = arith.constant 10240 : i32
    %mul3A_12 = arith.muli %arg0, %mul3A_11 : i32
    %mul3A_13 = arith.constant 640 : i32
    %mul3A_14 = arith.muli %arg1, %mul3A_13 : i32
    %add3A = arith.addi %mul3A_12, %mul3A_14 : i32
    "tpu.region"() ({
      %run_scoped3A = tpu.sem_alloc : memref<!tpu.dma_semaphore, #tpu.memory_space<semaphore_mem>>
      %dma_start3A = arith.constant 0 : i32
      %dma_start3A_15 = tpu.memref_slice %arg7[%add3A, %dma_start3A] : memref<20480x64xf32, #tpu.memory_space<hbm>> -> memref<640x64xf32, #tpu.memory_space<hbm>>
      %dma_start3A_16 = arith.constant 0 : i32
      %dma_start3A_17 = tpu.memref_slice %arg12[%mul3A_10, %dma_start3A_16] : memref<10240x64xf32, #tpu.memory_space<vmem_shared>> -> memref<640x64xf32, #tpu.memory_space<vmem_shared>>
      tpu.enqueue_dma source(%dma_start3A_17 : memref<640x64xf32, #tpu.memory_space<vmem_shared>>) target(%dma_start3A_15 : memref<640x64xf32, #tpu.memory_space<hbm>>) target_semaphore(%run_scoped3A : memref<!tpu.dma_semaphore, #tpu.memory_space<semaphore_mem>>)
      %dma_wait3A = arith.constant 0 : i32
      %dma_wait3A_18 = tpu.memref_slice %arg7[%add3A, %dma_wait3A] : memref<20480x64xf32, #tpu.memory_space<hbm>> -> memref<640x64xf32, #tpu.memory_space<hbm>>
      %dma_wait3A_19 = arith.constant 0 : i32
      %dma_wait3A_20 = tpu.memref_slice %arg12[%mul3A_10, %dma_wait3A_19] : memref<10240x64xf32, #tpu.memory_space<vmem_shared>> -> memref<640x64xf32, #tpu.memory_space<vmem_shared>>
      tpu.wait_dma2 semaphore(%run_scoped3A : memref<!tpu.dma_semaphore, #tpu.memory_space<semaphore_mem>>) src(%dma_wait3A_20 : memref<640x64xf32, #tpu.memory_space<vmem_shared>>) dst(%dma_wait3A_18 : memref<640x64xf32, #tpu.memory_space<hbm>>)
      tpu.yield
    }) : () -> ()
    return
  }
}

module attributes {stable_mosaic.version = 14 : i64} {
  func.func @_tc_input_body(%arg0: i32, %arg1: memref<1280x128xf32, #tpu.memory_space<vmem>>, %arg2: memref<128x128xf32, #tpu.memory_space<vmem>>, %arg3: memref<1x128xf32, #tpu.memory_space<vmem>>, %arg4: memref<128x128xf32, #tpu.memory_space<vmem>>, %arg5: memref<1280x128xf32, #tpu.memory_space<vmem>>, %arg6: memref<1280x64xf32, #tpu.memory_space<vmem>>, %arg7: memref<1280x64xf32, #tpu.memory_space<vmem>>) attributes {dimension_semantics = [#tpu.dimension_semantics<arbitrary>], iteration_bounds = array<i64: 8>, scalar_prefetch = 0 : i64, scratch_operands = 0 : i64, tpu.core_type = #tpu.core_type<tc>, window_params = [{transform_indices = @transform_0, window_bounds = array<i64: 1280, 128>}, {pipeline_mode = #tpu.pipeline_mode<synchronous>, transform_indices = @transform_1, window_bounds = array<i64: 128, 128>}, {pipeline_mode = #tpu.pipeline_mode<synchronous>, transform_indices = @transform_2, window_bounds = array<i64: 1, 128>}, {pipeline_mode = #tpu.pipeline_mode<synchronous>, transform_indices = @transform_3, window_bounds = array<i64: 128, 128>}, {transform_indices = @transform_4, window_bounds = array<i64: 1280, 128>}, {transform_indices = @transform_5, window_bounds = array<i64: 1280, 64>}, {transform_indices = @transform_6, window_bounds = array<i64: 1280, 64>}]} {
    %get3A = arith.constant 0 : index
    %get3A_0 = arith.constant 0 : index
    %get3A_1 = vector.load %arg1[%get3A, %get3A_0] : memref<1280x128xf32, #tpu.memory_space<vmem>>, vector<1280x128xf32>
    %get3A_2 = arith.constant 0 : index
    %get3A_3 = arith.constant 0 : index
    %get3A_4 = vector.load %arg2[%get3A_2, %get3A_3] : memref<128x128xf32, #tpu.memory_space<vmem>>, vector<128x128xf32>
    %dot_general3A = arith.constant dense<0.000000e+00> : vector<1280x128xf32>
    %dot_general3A_5 = tpu.matmul %get3A_1, %get3A_4, %dot_general3A {dimension_numbers = #tpu.dot_dimension_numbers<[1], [0], [0], [1], [0, 0, 1, 1], [], []>, transpose_lhs_hint = false} : vector<1280x128xf32>, vector<128x128xf32>, vector<1280x128xf32> -> vector<1280x128xf32>
    %get3A_6 = arith.constant 0 : index
    %get3A_7 = arith.constant 0 : index
    %get3A_8 = vector.load %arg3[%get3A_6, %get3A_7] : memref<1x128xf32, #tpu.memory_space<vmem>>, vector<1x128xf32>
    %add3A = vector.broadcast %get3A_8 : vector<1x128xf32> to vector<1280x128xf32>
    %add3A_9 = arith.addf %dot_general3A_5, %add3A : vector<1280x128xf32>
    %swap3A = arith.constant 0 : index
    %swap3A_10 = arith.constant 0 : index
    %swap3A_11 = vector.load %arg5[%swap3A, %swap3A_10] : memref<1280x128xf32, #tpu.memory_space<vmem>>, vector<1280x128xf32>
    tpu.vector_store %arg5[%swap3A, %swap3A_10], %add3A_9 {strides = array<i32>} : memref<1280x128xf32, #tpu.memory_space<vmem>>, vector<1280x128xf32>,
    %get3A_12 = arith.constant 0 : index
    %get3A_13 = arith.constant 0 : index
    %get3A_14 = vector.load %arg4[%get3A_12, %get3A_13] : memref<128x128xf32, #tpu.memory_space<vmem>>, vector<128x128xf32>
    %dot_general3A_15 = arith.constant dense<0.000000e+00> : vector<1280x128xf32>
    %dot_general3A_16 = tpu.matmul %add3A_9, %get3A_14, %dot_general3A_15 {dimension_numbers = #tpu.dot_dimension_numbers<[1], [0], [0], [1], [0, 0, 1, 1], [], []>, transpose_lhs_hint = false} : vector<1280x128xf32>, vector<128x128xf32>, vector<1280x128xf32> -> vector<1280x128xf32>
    %slice3A = vector.extract_strided_slice %dot_general3A_16 {offsets = [0, 0], sizes = [1280, 64], strides = [1, 1]} : vector<1280x128xf32> to vector<1280x64xf32>
    %swap3A_17 = arith.constant 0 : index
    %swap3A_18 = arith.constant 0 : index
    %swap3A_19 = vector.load %arg6[%swap3A_17, %swap3A_18] : memref<1280x64xf32, #tpu.memory_space<vmem>>, vector<1280x64xf32>
    tpu.vector_store %arg6[%swap3A_17, %swap3A_18], %slice3A {strides = array<i32>} : memref<1280x64xf32, #tpu.memory_space<vmem>>, vector<1280x64xf32>,
    %slice3A_20 = vector.extract_strided_slice %dot_general3A_16 {offsets = [0, 64], sizes = [1280, 64], strides = [1, 1]} : vector<1280x128xf32> to vector<1280x64xf32>
    %swap3A_21 = arith.constant 0 : index
    %swap3A_22 = arith.constant 0 : index
    %swap3A_23 = vector.load %arg7[%swap3A_21, %swap3A_22] : memref<1280x64xf32, #tpu.memory_space<vmem>>, vector<1280x64xf32>
    tpu.vector_store %arg7[%swap3A_21, %swap3A_22], %slice3A_20 {strides = array<i32>} : memref<1280x64xf32, #tpu.memory_space<vmem>>, vector<1280x64xf32>,
    return
  }
  func.func @transform_0(%arg0: i32) -> (i32, i32) {
    %c0_i32 = arith.constant 0 : i32
    %c0_i32_0 = arith.constant 0 : i32
    return %arg0, %c0_i32 : i32, i32
  }
  func.func @transform_1(%arg0: i32) -> (i32, i32) {
    %c0_i32 = arith.constant 0 : i32
    %c0_i32_0 = arith.constant 0 : i32
    %c0_i32_1 = arith.constant 0 : i32
    return %c0_i32, %c0_i32_0 : i32, i32
  }
  func.func @transform_2(%arg0: i32) -> (i32, i32) {
    %c0_i32 = arith.constant 0 : i32
    %c0_i32_0 = arith.constant 0 : i32
    %c0_i32_1 = arith.constant 0 : i32
    return %c0_i32, %c0_i32_0 : i32, i32
  }
  func.func @transform_3(%arg0: i32) -> (i32, i32) {
    %c0_i32 = arith.constant 0 : i32
    %c0_i32_0 = arith.constant 0 : i32
    %c0_i32_1 = arith.constant 0 : i32
    return %c0_i32, %c0_i32_0 : i32, i32
  }
  func.func @transform_4(%arg0: i32) -> (i32, i32) {
    %c0_i32 = arith.constant 0 : i32
    %c0_i32_0 = arith.constant 0 : i32
    return %arg0, %c0_i32 : i32, i32
  }
  func.func @transform_5(%arg0: i32) -> (i32, i32) {
    %c0_i32 = arith.constant 0 : i32
    %c0_i32_0 = arith.constant 0 : i32
    return %arg0, %c0_i32 : i32, i32
  }
  func.func @transform_6(%arg0: i32) -> (i32, i32) {
    %c0_i32 = arith.constant 0 : i32
    %c0_i32_0 = arith.constant 0 : i32
    return %arg0, %c0_i32 : i32, i32
  }
}

module attributes {stable_mosaic.version = 14 : i64} {
  func.func @_tc_gh_body(%arg0: i32, %arg1: memref<1280x128xf32, #tpu.memory_space<vmem>>, %arg2: memref<128x384xf32, #tpu.memory_space<vmem>>, %arg3: memref<1x384xf32, #tpu.memory_space<vmem>>, %arg4: memref<1280x384xf32, #tpu.memory_space<vmem>>) attributes {dimension_semantics = [#tpu.dimension_semantics<arbitrary>], iteration_bounds = array<i64: 8>, scalar_prefetch = 0 : i64, scratch_operands = 0 : i64, tpu.core_type = #tpu.core_type<tc>, window_params = [{transform_indices = @transform_0, window_bounds = array<i64: 1280, 128>}, {pipeline_mode = #tpu.pipeline_mode<synchronous>, transform_indices = @transform_1, window_bounds = array<i64: 128, 384>}, {pipeline_mode = #tpu.pipeline_mode<synchronous>, transform_indices = @transform_2, window_bounds = array<i64: 1, 384>}, {transform_indices = @transform_3, window_bounds = array<i64: 1280, 384>}]} {
    %get3A = arith.constant 0 : index
    %get3A_0 = arith.constant 0 : index
    %get3A_1 = vector.load %arg1[%get3A, %get3A_0] : memref<1280x128xf32, #tpu.memory_space<vmem>>, vector<1280x128xf32>
    %get3A_2 = arith.constant 0 : index
    %get3A_3 = arith.constant 0 : index
    %get3A_4 = vector.load %arg2[%get3A_2, %get3A_3] : memref<128x384xf32, #tpu.memory_space<vmem>>, vector<128x384xf32>
    %dot_general3A = arith.constant dense<0.000000e+00> : vector<1280x384xf32>
    %dot_general3A_5 = tpu.matmul %get3A_1, %get3A_4, %dot_general3A {dimension_numbers = #tpu.dot_dimension_numbers<[1], [0], [0], [1], [0, 0, 1, 1], [], []>, transpose_lhs_hint = false} : vector<1280x128xf32>, vector<128x384xf32>, vector<1280x384xf32> -> vector<1280x384xf32>
    %get3A_6 = arith.constant 0 : index
    %get3A_7 = arith.constant 0 : index
    %get3A_8 = vector.load %arg3[%get3A_6, %get3A_7] : memref<1x384xf32, #tpu.memory_space<vmem>>, vector<1x384xf32>
    %add3A = vector.broadcast %get3A_8 : vector<1x384xf32> to vector<1280x384xf32>
    %add3A_9 = arith.addf %dot_general3A_5, %add3A : vector<1280x384xf32>
    %swap3A = arith.constant 0 : index
    %swap3A_10 = arith.constant 0 : index
    %swap3A_11 = vector.load %arg4[%swap3A, %swap3A_10] : memref<1280x384xf32, #tpu.memory_space<vmem>>, vector<1280x384xf32>
    tpu.vector_store %arg4[%swap3A, %swap3A_10], %add3A_9 {strides = array<i32>} : memref<1280x384xf32, #tpu.memory_space<vmem>>, vector<1280x384xf32>,
    return
  }
  func.func @transform_0(%arg0: i32) -> (i32, i32) {
    %c0_i32 = arith.constant 0 : i32
    %c0_i32_0 = arith.constant 0 : i32
    return %arg0, %c0_i32 : i32, i32
  }
  func.func @transform_1(%arg0: i32) -> (i32, i32) {
    %c0_i32 = arith.constant 0 : i32
    %c0_i32_0 = arith.constant 0 : i32
    %c0_i32_1 = arith.constant 0 : i32
    return %c0_i32, %c0_i32_0 : i32, i32
  }
  func.func @transform_2(%arg0: i32) -> (i32, i32) {
    %c0_i32 = arith.constant 0 : i32
    %c0_i32_0 = arith.constant 0 : i32
    %c0_i32_1 = arith.constant 0 : i32
    return %c0_i32, %c0_i32_0 : i32, i32
  }
  func.func @transform_3(%arg0: i32) -> (i32, i32) {
    %c0_i32 = arith.constant 0 : i32
    %c0_i32_0 = arith.constant 0 : i32
    return %arg0, %c0_i32 : i32, i32
  }
}

module attributes {stable_mosaic.version = 14 : i64} {
  func.func @_tc_gru_body(%arg0: i32, %arg1: memref<1280x64xf32, #tpu.memory_space<vmem>>, %arg2: memref<1280x64xf32, #tpu.memory_space<vmem>>, %arg3: memref<1280x128xf32, #tpu.memory_space<vmem>>, %arg4: memref<1280x384xf32, #tpu.memory_space<vmem>>, %arg5: memref<128x384xf32, #tpu.memory_space<vmem>>, %arg6: memref<1x384xf32, #tpu.memory_space<vmem>>, %arg7: memref<128x128xf32, #tpu.memory_space<vmem>>, %arg8: memref<1280x128xf32, #tpu.memory_space<vmem>>, %arg9: memref<1280x64xf32, #tpu.memory_space<vmem>>, %arg10: memref<1280x64xf32, #tpu.memory_space<vmem>>) attributes {dimension_semantics = [#tpu.dimension_semantics<arbitrary>], iteration_bounds = array<i64: 8>, scalar_prefetch = 0 : i64, scratch_operands = 0 : i64, tpu.core_type = #tpu.core_type<tc>, window_params = [{transform_indices = @transform_0, window_bounds = array<i64: 1280, 64>}, {transform_indices = @transform_1, window_bounds = array<i64: 1280, 64>}, {transform_indices = @transform_2, window_bounds = array<i64: 1280, 128>}, {transform_indices = @transform_3, window_bounds = array<i64: 1280, 384>}, {pipeline_mode = #tpu.pipeline_mode<synchronous>, transform_indices = @transform_4, window_bounds = array<i64: 128, 384>}, {pipeline_mode = #tpu.pipeline_mode<synchronous>, transform_indices = @transform_5, window_bounds = array<i64: 1, 384>}, {pipeline_mode = #tpu.pipeline_mode<synchronous>, transform_indices = @transform_6, window_bounds = array<i64: 128, 128>}, {transform_indices = @transform_7, window_bounds = array<i64: 1280, 128>}, {transform_indices = @transform_8, window_bounds = array<i64: 1280, 64>}, {transform_indices = @transform_9, window_bounds = array<i64: 1280, 64>}]} {
    %get3A = arith.constant 0 : index
    %get3A_0 = arith.constant 0 : index
    %get3A_1 = vector.load %arg1[%get3A, %get3A_0] : memref<1280x64xf32, #tpu.memory_space<vmem>>, vector<1280x64xf32>
    %get3A_2 = arith.constant 0 : index
    %get3A_3 = arith.constant 0 : index
    %get3A_4 = vector.load %arg2[%get3A_2, %get3A_3] : memref<1280x64xf32, #tpu.memory_space<vmem>>, vector<1280x64xf32>
    %concatenate3A = tpu.concatenate %get3A_1, %get3A_4 in 1 : vector<1280x64xf32>, vector<1280x64xf32> -> vector<1280x128xf32>
    %get3A_5 = arith.constant 0 : index
    %get3A_6 = arith.constant 0 : index
    %get3A_7 = vector.load %arg3[%get3A_5, %get3A_6] : memref<1280x128xf32, #tpu.memory_space<vmem>>, vector<1280x128xf32>
    %get3A_8 = arith.constant 0 : index
    %get3A_9 = arith.constant 0 : index
    %get3A_10 = vector.load %arg4[%get3A_8, %get3A_9] : memref<1280x384xf32, #tpu.memory_space<vmem>>, vector<1280x384xf32>
    %get3A_11 = arith.constant 0 : index
    %get3A_12 = arith.constant 0 : index
    %get3A_13 = vector.load %arg5[%get3A_11, %get3A_12] : memref<128x384xf32, #tpu.memory_space<vmem>>, vector<128x384xf32>
    %get3A_14 = arith.constant 0 : index
    %get3A_15 = arith.constant 0 : index
    %get3A_16 = vector.load %arg6[%get3A_14, %get3A_15] : memref<1x384xf32, #tpu.memory_space<vmem>>, vector<1x384xf32>
    %dot_general3A = arith.constant dense<0.000000e+00> : vector<1280x384xf32>
    %dot_general3A_17 = tpu.matmul %concatenate3A, %get3A_13, %dot_general3A {dimension_numbers = #tpu.dot_dimension_numbers<[1], [0], [0], [1], [0, 0, 1, 1], [], []>, transpose_lhs_hint = false} : vector<1280x128xf32>, vector<128x384xf32>, vector<1280x384xf32> -> vector<1280x384xf32>
    %add3A = vector.broadcast %get3A_16 : vector<1x384xf32> to vector<1280x384xf32>
    %add3A_18 = arith.addf %dot_general3A_17, %add3A : vector<1280x384xf32>
    %slice3A = vector.extract_strided_slice %add3A_18 {offsets = [0, 0], sizes = [1280, 128], strides = [1, 1]} : vector<1280x384xf32> to vector<1280x128xf32>
    %slice3A_19 = vector.extract_strided_slice %get3A_10 {offsets = [0, 0], sizes = [1280, 128], strides = [1, 1]} : vector<1280x384xf32> to vector<1280x128xf32>
    %add3A_20 = arith.addf %slice3A, %slice3A_19 : vector<1280x128xf32>
    %logistic3A = arith.negf %add3A_20 : vector<1280x128xf32>
    %logistic3A_21 = math.exp %logistic3A : vector<1280x128xf32>
    %logistic3A_22 = arith.constant 1.000000e+00 : f32
    %logistic3A_23 = vector.broadcast %logistic3A_22 : f32 to vector<1280x128xf32>
    %logistic3A_24 = arith.addf %logistic3A_23, %logistic3A_21 : vector<1280x128xf32>
    %logistic3A_25 = arith.divf %logistic3A_23, %logistic3A_24 : vector<1280x128xf32>
    %slice3A_26 = vector.extract_strided_slice %add3A_18 {offsets = [0, 128], sizes = [1280, 128], strides = [1, 1]} : vector<1280x384xf32> to vector<1280x128xf32>
    %slice3A_27 = vector.extract_strided_slice %get3A_10 {offsets = [0, 128], sizes = [1280, 128], strides = [1, 1]} : vector<1280x384xf32> to vector<1280x128xf32>
    %add3A_28 = arith.addf %slice3A_26, %slice3A_27 : vector<1280x128xf32>
    %logistic3A_29 = arith.negf %add3A_28 : vector<1280x128xf32>
    %logistic3A_30 = math.exp %logistic3A_29 : vector<1280x128xf32>
    %logistic3A_31 = arith.constant 1.000000e+00 : f32
    %logistic3A_32 = vector.broadcast %logistic3A_31 : f32 to vector<1280x128xf32>
    %logistic3A_33 = arith.addf %logistic3A_32, %logistic3A_30 : vector<1280x128xf32>
    %logistic3A_34 = arith.divf %logistic3A_32, %logistic3A_33 : vector<1280x128xf32>
    %slice3A_35 = vector.extract_strided_slice %add3A_18 {offsets = [0, 256], sizes = [1280, 128], strides = [1, 1]} : vector<1280x384xf32> to vector<1280x128xf32>
    %slice3A_36 = vector.extract_strided_slice %get3A_10 {offsets = [0, 256], sizes = [1280, 128], strides = [1, 1]} : vector<1280x384xf32> to vector<1280x128xf32>
    %mul3A = arith.mulf %logistic3A_25, %slice3A_36 : vector<1280x128xf32>
    %add3A_37 = arith.addf %slice3A_35, %mul3A : vector<1280x128xf32>
    %tanh3A = math.tanh %add3A_37 : vector<1280x128xf32>
    %sub3A = arith.constant 1.000000e+00 : f32
    %sub3A_38 = vector.broadcast %sub3A : f32 to vector<1280x128xf32>
    %sub3A_39 = arith.subf %sub3A_38, %logistic3A_34 : vector<1280x128xf32>
    %mul3A_40 = arith.mulf %sub3A_39, %tanh3A : vector<1280x128xf32>
    %mul3A_41 = arith.mulf %logistic3A_34, %get3A_7 : vector<1280x128xf32>
    %add3A_42 = arith.addf %mul3A_40, %mul3A_41 : vector<1280x128xf32>
    %swap3A = arith.constant 0 : index
    %swap3A_43 = arith.constant 0 : index
    %swap3A_44 = vector.load %arg8[%swap3A, %swap3A_43] : memref<1280x128xf32, #tpu.memory_space<vmem>>, vector<1280x128xf32>
    tpu.vector_store %arg8[%swap3A, %swap3A_43], %add3A_42 {strides = array<i32>} : memref<1280x128xf32, #tpu.memory_space<vmem>>, vector<1280x128xf32>,
    %get3A_45 = arith.constant 0 : index
    %get3A_46 = arith.constant 0 : index
    %get3A_47 = vector.load %arg7[%get3A_45, %get3A_46] : memref<128x128xf32, #tpu.memory_space<vmem>>, vector<128x128xf32>
    %dot_general3A_48 = arith.constant dense<0.000000e+00> : vector<1280x128xf32>
    %dot_general3A_49 = tpu.matmul %add3A_42, %get3A_47, %dot_general3A_48 {dimension_numbers = #tpu.dot_dimension_numbers<[1], [0], [0], [1], [0, 0, 1, 1], [], []>, transpose_lhs_hint = false} : vector<1280x128xf32>, vector<128x128xf32>, vector<1280x128xf32> -> vector<1280x128xf32>
    %slice3A_50 = vector.extract_strided_slice %dot_general3A_49 {offsets = [0, 0], sizes = [1280, 64], strides = [1, 1]} : vector<1280x128xf32> to vector<1280x64xf32>
    %swap3A_51 = arith.constant 0 : index
    %swap3A_52 = arith.constant 0 : index
    %swap3A_53 = vector.load %arg9[%swap3A_51, %swap3A_52] : memref<1280x64xf32, #tpu.memory_space<vmem>>, vector<1280x64xf32>
    tpu.vector_store %arg9[%swap3A_51, %swap3A_52], %slice3A_50 {strides = array<i32>} : memref<1280x64xf32, #tpu.memory_space<vmem>>, vector<1280x64xf32>,
    %slice3A_54 = vector.extract_strided_slice %dot_general3A_49 {offsets = [0, 64], sizes = [1280, 64], strides = [1, 1]} : vector<1280x128xf32> to vector<1280x64xf32>
    %swap3A_55 = arith.constant 0 : index
    %swap3A_56 = arith.constant 0 : index
    %swap3A_57 = vector.load %arg10[%swap3A_55, %swap3A_56] : memref<1280x64xf32, #tpu.memory_space<vmem>>, vector<1280x64xf32>
    tpu.vector_store %arg10[%swap3A_55, %swap3A_56], %slice3A_54 {strides = array<i32>} : memref<1280x64xf32, #tpu.memory_space<vmem>>, vector<1280x64xf32>,
    return
  }
  func.func @transform_0(%arg0: i32) -> (i32, i32) {
    %c0_i32 = arith.constant 0 : i32
    %c0_i32_0 = arith.constant 0 : i32
    return %arg0, %c0_i32 : i32, i32
  }
  func.func @transform_1(%arg0: i32) -> (i32, i32) {
    %add3A = arith.constant 8 : i32
    %add3A_0 = arith.addi %arg0, %add3A : i32
    %c0_i32 = arith.constant 0 : i32
    %c0_i32_1 = arith.constant 0 : i32
    return %add3A_0, %c0_i32 : i32, i32
  }
  func.func @transform_2(%arg0: i32) -> (i32, i32) {
    %c0_i32 = arith.constant 0 : i32
    %c0_i32_0 = arith.constant 0 : i32
    return %arg0, %c0_i32 : i32, i32
  }
  func.func @transform_3(%arg0: i32) -> (i32, i32) {
    %c0_i32 = arith.constant 0 : i32
    %c0_i32_0 = arith.constant 0 : i32
    return %arg0, %c0_i32 : i32, i32
  }
  func.func @transform_4(%arg0: i32) -> (i32, i32) {
    %c0_i32 = arith.constant 0 : i32
    %c0_i32_0 = arith.constant 0 : i32
    %c0_i32_1 = arith.constant 0 : i32
    return %c0_i32, %c0_i32_0 : i32, i32
  }
  func.func @transform_5(%arg0: i32) -> (i32, i32) {
    %c0_i32 = arith.constant 0 : i32
    %c0_i32_0 = arith.constant 0 : i32
    %c0_i32_1 = arith.constant 0 : i32
    return %c0_i32, %c0_i32_0 : i32, i32
  }
  func.func @transform_6(%arg0: i32) -> (i32, i32) {
    %c0_i32 = arith.constant 0 : i32
    %c0_i32_0 = arith.constant 0 : i32
    %c0_i32_1 = arith.constant 0 : i32
    return %c0_i32, %c0_i32_0 : i32, i32
  }
  func.func @transform_7(%arg0: i32) -> (i32, i32) {
    %c0_i32 = arith.constant 0 : i32
    %c0_i32_0 = arith.constant 0 : i32
    return %arg0, %c0_i32 : i32, i32
  }
  func.func @transform_8(%arg0: i32) -> (i32, i32) {
    %c0_i32 = arith.constant 0 : i32
    %c0_i32_0 = arith.constant 0 : i32
    return %arg0, %c0_i32 : i32, i32
  }
  func.func @transform_9(%arg0: i32) -> (i32, i32) {
    %c0_i32 = arith.constant 0 : i32
    %c0_i32_0 = arith.constant 0 : i32
    return %arg0, %c0_i32 : i32, i32
  }
}

module attributes {stable_mosaic.version = 14 : i64} {
  func.func @_tc_pool_body(%arg0: memref<10240x128xf32, #tpu.memory_space<vmem>>, %arg1: memref<10240x1xi32, #tpu.memory_space<vmem>>, %arg2: memref<128x1xf32, #tpu.memory_space<vmem>>, %arg3: memref<1x1xf32, #tpu.memory_space<vmem>>, %arg4: memref<128x128xf32, #tpu.memory_space<vmem>>, %arg5: memref<1x128xf32, #tpu.memory_space<vmem>>, %arg6: memref<128x128xf32, #tpu.memory_space<vmem>>, %arg7: memref<1x128xf32, #tpu.memory_space<vmem>>, %arg8: memref<128x1xf32, #tpu.memory_space<vmem>>, %arg9: memref<1x1xf32, #tpu.memory_space<vmem>>, %arg10: memref<256x1xf32, #tpu.memory_space<vmem>>) attributes {dimension_semantics = [], scalar_prefetch = 0 : i64, scratch_operands = 0 : i64, tpu.core_type = #tpu.core_type<tc>} {
    %iota3A = tpu.iota {dimensions = array<i32: 1>} : vector<1x256xi32>
    %get3A = arith.constant 0 : index
    %get3A_0 = arith.constant 0 : index
    %get3A_1 = vector.load %arg2[%get3A, %get3A_0] : memref<128x1xf32, #tpu.memory_space<vmem>>, vector<128x1xf32>
    %get3A_2 = arith.constant 0 : index
    %get3A_3 = arith.constant 0 : index
    %get3A_4 = vector.load %arg3[%get3A_2, %get3A_3] : memref<1x1xf32, #tpu.memory_space<vmem>>, vector<1x1xf32>
    %broadcast_in_dim3A = arith.constant -1.000000e+30 : f32
    %broadcast_in_dim3A_5 = vector.broadcast %broadcast_in_dim3A : f32 to vector<1x256xf32>
    %scan3A = arith.constant 0 : i32
    %scan3A_6 = arith.constant 40 : i32
    %scan3A_7 = arith.addi %scan3A, %scan3A_6 : i32
    %scan3A_8 = arith.constant 1 : i32
    %scan3A_9 = scf.for %scan3A_60 = %scan3A to %scan3A_7 step %scan3A_8 iter_args(%scan3A_61 = %broadcast_in_dim3A_5) -> (vector<1x256xf32>)  : i32 {
      %mul3A = arith.constant 256 : i32
      %mul3A_62 = arith.muli %scan3A_60, %mul3A : i32
      %get3A_63 = arith.index_cast %mul3A_62 : i32 to index
      %get3A_64 = arith.constant 0 : index
      %get3A_65 = vector.load %arg1[%get3A_63, %get3A_64] : memref<10240x1xi32, #tpu.memory_space<vmem>>, vector<256x1xi32>
      %lt3A = arith.constant 256 : i32
      %lt3A_66 = vector.broadcast %lt3A : i32 to vector<256x1xi32>
      %lt3A_67 = arith.cmpi slt, %get3A_65, %lt3A_66 : vector<256x1xi32>
      %get3A_68 = arith.index_cast %mul3A_62 : i32 to index
      %get3A_69 = arith.constant 0 : index
      %get3A_70 = vector.load %arg0[%get3A_68, %get3A_69] : memref<10240x128xf32, #tpu.memory_space<vmem>>, vector<256x128xf32>
      %jit3A = arith.constant 0.000000e+00 : f32
      %broadcast_in_dim3A_71 = vector.shape_cast %lt3A_67 : vector<256x1xi1> to vector<256x1xi1>
      %broadcast_in_dim3A_72 = vector.broadcast %broadcast_in_dim3A_71 : vector<256x1xi1> to vector<256x128xi1>
      %broadcast_in_dim3A_73 = vector.broadcast %jit3A : f32 to vector<256x128xf32>
      %select_n3A = arith.select %broadcast_in_dim3A_72, %get3A_70, %broadcast_in_dim3A_73 : vector<256x128xi1>, vector<256x128xf32>
      %eq3A = vector.broadcast %get3A_65 : vector<256x1xi32> to vector<256x256xi32>
      %eq3A_74 = vector.broadcast %iota3A : vector<1x256xi32> to vector<256x256xi32>
      %eq3A_75 = arith.cmpi eq, %eq3A, %eq3A_74 : vector<256x256xi32>
      %dot_general3A_76 = arith.constant dense<0.000000e+00> : vector<256x1xf32>
      %dot_general3A_77 = tpu.matmul %select_n3A, %get3A_1, %dot_general3A_76 {dimension_numbers = #tpu.dot_dimension_numbers<[1], [0], [0], [1], [0, 0, 1, 1], [], []>, transpose_lhs_hint = false} : vector<256x128xf32>, vector<128x1xf32>, vector<256x1xf32> -> vector<256x1xf32>
      %add3A_78 = vector.broadcast %get3A_4 : vector<1x1xf32> to vector<256x1xf32>
      %add3A_79 = arith.addf %dot_general3A_77, %add3A_78 : vector<256x1xf32>
      %jit3A_80 = arith.constant -1.000000e+30 : f32
      %broadcast_in_dim3A_81 = vector.shape_cast %add3A_79 : vector<256x1xf32> to vector<256x1xf32>
      %broadcast_in_dim3A_82 = vector.broadcast %broadcast_in_dim3A_81 : vector<256x1xf32> to vector<256x256xf32>
      %broadcast_in_dim3A_83 = vector.broadcast %jit3A_80 : f32 to vector<256x256xf32>
      %select_n3A_84 = arith.select %eq3A_75, %broadcast_in_dim3A_82, %broadcast_in_dim3A_83 : vector<256x256xi1>, vector<256x256xf32>
      %reduce_max3A = arith.constant dense<0xFF800000> : vector<256xf32>
      %reduce_max3A_85 = vector.multi_reduction <maximumf>, %select_n3A_84, %reduce_max3A [0] : vector<256x256xf32> to vector<256xf32>
      %broadcast_in_dim3A_86 = vector.shape_cast %reduce_max3A_85 : vector<256xf32> to vector<1x256xf32>
      %max3A_87 = arith.maximumf %scan3A_61, %broadcast_in_dim3A_86 : vector<1x256xf32>
      scf.yield %max3A_87 : vector<1x256xf32>
    }
    %scan3A_10 = arith.constant 40 : i32
    %broadcast_in_dim3A_11 = arith.constant 0.000000e+00 : f32
    %broadcast_in_dim3A_12 = vector.broadcast %broadcast_in_dim3A_11 : f32 to vector<256x1xf32>
    %broadcast_in_dim3A_13 = arith.constant 0.000000e+00 : f32
    %broadcast_in_dim3A_14 = vector.broadcast %broadcast_in_dim3A_13 : f32 to vector<256x128xf32>
    %scan3A_15 = arith.constant 0 : i32
    %scan3A_16 = arith.constant 40 : i32
    %scan3A_17 = arith.addi %scan3A_15, %scan3A_16 : i32
    %scan3A_18 = arith.constant 1 : i32
    %scan3A_19:2 = scf.for %scan3A_60 = %scan3A_15 to %scan3A_17 step %scan3A_18 iter_args(%scan3A_61 = %broadcast_in_dim3A_12, %scan3A_62 = %broadcast_in_dim3A_14) -> (vector<256x1xf32>, vector<256x128xf32>)  : i32 {
      %mul3A = arith.constant 256 : i32
      %mul3A_63 = arith.muli %scan3A_60, %mul3A : i32
      %get3A_64 = arith.index_cast %mul3A_63 : i32 to index
      %get3A_65 = arith.constant 0 : index
      %get3A_66 = vector.load %arg1[%get3A_64, %get3A_65] : memref<10240x1xi32, #tpu.memory_space<vmem>>, vector<256x1xi32>
      %lt3A = arith.constant 256 : i32
      %lt3A_67 = vector.broadcast %lt3A : i32 to vector<256x1xi32>
      %lt3A_68 = arith.cmpi slt, %get3A_66, %lt3A_67 : vector<256x1xi32>
      %get3A_69 = arith.index_cast %mul3A_63 : i32 to index
      %get3A_70 = arith.constant 0 : index
      %get3A_71 = vector.load %arg0[%get3A_69, %get3A_70] : memref<10240x128xf32, #tpu.memory_space<vmem>>, vector<256x128xf32>
      %jit3A = arith.constant 0.000000e+00 : f32
      %broadcast_in_dim3A_72 = vector.shape_cast %lt3A_68 : vector<256x1xi1> to vector<256x1xi1>
      %broadcast_in_dim3A_73 = vector.broadcast %broadcast_in_dim3A_72 : vector<256x1xi1> to vector<256x128xi1>
      %broadcast_in_dim3A_74 = vector.broadcast %jit3A : f32 to vector<256x128xf32>
      %select_n3A = arith.select %broadcast_in_dim3A_73, %get3A_71, %broadcast_in_dim3A_74 : vector<256x128xi1>, vector<256x128xf32>
      %eq3A = vector.broadcast %get3A_66 : vector<256x1xi32> to vector<256x256xi32>
      %eq3A_75 = vector.broadcast %iota3A : vector<1x256xi32> to vector<256x256xi32>
      %eq3A_76 = arith.cmpi eq, %eq3A, %eq3A_75 : vector<256x256xi32>
      %dot_general3A_77 = arith.constant dense<0.000000e+00> : vector<256x1xf32>
      %dot_general3A_78 = tpu.matmul %select_n3A, %get3A_1, %dot_general3A_77 {dimension_numbers = #tpu.dot_dimension_numbers<[1], [0], [0], [1], [0, 0, 1, 1], [], []>, transpose_lhs_hint = false} : vector<256x128xf32>, vector<128x1xf32>, vector<256x1xf32> -> vector<256x1xf32>
      %add3A_79 = vector.broadcast %get3A_4 : vector<1x1xf32> to vector<256x1xf32>
      %add3A_80 = arith.addf %dot_general3A_78, %add3A_79 : vector<256x1xf32>
      %convert_element_type3A = arith.extui %eq3A_76 : vector<256x256xi1> to vector<256x256xi32>
      %convert_element_type3A_81 = arith.sitofp %convert_element_type3A : vector<256x256xi32> to vector<256x256xf32>
      %dot_general3A_82 = arith.constant dense<0.000000e+00> : vector<256x1xf32>
      %dot_general3A_83 = tpu.matmul %convert_element_type3A_81, %scan3A_9, %dot_general3A_82 {dimension_numbers = #tpu.dot_dimension_numbers<[1], [1], [0], [0], [0, 0, 1, 0], [], []>, precision = #tpu.contract_precision<fp32>, transpose_lhs_hint = false} : vector<256x256xf32>, vector<1x256xf32>, vector<256x1xf32> -> vector<256x1xf32>
      %sub3A = arith.subf %add3A_80, %dot_general3A_83 : vector<256x1xf32>
      %exp3A = math.exp %sub3A : vector<256x1xf32>
      %dot_general3A_84 = arith.constant dense<0.000000e+00> : vector<256x1xf32>
      %dot_general3A_85 = tpu.matmul %convert_element_type3A_81, %exp3A, %dot_general3A_84 {dimension_numbers = #tpu.dot_dimension_numbers<[0], [0], [1], [1], [0, 1, 1, 1], [], []>, precision = #tpu.contract_precision<fp32>, transpose_lhs_hint = false} : vector<256x256xf32>, vector<256x1xf32>, vector<256x1xf32> -> vector<256x1xf32>
      %add3A_86 = arith.addf %scan3A_61, %dot_general3A_85 : vector<256x1xf32>
      %mul3A_87 = vector.broadcast %exp3A : vector<256x1xf32> to vector<256x256xf32>
      %mul3A_88 = arith.mulf %convert_element_type3A_81, %mul3A_87 : vector<256x256xf32>
      %dot_general3A_89 = arith.constant dense<0.000000e+00> : vector<256x128xf32>
      %dot_general3A_90 = tpu.matmul %mul3A_88, %select_n3A, %dot_general3A_89 {dimension_numbers = #tpu.dot_dimension_numbers<[0], [0], [1], [1], [0, 1, 1, 1], [], []>, precision = #tpu.contract_precision<fp32>, transpose_lhs_hint = false} : vector<256x256xf32>, vector<256x128xf32>, vector<256x128xf32> -> vector<256x128xf32>
      %add3A_91 = arith.addf %scan3A_62, %dot_general3A_90 : vector<256x128xf32>
      scf.yield %add3A_86, %add3A_91 : vector<256x1xf32>, vector<256x128xf32>
    }
    %scan3A_20 = arith.constant 40 : i32
    %add3A = arith.constant 1.000000e-16 : f32
    %add3A_21 = vector.broadcast %add3A : f32 to vector<256x1xf32>
    %add3A_22 = arith.addf %scan3A_19#0, %add3A_21 : vector<256x1xf32>
    %div3A = vector.broadcast %add3A_22 : vector<256x1xf32> to vector<256x128xf32>
    %div3A_23 = arith.divf %scan3A_19#1, %div3A : vector<256x128xf32>
    %get3A_24 = arith.constant 0 : index
    %get3A_25 = arith.constant 0 : index
    %get3A_26 = vector.load %arg4[%get3A_24, %get3A_25] : memref<128x128xf32, #tpu.memory_space<vmem>>, vector<128x128xf32>
    %dot_general3A = arith.constant dense<0.000000e+00> : vector<256x128xf32>
    %dot_general3A_27 = tpu.matmul %div3A_23, %get3A_26, %dot_general3A {dimension_numbers = #tpu.dot_dimension_numbers<[1], [0], [0], [1], [0, 0, 1, 1], [], []>, transpose_lhs_hint = false} : vector<256x128xf32>, vector<128x128xf32>, vector<256x128xf32> -> vector<256x128xf32>
    %get3A_28 = arith.constant 0 : index
    %get3A_29 = arith.constant 0 : index
    %get3A_30 = vector.load %arg5[%get3A_28, %get3A_29] : memref<1x128xf32, #tpu.memory_space<vmem>>, vector<1x128xf32>
    %add3A_31 = vector.broadcast %get3A_30 : vector<1x128xf32> to vector<256x128xf32>
    %add3A_32 = arith.addf %dot_general3A_27, %add3A_31 : vector<256x128xf32>
    %max3A = arith.constant 0.000000e+00 : f32
    %max3A_33 = vector.broadcast %max3A : f32 to vector<256x128xf32>
    %max3A_34 = arith.maximumf %add3A_32, %max3A_33 : vector<256x128xf32>
    %get3A_35 = arith.constant 0 : index
    %get3A_36 = arith.constant 0 : index
    %get3A_37 = vector.load %arg6[%get3A_35, %get3A_36] : memref<128x128xf32, #tpu.memory_space<vmem>>, vector<128x128xf32>
    %dot_general3A_38 = arith.constant dense<0.000000e+00> : vector<256x128xf32>
    %dot_general3A_39 = tpu.matmul %max3A_34, %get3A_37, %dot_general3A_38 {dimension_numbers = #tpu.dot_dimension_numbers<[1], [0], [0], [1], [0, 0, 1, 1], [], []>, transpose_lhs_hint = false} : vector<256x128xf32>, vector<128x128xf32>, vector<256x128xf32> -> vector<256x128xf32>
    %get3A_40 = arith.constant 0 : index
    %get3A_41 = arith.constant 0 : index
    %get3A_42 = vector.load %arg7[%get3A_40, %get3A_41] : memref<1x128xf32, #tpu.memory_space<vmem>>, vector<1x128xf32>
    %add3A_43 = vector.broadcast %get3A_42 : vector<1x128xf32> to vector<256x128xf32>
    %add3A_44 = arith.addf %dot_general3A_39, %add3A_43 : vector<256x128xf32>
    %max3A_45 = arith.constant 0.000000e+00 : f32
    %max3A_46 = vector.broadcast %max3A_45 : f32 to vector<256x128xf32>
    %max3A_47 = arith.maximumf %add3A_44, %max3A_46 : vector<256x128xf32>
    %get3A_48 = arith.constant 0 : index
    %get3A_49 = arith.constant 0 : index
    %get3A_50 = vector.load %arg8[%get3A_48, %get3A_49] : memref<128x1xf32, #tpu.memory_space<vmem>>, vector<128x1xf32>
    %dot_general3A_51 = arith.constant dense<0.000000e+00> : vector<256x1xf32>
    %dot_general3A_52 = tpu.matmul %max3A_47, %get3A_50, %dot_general3A_51 {dimension_numbers = #tpu.dot_dimension_numbers<[1], [0], [0], [1], [0, 0, 1, 1], [], []>, transpose_lhs_hint = false} : vector<256x128xf32>, vector<128x1xf32>, vector<256x1xf32> -> vector<256x1xf32>
    %get3A_53 = arith.constant 0 : index
    %get3A_54 = arith.constant 0 : index
    %get3A_55 = vector.load %arg9[%get3A_53, %get3A_54] : memref<1x1xf32, #tpu.memory_space<vmem>>, vector<1x1xf32>
    %add3A_56 = vector.broadcast %get3A_55 : vector<1x1xf32> to vector<256x1xf32>
    %add3A_57 = arith.addf %dot_general3A_52, %add3A_56 : vector<256x1xf32>
    %swap3A = arith.constant 0 : index
    %swap3A_58 = arith.constant 0 : index
    %swap3A_59 = vector.load %arg10[%swap3A, %swap3A_58] : memref<256x1xf32, #tpu.memory_space<vmem>>, vector<256x1xf32>
    tpu.vector_store %arg10[%swap3A, %swap3A_58], %add3A_57 {strides = array<i32>} : memref<256x1xf32, #tpu.memory_space<vmem>>, vector<256x1xf32>,
    return
  }
}

module attributes {stable_mosaic.version = 14 : i64} {
  func.func @_tc_gru_last_body(%arg0: i32, %arg1: memref<1280x64xf32, #tpu.memory_space<vmem>>, %arg2: memref<1280x64xf32, #tpu.memory_space<vmem>>, %arg3: memref<1280x128xf32, #tpu.memory_space<vmem>>, %arg4: memref<1280x384xf32, #tpu.memory_space<vmem>>, %arg5: memref<128x384xf32, #tpu.memory_space<vmem>>, %arg6: memref<1x384xf32, #tpu.memory_space<vmem>>, %arg7: memref<1280x128xf32, #tpu.memory_space<vmem>>) attributes {dimension_semantics = [#tpu.dimension_semantics<arbitrary>], iteration_bounds = array<i64: 8>, scalar_prefetch = 0 : i64, scratch_operands = 0 : i64, tpu.core_type = #tpu.core_type<tc>, window_params = [{transform_indices = @transform_0, window_bounds = array<i64: 1280, 64>}, {transform_indices = @transform_1, window_bounds = array<i64: 1280, 64>}, {transform_indices = @transform_2, window_bounds = array<i64: 1280, 128>}, {transform_indices = @transform_3, window_bounds = array<i64: 1280, 384>}, {pipeline_mode = #tpu.pipeline_mode<synchronous>, transform_indices = @transform_4, window_bounds = array<i64: 128, 384>}, {pipeline_mode = #tpu.pipeline_mode<synchronous>, transform_indices = @transform_5, window_bounds = array<i64: 1, 384>}, {transform_indices = @transform_6, window_bounds = array<i64: 1280, 128>}]} {
    %get3A = arith.constant 0 : index
    %get3A_0 = arith.constant 0 : index
    %get3A_1 = vector.load %arg1[%get3A, %get3A_0] : memref<1280x64xf32, #tpu.memory_space<vmem>>, vector<1280x64xf32>
    %get3A_2 = arith.constant 0 : index
    %get3A_3 = arith.constant 0 : index
    %get3A_4 = vector.load %arg2[%get3A_2, %get3A_3] : memref<1280x64xf32, #tpu.memory_space<vmem>>, vector<1280x64xf32>
    %concatenate3A = tpu.concatenate %get3A_1, %get3A_4 in 1 : vector<1280x64xf32>, vector<1280x64xf32> -> vector<1280x128xf32>
    %get3A_5 = arith.constant 0 : index
    %get3A_6 = arith.constant 0 : index
    %get3A_7 = vector.load %arg3[%get3A_5, %get3A_6] : memref<1280x128xf32, #tpu.memory_space<vmem>>, vector<1280x128xf32>
    %get3A_8 = arith.constant 0 : index
    %get3A_9 = arith.constant 0 : index
    %get3A_10 = vector.load %arg4[%get3A_8, %get3A_9] : memref<1280x384xf32, #tpu.memory_space<vmem>>, vector<1280x384xf32>
    %get3A_11 = arith.constant 0 : index
    %get3A_12 = arith.constant 0 : index
    %get3A_13 = vector.load %arg5[%get3A_11, %get3A_12] : memref<128x384xf32, #tpu.memory_space<vmem>>, vector<128x384xf32>
    %get3A_14 = arith.constant 0 : index
    %get3A_15 = arith.constant 0 : index
    %get3A_16 = vector.load %arg6[%get3A_14, %get3A_15] : memref<1x384xf32, #tpu.memory_space<vmem>>, vector<1x384xf32>
    %dot_general3A = arith.constant dense<0.000000e+00> : vector<1280x384xf32>
    %dot_general3A_17 = tpu.matmul %concatenate3A, %get3A_13, %dot_general3A {dimension_numbers = #tpu.dot_dimension_numbers<[1], [0], [0], [1], [0, 0, 1, 1], [], []>, transpose_lhs_hint = false} : vector<1280x128xf32>, vector<128x384xf32>, vector<1280x384xf32> -> vector<1280x384xf32>
    %add3A = vector.broadcast %get3A_16 : vector<1x384xf32> to vector<1280x384xf32>
    %add3A_18 = arith.addf %dot_general3A_17, %add3A : vector<1280x384xf32>
    %slice3A = vector.extract_strided_slice %add3A_18 {offsets = [0, 0], sizes = [1280, 128], strides = [1, 1]} : vector<1280x384xf32> to vector<1280x128xf32>
    %slice3A_19 = vector.extract_strided_slice %get3A_10 {offsets = [0, 0], sizes = [1280, 128], strides = [1, 1]} : vector<1280x384xf32> to vector<1280x128xf32>
    %add3A_20 = arith.addf %slice3A, %slice3A_19 : vector<1280x128xf32>
    %logistic3A = arith.negf %add3A_20 : vector<1280x128xf32>
    %logistic3A_21 = math.exp %logistic3A : vector<1280x128xf32>
    %logistic3A_22 = arith.constant 1.000000e+00 : f32
    %logistic3A_23 = vector.broadcast %logistic3A_22 : f32 to vector<1280x128xf32>
    %logistic3A_24 = arith.addf %logistic3A_23, %logistic3A_21 : vector<1280x128xf32>
    %logistic3A_25 = arith.divf %logistic3A_23, %logistic3A_24 : vector<1280x128xf32>
    %slice3A_26 = vector.extract_strided_slice %add3A_18 {offsets = [0, 128], sizes = [1280, 128], strides = [1, 1]} : vector<1280x384xf32> to vector<1280x128xf32>
    %slice3A_27 = vector.extract_strided_slice %get3A_10 {offsets = [0, 128], sizes = [1280, 128], strides = [1, 1]} : vector<1280x384xf32> to vector<1280x128xf32>
    %add3A_28 = arith.addf %slice3A_26, %slice3A_27 : vector<1280x128xf32>
    %logistic3A_29 = arith.negf %add3A_28 : vector<1280x128xf32>
    %logistic3A_30 = math.exp %logistic3A_29 : vector<1280x128xf32>
    %logistic3A_31 = arith.constant 1.000000e+00 : f32
    %logistic3A_32 = vector.broadcast %logistic3A_31 : f32 to vector<1280x128xf32>
    %logistic3A_33 = arith.addf %logistic3A_32, %logistic3A_30 : vector<1280x128xf32>
    %logistic3A_34 = arith.divf %logistic3A_32, %logistic3A_33 : vector<1280x128xf32>
    %slice3A_35 = vector.extract_strided_slice %add3A_18 {offsets = [0, 256], sizes = [1280, 128], strides = [1, 1]} : vector<1280x384xf32> to vector<1280x128xf32>
    %slice3A_36 = vector.extract_strided_slice %get3A_10 {offsets = [0, 256], sizes = [1280, 128], strides = [1, 1]} : vector<1280x384xf32> to vector<1280x128xf32>
    %mul3A = arith.mulf %logistic3A_25, %slice3A_36 : vector<1280x128xf32>
    %add3A_37 = arith.addf %slice3A_35, %mul3A : vector<1280x128xf32>
    %tanh3A = math.tanh %add3A_37 : vector<1280x128xf32>
    %sub3A = arith.constant 1.000000e+00 : f32
    %sub3A_38 = vector.broadcast %sub3A : f32 to vector<1280x128xf32>
    %sub3A_39 = arith.subf %sub3A_38, %logistic3A_34 : vector<1280x128xf32>
    %mul3A_40 = arith.mulf %sub3A_39, %tanh3A : vector<1280x128xf32>
    %mul3A_41 = arith.mulf %logistic3A_34, %get3A_7 : vector<1280x128xf32>
    %add3A_42 = arith.addf %mul3A_40, %mul3A_41 : vector<1280x128xf32>
    %swap3A = arith.constant 0 : index
    %swap3A_43 = arith.constant 0 : index
    %swap3A_44 = vector.load %arg7[%swap3A, %swap3A_43] : memref<1280x128xf32, #tpu.memory_space<vmem>>, vector<1280x128xf32>
    tpu.vector_store %arg7[%swap3A, %swap3A_43], %add3A_42 {strides = array<i32>} : memref<1280x128xf32, #tpu.memory_space<vmem>>, vector<1280x128xf32>,
    return
  }
  func.func @transform_0(%arg0: i32) -> (i32, i32) {
    %c0_i32 = arith.constant 0 : i32
    %c0_i32_0 = arith.constant 0 : i32
    return %arg0, %c0_i32 : i32, i32
  }
  func.func @transform_1(%arg0: i32) -> (i32, i32) {
    %add3A = arith.constant 8 : i32
    %add3A_0 = arith.addi %arg0, %add3A : i32
    %c0_i32 = arith.constant 0 : i32
    %c0_i32_1 = arith.constant 0 : i32
    return %add3A_0, %c0_i32 : i32, i32
  }
  func.func @transform_2(%arg0: i32) -> (i32, i32) {
    %c0_i32 = arith.constant 0 : i32
    %c0_i32_0 = arith.constant 0 : i32
    return %arg0, %c0_i32 : i32, i32
  }
  func.func @transform_3(%arg0: i32) -> (i32, i32) {
    %c0_i32 = arith.constant 0 : i32
    %c0_i32_0 = arith.constant 0 : i32
    return %arg0, %c0_i32 : i32, i32
  }
  func.func @transform_4(%arg0: i32) -> (i32, i32) {
    %c0_i32 = arith.constant 0 : i32
    %c0_i32_0 = arith.constant 0 : i32
    %c0_i32_1 = arith.constant 0 : i32
    return %c0_i32, %c0_i32_0 : i32, i32
  }
  func.func @transform_5(%arg0: i32) -> (i32, i32) {
    %c0_i32 = arith.constant 0 : i32
    %c0_i32_0 = arith.constant 0 : i32
    %c0_i32_1 = arith.constant 0 : i32
    return %c0_i32, %c0_i32_0 : i32, i32
  }
  func.func @transform_6(%arg0: i32) -> (i32, i32) {
    %c0_i32 = arith.constant 0 : i32
    %c0_i32_0 = arith.constant 0 : i32
    return %arg0, %c0_i32 : i32, i32
  }
}

</mosaic_0001>

<sc_bundles>
// kernel: kernel.13.cloned.1.call-start
scs
__scs_entry_jumppad:
0x0: {  	(pc) =	sbr.rel $0x88, $3  }
0x1: {  	(tag) =	ssettag $0x0;
	lr =	simm.s32 $0x1  }
0x2: {  	[smem:$0x3F8F] =	sst lr;
	_ =	strace $0xD0000000  }
0x3: {  	_ = 	snop  }
0x4: {  	_ = 	snop  }
0x5: {  	_ = 	snop  }
0x6: {  	_ = 	snop  }
0x7: {  	_ = 	snop  }
__scs_overlays_trampoline_lowered:
0x8: {  	[smem:$0x3F9E] =	sst s0  }
0x9: {  	[smem:$0x3F9F] =	sst s1  }
0xa: {  	[smem:$0x3FA0] =	sst s2  }
0xb: {  	[smem:$0x3FA1] =	sst s3  }
0xc: {  	[smem:$0x3FA2] =	sst s4  }
0xd: {  	[smem:$0x3FA3] =	sst s5  }
0xe: {  	[smem:$0x3FA4] =	sst s6  }
0xf: {  	[smem:$0x3FA5] =	sst s7  }
0x10: {  	[smem:$0x3FA6] =	sst s8  }
0x11: {  	[smem:$0x3FA7] =	sst s9;
	s0 =	simm.s32 @!p0 $0x0  }
0x12: {  	s1 =	sld [smem:$0x3F8D];
	s0 =	simm.s32 @p0 $0x1  }
0x13: {  	[smem:$0x3FA8] =	sst s0;
	s0 =	simm.s32 @!p1 $0x0  }
0x14: {  	s2 =	sld [smem:$0x3F8C];
	s0 =	simm.s32 @p1 $0x1  }
0x15: {  	[smem:$0x3FA9] =	sst s0;
	s0 =	simm.s32 @!p2 $0x0  }
0x16: {  	s3 =	sld [smem:$0x3FDB];
	s0 =	simm.s32 @p2 $0x1  }
0x17: {  	s4 =	simm.s32 $0x1BF5;
	[smem:$0x3FAB] =	sst s0  }
0x18: {  	s0 =	sld [smem:$0x3F8E];
	_ =	swait.ge [sflag:s4], $0x0  }
0x19: {  	s7 =	sld [smem:$0x3F8F]  }
0x1a: {  	s8 =	sadd.s32 $0xFFFFE003, lr  }
0x1b: {  	s9 =	sadd.s32 $0xFFFFFEF7, lr;
	s5 =	simm.s32 $0xFFFFFFFF;
	p2 =	slt.u32 s8, $0xFFFFF086  }
0x1c: {  	p1 =	slt.u32 s9, $0xF7A;
	s5 =	simm.s32 @!p2 $0x0  }
0x1d: {  	s5 =	simm.s32 @p1 $0x1;
	p0 =	seq.s32 s7, s2  }
0x1e: {  	s7 =	smul.u32 @!p0 $0xF7A, s2;
	p2 =	seq.s32 @!p0 s5, $0x0  }
0x1f: {  	s9 =	smul.u32 $0xF7A, s1;
	s8 =	simm.s32 @!p0 $0x1BF5;
	p2 =	por !p2, p0  }
0x20: {  	[sflag:s8] =	ssyncset.s32 @!p0 $0xFFFFF086;
	s6 =	sadd.s32 @!p0 s3, s7;
	s7 =	simm.s32 @!p0 $0x108  }
0x21: {  	s3 =	sadd.s32 s3, s9;
	s6 =	sadd.s32 @!p0 $0x88, s6;
	s7 =	simm.s32 @p2 $0x1082  }
0x22: {  	[simem:s7], [sflag:s8] =	dma.local @!p0 [hbm:s6], $0xF7A  }
0x23: {  	s9 =	sor.u32 $0xD0000000, s2;
	s6 =	simm.s32 $0x108;
	_ =	swait.ge @!p0 [sflag:s8], $0x0  }
0x24: {  	s3 =	sadd.s32 $0x88, s3;
	s6 =	simm.s32 @!p1 $0x1082;
	[sflag:s4] =	ssyncset.s32 $0xFFFFF086  }
0x25: {  	[simem:s6], [sflag:s4] =	dma.local [hbm:s3], $0xF7A  }
0x26: {  	[smem:$0x3F8F] =	sst s1;
	(tag) =	ssettag s2;
	_ =	strace s9  }
0x27: {  	s1 =	sld [smem:$0x3F9F]  }
0x28: {  	s2 =	sld [smem:$0x3FA0]  }
0x29: {  	s4 =	sld [smem:$0x3FA2]  }
0x2a: {  	p0 =	seq.s32 s5, $0x0;
	s5 =	sld [smem:$0x3FA3]  }
0x2b: {  	s6 =	sld [smem:$0x3FA4]  }
0x2c: {  	s7 =	sld [smem:$0x3FA5]  }
0x2d: {  	s3 =	simm.s32 $0x108;
	s8 =	sld [smem:$0x3FA6]  }
0x2e: {  	s3 =	simm.s32 @!p0 $0x1082;
	s9 =	sld [smem:$0x3FA7]  }
0x2f: {  	lr =	sadd.s32 s0, s3;
	s0 =	sld [smem:$0x3F9E]  }
0x30: {  	s3 =	sld [smem:$0x3FA1]  }
0x31: {  	[smem:$0x3FAA] =	sst s10  }
0x32: {  	s10 =	sld [smem:$0x3FA8];
	_ =	sdelay $0x3  }
0x33: {  	p0 =	seq.s32 s10, $0x1;
	s10 =	sld [smem:$0x3FAA];
	_ =	sdelay $0x3  }
0x34: {  	[smem:$0x3FAA] =	sst s10  }
0x35: {  	s10 =	sld [smem:$0x3FA9];
	_ =	sdelay $0x3  }
0x36: {  	p1 =	seq.s32 s10, $0x1;
	s10 =	sld [smem:$0x3FAA];
	_ =	sdelay $0x3  }
0x37: {  	[smem:$0x3FAA] =	sst s10  }
0x38: {  	s10 =	sld [smem:$0x3FAB]  }
0x39: {  	_ = 	snop;
	(pc) =	sbr.ind lr, $3  }
0x3a: {  	_ = 	snop  }
0x3b: {  	_ = 	snop  }
0x3c: {  	p2 =	seq.s32 s10, $0x1;
	s10 =	sld [smem:$0x3FAA]  }
0x3d: {  	_ =	shalt  }
0x3e: {  	_ =	shalt  }
0x3f: {  	_ =	shalt  }
0x40: {  	_ =	shalt  }
0x41: {  	_ =	shalt  }
0x42: {  	_ =	shalt  }
0x43: {  	_ =	shalt  }
0x44: {  	_ =	shalt  }
0x45: {  	_ =	shalt  }
0x46: {  	_ =	shalt  }
0x47: {  	_ =	shalt  }
0x48: {  	_ =	shalt  }
0x49: {  	_ =	shalt  }
0x4a: {  	_ =	shalt  }
0x4b: {  	_ =	shalt  }
0x4c: {  	_ =	shalt  }
0x4d: {  	_ =	shalt  }
0x4e: {  	_ =	shalt  }
0x4f: {  	_ =	shalt  }
0x50: {  	_ =	shalt  }
0x51: {  	_ =	shalt  }
0x52: {  	_ =	shalt  }
0x53: {  	_ =	shalt  }
0x54: {  	_ =	shalt  }
0x55: {  	_ =	shalt  }
0x56: {  	_ =	shalt  }
0x57: {  	_ =	shalt  }
0x58: {  	_ =	shalt  }
0x59: {  	_ =	shalt  }
0x5a: {  	_ =	shalt  }
0x5b: {  	_ =	shalt  }
0x5c: {  	_ =	shalt  }
0x5d: {  	_ =	shalt  }
0x5e: {  	_ =	shalt  }
0x5f: {  	_ =	shalt  }
0x60: {  	_ =	shalt  }
0x61: {  	_ =	shalt  }
0x62: {  	_ =	shalt  }
0x63: {  	_ =	shalt  }
0x64: {  	_ =	shalt  }
0x65: {  	_ =	shalt  }
0x66: {  	_ =	shalt  }
0x67: {  	_ =	shalt  }
0x68: {  	_ =	shalt  }
0x69: {  	_ =	shalt  }
0x6a: {  	_ =	shalt  }
0x6b: {  	_ =	shalt  }
0x6c: {  	_ =	shalt  }
0x6d: {  	_ =	shalt  }
0x6e: {  	_ =	shalt  }
0x6f: {  	_ =	shalt  }
0x70: {  	_ =	shalt  }
0x71: {  	_ =	shalt  }
0x72: {  	_ =	shalt  }
0x73: {  	_ =	shalt  }
0x74: {  	_ =	shalt  }
0x75: {  	_ =	shalt  }
0x76: {  	_ =	shalt  }
0x77: {  	_ =	shalt  }
0x78: {  	_ =	shalt  }
0x79: {  	_ =	shalt  }
0x7a: {  	_ =	shalt  }
0x7b: {  	_ =	shalt  }
0x7c: {  	_ =	shalt  }
0x7d: {  	_ =	shalt  }
0x7e: {  	_ =	shalt  }
0x7f: {  	_ =	shalt  }
0x80: {  	_ =	shalt  }
0x81: {  	_ =	shalt  }
0x82: {  	_ =	shalt  }
0x83: {  	_ =	shalt  }
0x84: {  	_ =	shalt  }
0x85: {  	_ =	shalt  }
0x86: {  	_ =	shalt  }
0x87: {  	_ =	shalt  }
.Lfunc_end0:
.L_simem_size_0:
called_computation_lowered:
.L_overlay_start_0:
0x88: {  	s2 =	sld [smem:$0x3FD9]  }
0x89: {  	s3 =	sld [smem:$0x3FFE];
	_ =	sdelay $0x1  }
0x8a: {  	s1 =	srdreg.scid  }
0x8b: {  	s0 =	sand.u32 $0x1, s1  }
0x8c: {  	s16 =	sshll.u32 s0, $0xA;
	s2 =	sadd.s32 s3, s2  }
0x8d: {  	s2 =	sadd.s32 s2, s16  }
0x8e: {  	[smem:$0x3FB6] =	sst s2  }
0x8f: {  	_ = 	snop  }
0x90: {  	(tm) =	ssettm $0x1  }
0x91: {  	s17 =	sld [smem:$0x3FFB];
	_ =	sdelay $0x3  }
0x92: {  	_ =	strace s17  }
0x93: {  	s2 =	sld [smem:$0x3FFC];
	_ =	sdelay $0x3  }
0x94: {  	_ =	strace s2  }
0x95: {  	s2 =	sld [smem:$0x3FFD];
	_ =	sdelay $0x3  }
0x96: {  	_ =	strace s2  }
0x97: {  	_ =	strace $0x8FFFFFFF  }
0x98: {  	s18 =	sld [smem:$0x3FDB];
	_ =	sdelay $0x1  }
0x99: {  	s19 =	simm.s32 $_scs_section_size  }
0x9a: {  	s4 =	simm.s32 $_size__tile_overlayer_lowered;
	s5 =	simm.s32 $_tile_overlayer_lowered  }
0x9b: {  	s22 =	simm.s32 $0x1BFF;
	s21 =	sshll.u32 s5, $0x1;
	s2 =	sadd.s32 s19, s18  }
0x9c: {  	s6 =	simm.s32 $0x0;
	s20 =	sshll.u32 s4, $0x1;
	s4 =	sadd.s32 s21, s2  }
0x9d: {  	[timem:s6], [sflag:s22] =	dma.local [hbm:s4], s20  }
0x9e: {  	_ =	swait.ge [sflag:s22], s20  }
0x9f: {  	s3 =	ssub.s32 $0x0, s20;
	[sflag:s22] =	ssyncset.done $0x0  }
0xa0: {  	[sflag:s22] =	ssyncadd.s32 s3;
	_ =	sdelay $0x1  }
0xa1: {  	s23 =	simm.s32 $0x1B8B  }
0xa2: {  	_ =	swait.ge [sflag:s23], $0x1  }
0xa3: {  	[sflag:s23] =	ssyncset.done $0x0  }
0xa4: {  	s25 =	simm.s32 $0x1B8E;
	s24 =	sld [smem:$0x3FFE];
	[sflag:s23] =	ssyncadd.s32 $0xFFFFFFFF  }
0xa5: {  	s26 =	simm.s32 $execute0_lowered;
	[smem:$0x3FD2] =	sst s25  }
0xa6: {  	s4 =	sshll.u32 s26, $0x1;
	_ =	strace $0x80000046;
	[dreg:$0x1] =	wrdreg $0xFFFFFFFF  }
0xa7: {  	s28 =	simm.s32 $_size_execute0_lowered;
	s2 =	sadd.s32 s2, s4;
	[dreg:$0x0] =	wrdreg $0x0  }
0xa8: {  	s4 =	sshll.u32 s28, $0x1;
	[dreg:$0x2] =	wrdreg s2  }
0xa9: {  	[dreg:$0x3] =	wrdreg s4  }
0xaa: {  	[dreg:$0x4] =	wrdreg $0xC0  }
0xab: {  	_ =	task [dreg:s6], $0x5FFFF  }
0xac: {  	[dreg:$0x1] =	wrdreg $0xFFFFFFFF  }
0xad: {  	[dreg:$0x0] =	wrdreg $0x60  }
0xae: {  	[dreg:$0x2] =	wrdreg s24  }
0xaf: {  	[dreg:$0x3] =	wrdreg $0xC4400  }
0xb0: {  	[dreg:$0x4] =	wrdreg $0x9  }
0xb1: {  	_ =	task.clear_ibuf [dreg:s6], $0x5FFFF;
	_ =	strace $0x90000046  }
0xb2: {  	s29 =	simm.s32 $0x9;
	_ =	strace $0x80000048  }
0xb3: {  	_ =	swait.ge [sflag:s29], $0x1  }
0xb4: {  	[sflag:s29] =	ssyncadd.s32 $0xFFFFFFFF  }
0xb5: {  	_ =	strace $0x90000048  }
0xb6: {  	_ =	sfence  }
0xb7: {  	s30 =	sld [smem:$0x0];
	_ =	sdelay $0x2  }
0xb8: {  	s31 =	sshll.u32 s1, $0xD;
	s1 =	sshrl.u32 s1, $0x2  }
0xb9: {  	s3 =	sand.u32 $0x4000, s31;
	s1 =	sadd.s32 s1, s30  }
0xba: {  	s0 =	sor.u32 s3, s0;
	s1 =	sshll.u32 s1, $0x11  }
0xbb: {  	s0 =	sor.u32 s1, s0  }
0xbc: {  	s0 =	sadd.s32 $0x8F2B, s0  }
0xbd: {  	[sflag:s0] =	ssyncadd.remote.s32 $0x1  }
0xbe: {  	_ =	sfence.sel $0xFFFF  }
0xbf: {  	[dreg:$0x0] =	wrdreg $0xFFFFFFFF;
	(pc) =	sbr.abs _section_cstart, $3  }
0xc0: {  	[dreg:$0x1] =	wrdreg $0xFFFFFFFF  }
0xc1: {  	_ =	task.clear_ibuf [dreg:s6], $0x2FFFF;
	_ =	strace $0x9FFFFFFF  }
0xc2: {  	(tm) =	ssettm $0x7FFFFFFF  }
0xc3: {  	_ =	shalt  }
tec
execute0_lowered:
.L_overlay_start_1:
0x0: {  	(tag) =	ssettag $0x1  }
0x1: {  	s7 =	rddreg [dreg:$0x0]  }
0x2: {  	s2 =	rddreg [dreg:$0x1]  }
0x3: {  	s0 =	rddreg [dreg:$0x2];
	s1 =	stileid.u32;
	s3 =	simm.s32 $0x0  }
0x4: {  	s4 =	srdreg.scid;
	s15 =	simm.s32 $0x50;
	s16 =	simm.s32 $0x9C40  }
0x5: {  	s17 =	simm.s32 $0xB040;
	s18 =	simm.s32 $0x1;
	s19 =	simm.s32 $0x2  }
0x6: {  	s20 =	simm.s32 $0x4DD0;
	s21 =	simm.s32 $0x9BA0;
	s22 =	simm.s32 $0x9BF0  }
0x7: {  	s23 =	simm.s32 $0x0;
	s6 =	smul.u32 $0x9C4, s1;
	[smem:$0x7FF] =	sst s3  }
0x8: {  	s10 =	sand.u32 $0x1, s4;
	s8 =	smul.u32 $0x1400, s1;
	s4 =	sadd.s32 $0x16600, s7  }
0x9: {  	s5 =	sadd.s32 $0x2600, s7;
	s12 =	smul.u32 $0x28000, s1;
	s31 =	sshll.u32 s1, $0x6  }
0xa: {  	_ =	strace $0x80000047;
	s9 =	smul.u32 $0x14000, s10;
	s26 =	ssub.s32 $0x2, s10  }
0xb: {  	p0 =	seq.s32 s10, $0x1;
	s11 =	sadd.s32 s6, s7;
	s6 =	sadd.s32 $0x3E200, s7  }
.Ltmp0:
0xc: {  	s28 =	sshrl.u32 s26, $0x1;
	s29 =	sshrl.u32 s12, $0x2;
	(pc) =	sbr.rel .LBB2_1-.Ltmp0, $4  }
0xd: {  	s8 =	sadd.s32 s8, s9;
	s30 =	ssub.s32 s26, s28;
	s14 =	sadd.s32 s29, s2  }
0xe: {  	s9 =	sadd.s32 $0x2A600, s11;
	s13 =	sadd.s32 s8, s7;
	s7 =	sor.u32 $0x1C03, s31  }
0xf: {  	s8 =	sadd.s32 $0x34400, s11;
	s11 =	smax.u32 s30, $0x1;
	s12 =	sshrl.u32 s14, $0x3  }
0x10: {  	s14 =	simm.s32 $0x4E20;
	s10 =	sadd.s32 $0x3F600, s13;
	s13 =	simm.s32 $0x3  }
.LBB2_7:
0x11: {  	s25 =	sadd.s32 $0x50, s24;
	[sflag:s13] =	ssyncadd.s32 $0xFFFFEC00  }
0x12: {  	[tilespmem:s17], [sflag:$0x2] =	stream.indirect.gather [hbm4b:s5+s15], $0x40, s25, s15, $0xb8;
	[tilespmem:$0x16440] =	vst v63  }
0x13: {  	_ =	swait.ge [sflag:s18], $0x1400  }
0x14: {  	[sflag:s18] =	ssyncset.done $0x0  }
0x15: {  	s29 =	sadd.s32 $0x4E20, s24;
	[sflag:s18] =	ssyncadd.s32 $0xFFFFEC00  }
0x16: {  	[spmem:s2] =	stream.indirect.scatter.add.f32 [tilespmem:s16], [sflag:$0x3], $0x40, s29, s15, $0xb8;
	[tilespmem:$0x16440] =	vst v63  }
0x17: {  	_ =	swait.ge [sflag:s13], $0x1400  }
0x18: {  	[sflag:s13] =	ssyncset.done $0x0  }
0x19: {  	s30 =	sadd.s32 $0xA0, s24;
	[sflag:s13] =	ssyncadd.s32 $0xFFFFEC00  }
0x1a: {  	[tilespmem:s16], [sflag:$0x1] =	stream.indirect.gather [hbm4b:s5+s15], $0x40, s30, s15, $0xb8;
	[tilespmem:$0x16440] =	vst v63  }
0x1b: {  	_ =	swait.ge [sflag:s19], $0x1400  }
0x1c: {  	[sflag:s19] =	ssyncset.done $0x0  }
0x1d: {  	s31 =	sadd.s32 $0x4E70, s24;
	[sflag:s19] =	ssyncadd.s32 $0xFFFFEC00  }
0x1e: {  	[spmem:s2] =	stream.indirect.scatter.add.f32 [tilespmem:s17], [sflag:$0x3], $0x40, s31, s15, $0xb8;
	[tilespmem:$0x16440] =	vst v63  }
0x1f: {  	_ =	swait.ge [sflag:s13], $0x1400  }
0x20: {  	[sflag:s13] =	ssyncset.done $0x0  }
0x21: {  	[sflag:s13] =	ssyncadd.s32 $0xFFFFEC00  }
0x22: {  	[tilespmem:s17], [sflag:$0x2] =	stream.indirect.gather [hbm4b:s5+s15], $0x40, s20, s15, $0xb8;
	[tilespmem:$0x16440] =	vst v63  }
.LBB2_8:
0x23: {  	_ =	swait.ge [sflag:s18], $0x1400  }
0x24: {  	[sflag:s18] =	ssyncset.done $0x0  }
0x25: {  	[sflag:s18] =	ssyncadd.s32 $0xFFFFEC00  }
0x26: {  	[spmem:s2] =	stream.indirect.scatter.add.f32 [tilespmem:s16], [sflag:$0x3], $0x40, s21, s15, $0xb8;
	[tilespmem:$0x16440] =	vst v63  }
0x27: {  	_ =	swait.ge [sflag:s13], $0x1400  }
0x28: {  	[sflag:s13] =	ssyncset.done $0x0  }
0x29: {  	[sflag:s13] =	ssyncadd.s32 $0xFFFFEC00  }
0x2a: {  	_ =	swait.ge [sflag:s19], $0x1400  }
0x2b: {  	[sflag:s19] =	ssyncset.done $0x0  }
0x2c: {  	[sflag:s19] =	ssyncadd.s32 $0xFFFFEC00  }
0x2d: {  	[spmem:s2] =	stream.indirect.scatter.add.f32 [tilespmem:s17], [sflag:$0x3], $0x40, s22, s15, $0xb8;
	[tilespmem:$0x16440] =	vst v63  }
0x2e: {  	_ =	swait.ge [sflag:s13], $0x1400  }
0x2f: {  	s23 =	sadd.s32 $0x1, s23;
	[sflag:s13] =	ssyncset.done $0x0  }
0x30: {  	p1 =	sne.s32 s23, s11;
	[sflag:s13] =	ssyncadd.s32 $0xFFFFEC00  }
.Ltmp1:
0x31: {  	[bflag:$0x0] =	sbarrier.arrive $0xFFFF;
	(pc) =	sbr.rel @!p1 .LBB2_9-.Ltmp1, $4  }
0x32: {  	[hbm:s10], [sflag:s7] =	dma.local [spmem:s12], $0x1400  }
0x33: {  	_ =	swait.ge [sflag:s13], $0x1400  }
0x34: {  	[sflag:s13] =	ssyncset.done $0x0  }
0x35: {  	[sflag:s13] =	ssyncadd.s32 $0xFFFFEC00  }
.LBB2_1:
0x36: {  	[spmem:s12], [sflag:s7] =	dma.local [hbm:s6], $0x1400  }
0x37: {  	_ =	swait.ge [sflag:s13], $0x1400  }
0x38: {  	[sflag:s13] =	ssyncset.done $0x0  }
0x39: {  	[sflag:s13] =	ssyncadd.s32 $0xFFFFEC00  }
0x3a: {  	[tilespmem:s3], [sflag:$0x3] =	stream.linear.gather [hbm4b:s8+s3], $0x4E20, $0x38;
	[tilespmem:$0x16440] =	vst v63  }
0x3b: {  	_ =	swait.ge [sflag:s13], $0x4E20  }
0x3c: {  	[sflag:s13] =	ssyncset.done $0x0  }
0x3d: {  	[sflag:s13] =	ssyncadd.s32 $0xFFFFB1E0  }
0x3e: {  	[tilespmem:s14], [sflag:$0x3] =	stream.linear.gather [hbm4b:s9+s3], $0x4E20, $0x38;
	[tilespmem:$0x16440] =	vst v63  }
.Ltmp2:
0x3f: {  	_ =	swait.ge [sflag:s13], $0x4E20;
	(pc) =	sbr.rel @!p0 .LBB2_2-.Ltmp2, $4  }
0x40: {  	[sflag:s13] =	ssyncset.done $0x0  }
0x41: {  	[sflag:s13] =	ssyncadd.s32 $0xFFFFB1E0  }
0x42: {  	[bflag:$0x0] =	sbarrier.arrive $0xFFFF  }
0x43: {  	s24 =	simm.s32 $0x0  }
0x44: {  	[tilespmem:s16], [sflag:$0x1] =	stream.indirect.gather [hbm4b:s5+s15], $0x40, s24, s15, $0xb8;
	[tilespmem:$0x16440] =	vst v63  }
0x45: {  	s28 =	simm.s32 $0x50  }
0x46: {  	[tilespmem:s17], [sflag:$0x2] =	stream.indirect.gather [hbm4b:s5+s15], $0x40, s28, s15, $0xb8;
	[tilespmem:$0x16440] =	vst v63  }
0x47: {  	_ =	swait.ge [sflag:s18], $0x1400  }
0x48: {  	[sflag:s18] =	ssyncset.done $0x0  }
0x49: {  	s29 =	simm.s32 $0x4E20;
	[sflag:s18] =	ssyncadd.s32 $0xFFFFEC00  }
0x4a: {  	[spmem:s2] =	stream.indirect.scatter.add.f32 [tilespmem:s16], [sflag:$0x3], $0x40, s29, s15, $0xb8;
	[tilespmem:$0x16440] =	vst v63  }
0x4b: {  	_ =	swait.ge [sflag:s13], $0x1400  }
0x4c: {  	[sflag:s13] =	ssyncset.done $0x0  }
0x4d: {  	s30 =	simm.s32 $0xA0;
	[sflag:s13] =	ssyncadd.s32 $0xFFFFEC00  }
0x4e: {  	[tilespmem:s16], [sflag:$0x1] =	stream.indirect.gather [hbm4b:s5+s15], $0x40, s30, s15, $0xb8;
	[tilespmem:$0x16440] =	vst v63  }
0x4f: {  	_ =	swait.ge [sflag:s19], $0x1400  }
0x50: {  	[sflag:s19] =	ssyncset.done $0x0  }
0x51: {  	s31 =	simm.s32 $0x4E70;
	[sflag:s19] =	ssyncadd.s32 $0xFFFFEC00  }
0x52: {  	[spmem:s2] =	stream.indirect.scatter.add.f32 [tilespmem:s17], [sflag:$0x3], $0x40, s31, s15, $0xb8;
	[tilespmem:$0x16440] =	vst v63  }
0x53: {  	_ =	swait.ge [sflag:s13], $0x1400  }
0x54: {  	s25 =	simm.s32 $0x500;
	s24 =	simm.s32 $0xA0;
	[sflag:s13] =	ssyncset.done $0x0  }
.LBB2_6:
0x55: {  	s26 =	sadd.s32 $0x50, s24  }
0x56: {  	[sflag:s13] =	ssyncadd.s32 $0xFFFFEC00;
	s28 =	smov.u32 s25;
	s29 =	sadd.s32 $0x280, s25  }
0x57: {  	[tilespmem:s17], [sflag:$0x2] =	stream.indirect.gather [hbm4b:s5+s15], $0x40, s26, s15, $0xb8;
	[tilespmem:$0x16440] =	vst v63  }
0x58: {  	p1 =	sne.s32 s25, $0x13380;
	_ =	swait.ge [sflag:s18], $0x1400  }
0x59: {  	[sflag:s18] =	ssyncset.done $0x0  }
0x5a: {  	s25 =	sadd.s32 $0x4E20, s24;
	[sflag:s18] =	ssyncadd.s32 $0xFFFFEC00  }
0x5b: {  	[spmem:s2] =	stream.indirect.scatter.add.f32 [tilespmem:s16], [sflag:$0x3], $0x40, s25, s15, $0xb8;
	[tilespmem:$0x16440] =	vst v63  }
0x5c: {  	_ =	swait.ge [sflag:s13], $0x1400  }
0x5d: {  	[sflag:s13] =	ssyncset.done $0x0  }
0x5e: {  	s25 =	sadd.s32 $0xA0, s24;
	[sflag:s13] =	ssyncadd.s32 $0xFFFFEC00  }
0x5f: {  	[tilespmem:s16], [sflag:$0x1] =	stream.indirect.gather [hbm4b:s5+s15], $0x40, s25, s15, $0xb8;
	[tilespmem:$0x16440] =	vst v63  }
0x60: {  	_ =	swait.ge [sflag:s19], $0x1400  }
.Ltmp3:
0x61: {  	[sflag:s19] =	ssyncset.done $0x0;
	(pc) =	sbr.rel @p1 .LBB2_6-.Ltmp3, $4  }
0x62: {  	s24 =	sadd.s32 $0x4E70, s24;
	[sflag:s19] =	ssyncadd.s32 $0xFFFFEC00  }
0x63: {  	[spmem:s2] =	stream.indirect.scatter.add.f32 [tilespmem:s17], [sflag:$0x3], $0x40, s24, s15, $0xb8;
	[tilespmem:$0x16440] =	vst v63  }
0x64: {  	_ =	swait.ge [sflag:s13], $0x1400  }
0x65: {  	s25 =	smov.u32 s29;
	s24 =	sshra.s32 s28, $0x2;
	[sflag:s13] =	ssyncset.done $0x0  }
.Ltmp4:
0x66: {  	_ = 	snop;
	(pc) =	sbr.rel .LBB2_7-.Ltmp4, $1  }
0x67: {  	_ =	sdelay $0x3  }
.LBB2_2:
0x68: {  	[tilespmem:s16], [sflag:$0x1] =	stream.indirect.gather [hbm4b:s4+s15], $0x40, s24, s15, $0xb8;
	[tilespmem:$0x16440] =	vst v63  }
0x69: {  	s28 =	simm.s32 $0x50  }
0x6a: {  	[tilespmem:s17], [sflag:$0x2] =	stream.indirect.gather [hbm4b:s4+s15], $0x40, s28, s15, $0xb8;
	[tilespmem:$0x16440] =	vst v63  }
0x6b: {  	_ =	swait.ge [sflag:s18], $0x1400  }
0x6c: {  	[sflag:s18] =	ssyncset.done $0x0  }
0x6d: {  	s29 =	simm.s32 $0x4E20;
	[sflag:s18] =	ssyncadd.s32 $0xFFFFEC00  }
0x6e: {  	[spmem:s2] =	stream.indirect.scatter.add.f32 [tilespmem:s16], [sflag:$0x3], $0x40, s29, s15, $0xb8;
	[tilespmem:$0x16440] =	vst v63  }
0x6f: {  	_ =	swait.ge [sflag:s13], $0x1400  }
0x70: {  	[sflag:s13] =	ssyncset.done $0x0  }
0x71: {  	s30 =	simm.s32 $0xA0;
	[sflag:s13] =	ssyncadd.s32 $0xFFFFEC00  }
0x72: {  	[tilespmem:s16], [sflag:$0x1] =	stream.indirect.gather [hbm4b:s4+s15], $0x40, s30, s15, $0xb8;
	[tilespmem:$0x16440] =	vst v63  }
0x73: {  	_ =	swait.ge [sflag:s19], $0x1400  }
0x74: {  	[sflag:s19] =	ssyncset.done $0x0  }
0x75: {  	s31 =	simm.s32 $0x4E70;
	[sflag:s19] =	ssyncadd.s32 $0xFFFFEC00  }
0x76: {  	[spmem:s2] =	stream.indirect.scatter.add.f32 [tilespmem:s17], [sflag:$0x3], $0x40, s31, s15, $0xb8;
	[tilespmem:$0x16440] =	vst v63  }
0x77: {  	_ =	swait.ge [sflag:s13], $0x1400  }
0x78: {  	s25 =	simm.s32 $0x500;
	s24 =	simm.s32 $0xA0;
	[sflag:s13] =	ssyncset.done $0x0  }
.LBB2_3:
0x79: {  	s26 =	sadd.s32 $0x50, s24  }
0x7a: {  	[sflag:s13] =	ssyncadd.s32 $0xFFFFEC00;
	s28 =	smov.u32 s25;
	s29 =	sadd.s32 $0x280, s25  }
0x7b: {  	[tilespmem:s17], [sflag:$0x2] =	stream.indirect.gather [hbm4b:s4+s15], $0x40, s26, s15, $0xb8;
	[tilespmem:$0x16440] =	vst v63  }
0x7c: {  	p1 =	seq.s32 s25, $0x13380;
	_ =	swait.ge [sflag:s18], $0x1400  }
0x7d: {  	[sflag:s18] =	ssyncset.done $0x0  }
0x7e: {  	s25 =	sadd.s32 $0x4E20, s24;
	[sflag:s18] =	ssyncadd.s32 $0xFFFFEC00  }
0x7f: {  	[spmem:s2] =	stream.indirect.scatter.add.f32 [tilespmem:s16], [sflag:$0x3], $0x40, s25, s15, $0xb8;
	[tilespmem:$0x16440] =	vst v63  }
0x80: {  	_ =	swait.ge [sflag:s13], $0x1400  }
0x81: {  	[sflag:s13] =	ssyncset.done $0x0  }
0x82: {  	s25 =	sadd.s32 $0xA0, s24;
	[sflag:s13] =	ssyncadd.s32 $0xFFFFEC00  }
0x83: {  	[tilespmem:s16], [sflag:$0x1] =	stream.indirect.gather [hbm4b:s4+s15], $0x40, s25, s15, $0xb8;
	[tilespmem:$0x16440] =	vst v63  }
0x84: {  	_ =	swait.ge [sflag:s19], $0x1400  }
.Ltmp5:
0x85: {  	[sflag:s19] =	ssyncset.done $0x0;
	(pc) =	sbr.rel @!p1 .LBB2_3-.Ltmp5, $4  }
0x86: {  	s24 =	sadd.s32 $0x4E70, s24;
	[sflag:s19] =	ssyncadd.s32 $0xFFFFEC00  }
0x87: {  	[spmem:s2] =	stream.indirect.scatter.add.f32 [tilespmem:s17], [sflag:$0x3], $0x40, s24, s15, $0xb8;
	[tilespmem:$0x16440] =	vst v63  }
0x88: {  	_ =	swait.ge [sflag:s13], $0x1400  }
0x89: {  	s25 =	smov.u32 s29;
	s24 =	sshra.s32 s28, $0x2;
	[sflag:s13] =	ssyncset.done $0x0  }
0x8a: {  	s25 =	sadd.s32 $0x50, s24;
	[sflag:s13] =	ssyncadd.s32 $0xFFFFEC00  }
0x8b: {  	[tilespmem:s17], [sflag:$0x2] =	stream.indirect.gather [hbm4b:s4+s15], $0x40, s25, s15, $0xb8;
	[tilespmem:$0x16440] =	vst v63  }
0x8c: {  	_ =	swait.ge [sflag:s18], $0x1400  }
0x8d: {  	[sflag:s18] =	ssyncset.done $0x0  }
0x8e: {  	s29 =	sadd.s32 $0x4E20, s24;
	[sflag:s18] =	ssyncadd.s32 $0xFFFFEC00  }
0x8f: {  	[spmem:s2] =	stream.indirect.scatter.add.f32 [tilespmem:s16], [sflag:$0x3], $0x40, s29, s15, $0xb8;
	[tilespmem:$0x16440] =	vst v63  }
0x90: {  	_ =	swait.ge [sflag:s13], $0x1400  }
0x91: {  	[sflag:s13] =	ssyncset.done $0x0  }
0x92: {  	s30 =	sadd.s32 $0xA0, s24;
	[sflag:s13] =	ssyncadd.s32 $0xFFFFEC00  }
0x93: {  	[tilespmem:s16], [sflag:$0x1] =	stream.indirect.gather [hbm4b:s4+s15], $0x40, s30, s15, $0xb8;
	[tilespmem:$0x16440] =	vst v63  }
0x94: {  	_ =	swait.ge [sflag:s19], $0x1400  }
0x95: {  	[sflag:s19] =	ssyncset.done $0x0  }
0x96: {  	s31 =	sadd.s32 $0x4E70, s24;
	[sflag:s19] =	ssyncadd.s32 $0xFFFFEC00  }
0x97: {  	[spmem:s2] =	stream.indirect.scatter.add.f32 [tilespmem:s17], [sflag:$0x3], $0x40, s31, s15, $0xb8;
	[tilespmem:$0x16440] =	vst v63  }
.Ltmp6:
0x98: {  	_ = 	snop;
	(pc) =	sbr.rel .LBB2_8-.Ltmp6, $4  }
0x99: {  	_ =	swait.ge [sflag:s13], $0x1400  }
0x9a: {  	[sflag:s13] =	ssyncset.done $0x0  }
0x9b: {  	[sflag:s13] =	ssyncadd.s32 $0xFFFFEC00  }
0x9c: {  	[tilespmem:s17], [sflag:$0x2] =	stream.indirect.gather [hbm4b:s4+s15], $0x40, s20, s15, $0xb8;
	[tilespmem:$0x16440] =	vst v63  }
.LBB2_9:
0x9d: {  	_ =	sfence.sel $0x180000  }
0x9e: {  	[bflag:$0x0] =	sbarrier.arrive $0xFFFF  }
0x9f: {  	p0 =	sne.s32 s1, $0x0;
	_ =	strace $0x90000047  }
0xa0: {  	s0 =	sadd.s32 @!p0 $0x100000, s0;
	[bflag:$0x2] =	sbarrier.arrive $0xFFFF  }
0xa1: {  	[sflag:s0] =	ssyncadd.tile.s32 @!p0 $0x1;
	_ =	shalt  }
.Lfunc_end2:
_tile_overlayer_lowered:
.L_overlay_start_2:
0xa2: {  	(tag) =	ssettag $0x2  }
0xa3: {  	s0 =	rddreg [dreg:$0x0];
	s2 =	stileid.u32  }
0xa4: {  	s1 =	rddreg [dreg:$0x1];
	p0 =	sne.s32 s2, $0x0  }
0xa5: {  	s3 =	rddreg [dreg:$0x2];
	[bflag:$0x3] =	sbarrier.arrive $0xFFFF;
	s2 =	simm.s32 @!p0 $0x1C03  }
0xa6: {  	[timem:s3], [sflag:s2] =	dma.local @!p0 [hbm:s0], s1  }
0xa7: {  	s0 =	simm.s32 @!p0 $0x3  }
0xa8: {  	_ =	swait.ge @!p0 [sflag:s0], s1  }
0xa9: {  	s1 =	ssub.s32 @!p0 $0x0, s1;
	[sflag:s0] =	ssyncset.done @!p0 $0x0  }
0xaa: {  	[sflag:s0] =	ssyncadd.s32 @!p0 s1  }
0xab: {  	[bflag:$0x3] =	sbarrier.arrive $0xFFFF  }
0xac: {  	_ =	shalt  }

// kernel: kernel.16.cloned.1.call-start
scs
__scs_entry_jumppad:
0x0: {  	(pc) =	sbr.rel $0x88, $3  }
0x1: {  	(tag) =	ssettag $0x0;
	lr =	simm.s32 $0x1  }
0x2: {  	[smem:$0x3F8F] =	sst lr;
	_ =	strace $0xD0000000  }
0x3: {  	_ = 	snop  }
0x4: {  	_ = 	snop  }
0x5: {  	_ = 	snop  }
0x6: {  	_ = 	snop  }
0x7: {  	_ = 	snop  }
__scs_overlays_trampoline_lowered:
0x8: {  	[smem:$0x3F9E] =	sst s0  }
0x9: {  	[smem:$0x3F9F] =	sst s1  }
0xa: {  	[smem:$0x3FA0] =	sst s2  }
0xb: {  	[smem:$0x3FA1] =	sst s3  }
0xc: {  	[smem:$0x3FA2] =	sst s4  }
0xd: {  	[smem:$0x3FA3] =	sst s5  }
0xe: {  	[smem:$0x3FA4] =	sst s6  }
0xf: {  	[smem:$0x3FA5] =	sst s7  }
0x10: {  	[smem:$0x3FA6] =	sst s8  }
0x11: {  	[smem:$0x3FA7] =	sst s9;
	s0 =	simm.s32 @!p0 $0x0  }
0x12: {  	s1 =	sld [smem:$0x3F8D];
	s0 =	simm.s32 @p0 $0x1  }
0x13: {  	[smem:$0x3FA8] =	sst s0;
	s0 =	simm.s32 @!p1 $0x0  }
0x14: {  	s2 =	sld [smem:$0x3F8C];
	s0 =	simm.s32 @p1 $0x1  }
0x15: {  	[smem:$0x3FA9] =	sst s0;
	s0 =	simm.s32 @!p2 $0x0  }
0x16: {  	s3 =	sld [smem:$0x3FDB];
	s0 =	simm.s32 @p2 $0x1  }
0x17: {  	s4 =	simm.s32 $0x1BF5;
	[smem:$0x3FAB] =	sst s0  }
0x18: {  	s0 =	sld [smem:$0x3F8E];
	_ =	swait.ge [sflag:s4], $0x0  }
0x19: {  	s7 =	sld [smem:$0x3F8F]  }
0x1a: {  	s8 =	sadd.s32 $0xFFFFE003, lr  }
0x1b: {  	s9 =	sadd.s32 $0xFFFFFEF7, lr;
	s5 =	simm.s32 $0xFFFFFFFF;
	p2 =	slt.u32 s8, $0xFFFFF086  }
0x1c: {  	p1 =	slt.u32 s9, $0xF7A;
	s5 =	simm.s32 @!p2 $0x0  }
0x1d: {  	s5 =	simm.s32 @p1 $0x1;
	p0 =	seq.s32 s7, s2  }
0x1e: {  	s7 =	smul.u32 @!p0 $0xF7A, s2;
	p2 =	seq.s32 @!p0 s5, $0x0  }
0x1f: {  	s9 =	smul.u32 $0xF7A, s1;
	s8 =	simm.s32 @!p0 $0x1BF5;
	p2 =	por !p2, p0  }
0x20: {  	[sflag:s8] =	ssyncset.s32 @!p0 $0xFFFFF086;
	s6 =	sadd.s32 @!p0 s3, s7;
	s7 =	simm.s32 @!p0 $0x108  }
0x21: {  	s3 =	sadd.s32 s3, s9;
	s6 =	sadd.s32 @!p0 $0x88, s6;
	s7 =	simm.s32 @p2 $0x1082  }
0x22: {  	[simem:s7], [sflag:s8] =	dma.local @!p0 [hbm:s6], $0xF7A  }
0x23: {  	s9 =	sor.u32 $0xD0000000, s2;
	s6 =	simm.s32 $0x108;
	_ =	swait.ge @!p0 [sflag:s8], $0x0  }
0x24: {  	s3 =	sadd.s32 $0x88, s3;
	s6 =	simm.s32 @!p1 $0x1082;
	[sflag:s4] =	ssyncset.s32 $0xFFFFF086  }
0x25: {  	[simem:s6], [sflag:s4] =	dma.local [hbm:s3], $0xF7A  }
0x26: {  	[smem:$0x3F8F] =	sst s1;
	(tag) =	ssettag s2;
	_ =	strace s9  }
0x27: {  	s1 =	sld [smem:$0x3F9F]  }
0x28: {  	s2 =	sld [smem:$0x3FA0]  }
0x29: {  	s4 =	sld [smem:$0x3FA2]  }
0x2a: {  	p0 =	seq.s32 s5, $0x0;
	s5 =	sld [smem:$0x3FA3]  }
0x2b: {  	s6 =	sld [smem:$0x3FA4]  }
0x2c: {  	s7 =	sld [smem:$0x3FA5]  }
0x2d: {  	s3 =	simm.s32 $0x108;
	s8 =	sld [smem:$0x3FA6]  }
0x2e: {  	s3 =	simm.s32 @!p0 $0x1082;
	s9 =	sld [smem:$0x3FA7]  }
0x2f: {  	lr =	sadd.s32 s0, s3;
	s0 =	sld [smem:$0x3F9E]  }
0x30: {  	s3 =	sld [smem:$0x3FA1]  }
0x31: {  	[smem:$0x3FAA] =	sst s10  }
0x32: {  	s10 =	sld [smem:$0x3FA8];
	_ =	sdelay $0x3  }
0x33: {  	p0 =	seq.s32 s10, $0x1;
	s10 =	sld [smem:$0x3FAA];
	_ =	sdelay $0x3  }
0x34: {  	[smem:$0x3FAA] =	sst s10  }
0x35: {  	s10 =	sld [smem:$0x3FA9];
	_ =	sdelay $0x3  }
0x36: {  	p1 =	seq.s32 s10, $0x1;
	s10 =	sld [smem:$0x3FAA];
	_ =	sdelay $0x3  }
0x37: {  	[smem:$0x3FAA] =	sst s10  }
0x38: {  	s10 =	sld [smem:$0x3FAB]  }
0x39: {  	_ = 	snop;
	(pc) =	sbr.ind lr, $3  }
0x3a: {  	_ = 	snop  }
0x3b: {  	_ = 	snop  }
0x3c: {  	p2 =	seq.s32 s10, $0x1;
	s10 =	sld [smem:$0x3FAA]  }
0x3d: {  	_ =	shalt  }
0x3e: {  	_ =	shalt  }
0x3f: {  	_ =	shalt  }
0x40: {  	_ =	shalt  }
0x41: {  	_ =	shalt  }
0x42: {  	_ =	shalt  }
0x43: {  	_ =	shalt  }
0x44: {  	_ =	shalt  }
0x45: {  	_ =	shalt  }
0x46: {  	_ =	shalt  }
0x47: {  	_ =	shalt  }
0x48: {  	_ =	shalt  }
0x49: {  	_ =	shalt  }
0x4a: {  	_ =	shalt  }
0x4b: {  	_ =	shalt  }
0x4c: {  	_ =	shalt  }
0x4d: {  	_ =	shalt  }
0x4e: {  	_ =	shalt  }
0x4f: {  	_ =	shalt  }
0x50: {  	_ =	shalt  }
0x51: {  	_ =	shalt  }
0x52: {  	_ =	shalt  }
0x53: {  	_ =	shalt  }
0x54: {  	_ =	shalt  }
0x55: {  	_ =	shalt  }
0x56: {  	_ =	shalt  }
0x57: {  	_ =	shalt  }
0x58: {  	_ =	shalt  }
0x59: {  	_ =	shalt  }
0x5a: {  	_ =	shalt  }
0x5b: {  	_ =	shalt  }
0x5c: {  	_ =	shalt  }
0x5d: {  	_ =	shalt  }
0x5e: {  	_ =	shalt  }
0x5f: {  	_ =	shalt  }
0x60: {  	_ =	shalt  }
0x61: {  	_ =	shalt  }
0x62: {  	_ =	shalt  }
0x63: {  	_ =	shalt  }
0x64: {  	_ =	shalt  }
0x65: {  	_ =	shalt  }
0x66: {  	_ =	shalt  }
0x67: {  	_ =	shalt  }
0x68: {  	_ =	shalt  }
0x69: {  	_ =	shalt  }
0x6a: {  	_ =	shalt  }
0x6b: {  	_ =	shalt  }
0x6c: {  	_ =	shalt  }
0x6d: {  	_ =	shalt  }
0x6e: {  	_ =	shalt  }
0x6f: {  	_ =	shalt  }
0x70: {  	_ =	shalt  }
0x71: {  	_ =	shalt  }
0x72: {  	_ =	shalt  }
0x73: {  	_ =	shalt  }
0x74: {  	_ =	shalt  }
0x75: {  	_ =	shalt  }
0x76: {  	_ =	shalt  }
0x77: {  	_ =	shalt  }
0x78: {  	_ =	shalt  }
0x79: {  	_ =	shalt  }
0x7a: {  	_ =	shalt  }
0x7b: {  	_ =	shalt  }
0x7c: {  	_ =	shalt  }
0x7d: {  	_ =	shalt  }
0x7e: {  	_ =	shalt  }
0x7f: {  	_ =	shalt  }
0x80: {  	_ =	shalt  }
0x81: {  	_ =	shalt  }
0x82: {  	_ =	shalt  }
0x83: {  	_ =	shalt  }
0x84: {  	_ =	shalt  }
0x85: {  	_ =	shalt  }
0x86: {  	_ =	shalt  }
0x87: {  	_ =	shalt  }
.Lfunc_end0:
.L_simem_size_0:
called_computation.1_lowered:
.L_overlay_start_0:
0x88: {  	s2 =	sld [smem:$0x3FD9]  }
0x89: {  	s3 =	sld [smem:$0x3FFE];
	_ =	sdelay $0x1  }
0x8a: {  	s1 =	srdreg.scid  }
0x8b: {  	s0 =	sand.u32 $0x1, s1  }
0x8c: {  	s16 =	sshll.u32 s0, $0xA;
	s2 =	sadd.s32 s3, s2  }
0x8d: {  	s2 =	sadd.s32 s2, s16  }
0x8e: {  	[smem:$0x3FB6] =	sst s2  }
0x8f: {  	_ = 	snop  }
0x90: {  	(tm) =	ssettm $0x1  }
0x91: {  	s17 =	sld [smem:$0x3FFB];
	_ =	sdelay $0x3  }
0x92: {  	_ =	strace s17  }
0x93: {  	s2 =	sld [smem:$0x3FFC];
	_ =	sdelay $0x3  }
0x94: {  	_ =	strace s2  }
0x95: {  	s2 =	sld [smem:$0x3FFD];
	_ =	sdelay $0x3  }
0x96: {  	_ =	strace s2  }
0x97: {  	_ =	strace $0x8FFFFFFF  }
0x98: {  	s18 =	sld [smem:$0x3FDB];
	_ =	sdelay $0x1  }
0x99: {  	s19 =	simm.s32 $_scs_section_size  }
0x9a: {  	s4 =	simm.s32 $_size__tile_overlayer_lowered;
	s5 =	simm.s32 $_tile_overlayer_lowered  }
0x9b: {  	s22 =	simm.s32 $0x1BFF;
	s21 =	sshll.u32 s5, $0x1;
	s2 =	sadd.s32 s19, s18  }
0x9c: {  	s6 =	simm.s32 $0x0;
	s20 =	sshll.u32 s4, $0x1;
	s4 =	sadd.s32 s21, s2  }
0x9d: {  	[timem:s6], [sflag:s22] =	dma.local [hbm:s4], s20  }
0x9e: {  	_ =	swait.ge [sflag:s22], s20  }
0x9f: {  	s3 =	ssub.s32 $0x0, s20;
	[sflag:s22] =	ssyncset.done $0x0  }
0xa0: {  	[sflag:s22] =	ssyncadd.s32 s3;
	_ =	sdelay $0x1  }
0xa1: {  	s23 =	simm.s32 $0x1B8B  }
0xa2: {  	_ =	swait.ge [sflag:s23], $0x1  }
0xa3: {  	[sflag:s23] =	ssyncset.done $0x0  }
0xa4: {  	s25 =	simm.s32 $0x1B8E;
	s24 =	sld [smem:$0x3FFE];
	[sflag:s23] =	ssyncadd.s32 $0xFFFFFFFF  }
0xa5: {  	s26 =	simm.s32 $execute0_lowered;
	[smem:$0x3FD2] =	sst s25  }
0xa6: {  	s4 =	sshll.u32 s26, $0x1;
	_ =	strace $0x80000049;
	[dreg:$0x1] =	wrdreg $0xFFFFFFFF  }
0xa7: {  	s28 =	simm.s32 $_size_execute0_lowered;
	s2 =	sadd.s32 s2, s4;
	[dreg:$0x0] =	wrdreg $0x0  }
0xa8: {  	s4 =	sshll.u32 s28, $0x1;
	[dreg:$0x2] =	wrdreg s2  }
0xa9: {  	[dreg:$0x3] =	wrdreg s4  }
0xaa: {  	[dreg:$0x4] =	wrdreg $0xC0  }
0xab: {  	_ =	task [dreg:s6], $0x5FFFF  }
0xac: {  	[dreg:$0x1] =	wrdreg $0xFFFFFFFF  }
0xad: {  	[dreg:$0x0] =	wrdreg $0x60  }
0xae: {  	[dreg:$0x2] =	wrdreg s24  }
0xaf: {  	[dreg:$0x3] =	wrdreg $0xC4400  }
0xb0: {  	[dreg:$0x4] =	wrdreg $0x9  }
0xb1: {  	_ =	task.clear_ibuf [dreg:s6], $0x5FFFF;
	_ =	strace $0x90000049  }
0xb2: {  	s29 =	simm.s32 $0x9;
	_ =	strace $0x8000004B  }
0xb3: {  	_ =	swait.ge [sflag:s29], $0x1  }
0xb4: {  	[sflag:s29] =	ssyncadd.s32 $0xFFFFFFFF  }
0xb5: {  	_ =	strace $0x9000004B  }
0xb6: {  	_ =	sfence  }
0xb7: {  	s30 =	sld [smem:$0x0];
	_ =	sdelay $0x2  }
0xb8: {  	s31 =	sshll.u32 s1, $0xD;
	s1 =	sshrl.u32 s1, $0x2  }
0xb9: {  	s3 =	sand.u32 $0x4000, s31;
	s1 =	sadd.s32 s1, s30  }
0xba: {  	s0 =	sor.u32 s3, s0;
	s1 =	sshll.u32 s1, $0x11  }
0xbb: {  	s0 =	sor.u32 s1, s0  }
0xbc: {  	s0 =	sadd.s32 $0x8F2B, s0  }
0xbd: {  	[sflag:s0] =	ssyncadd.remote.s32 $0x1  }
0xbe: {  	_ =	sfence.sel $0xFFFF  }
0xbf: {  	[dreg:$0x0] =	wrdreg $0xFFFFFFFF;
	(pc) =	sbr.abs _section_cstart, $3  }
0xc0: {  	[dreg:$0x1] =	wrdreg $0xFFFFFFFF  }
0xc1: {  	_ =	task.clear_ibuf [dreg:s6], $0x2FFFF;
	_ =	strace $0x9FFFFFFF  }
0xc2: {  	(tm) =	ssettm $0x7FFFFFFF  }
0xc3: {  	_ =	shalt  }
tec
execute0_lowered:
.L_overlay_start_1:
0x0: {  	(tag) =	ssettag $0x1  }
0x1: {  	s7 =	rddreg [dreg:$0x0]  }
0x2: {  	s2 =	rddreg [dreg:$0x1]  }
0x3: {  	s0 =	rddreg [dreg:$0x2];
	s1 =	stileid.u32;
	s3 =	simm.s32 $0x0  }
0x4: {  	s4 =	srdreg.scid;
	s15 =	simm.s32 $0x50;
	s16 =	simm.s32 $0x9C40  }
0x5: {  	s17 =	simm.s32 $0xB040;
	s18 =	simm.s32 $0x1;
	s19 =	simm.s32 $0x2  }
0x6: {  	s20 =	simm.s32 $0x4DD0;
	s21 =	simm.s32 $0x9BA0;
	s22 =	simm.s32 $0x9BF0  }
0x7: {  	s23 =	simm.s32 $0x0;
	s6 =	smul.u32 $0x9C4, s1;
	[smem:$0x7FF] =	sst s3  }
0x8: {  	s10 =	sand.u32 $0x1, s4;
	s8 =	smul.u32 $0x1400, s1;
	s4 =	sadd.s32 $0x16600, s7  }
0x9: {  	s5 =	sadd.s32 $0x2600, s7;
	s12 =	smul.u32 $0x28000, s1;
	s31 =	sshll.u32 s1, $0x6  }
0xa: {  	_ =	strace $0x8000004A;
	s9 =	smul.u32 $0x14000, s10;
	s26 =	ssub.s32 $0x2, s10  }
0xb: {  	p0 =	seq.s32 s10, $0x1;
	s11 =	sadd.s32 s6, s7;
	s6 =	sadd.s32 $0x3E200, s7  }
.Ltmp0:
0xc: {  	s28 =	sshrl.u32 s26, $0x1;
	s29 =	sshrl.u32 s12, $0x2;
	(pc) =	sbr.rel .LBB2_1-.Ltmp0, $4  }
0xd: {  	s8 =	sadd.s32 s8, s9;
	s30 =	ssub.s32 s26, s28;
	s14 =	sadd.s32 s29, s2  }
0xe: {  	s9 =	sadd.s32 $0x2A600, s11;
	s13 =	sadd.s32 s8, s7;
	s7 =	sor.u32 $0x1C03, s31  }
0xf: {  	s8 =	sadd.s32 $0x34400, s11;
	s11 =	smax.u32 s30, $0x1;
	s12 =	sshrl.u32 s14, $0x3  }
0x10: {  	s14 =	simm.s32 $0x4E20;
	s10 =	sadd.s32 $0x3F600, s13;
	s13 =	simm.s32 $0x3  }
.LBB2_7:
0x11: {  	s25 =	sadd.s32 $0x50, s24;
	[sflag:s13] =	ssyncadd.s32 $0xFFFFEC00  }
0x12: {  	[tilespmem:s17], [sflag:$0x2] =	stream.indirect.gather [hbm4b:s5+s15], $0x40, s25, s15, $0xb8;
	[tilespmem:$0x16440] =	vst v63  }
0x13: {  	_ =	swait.ge [sflag:s18], $0x1400  }
0x14: {  	[sflag:s18] =	ssyncset.done $0x0  }
0x15: {  	s29 =	sadd.s32 $0x4E20, s24;
	[sflag:s18] =	ssyncadd.s32 $0xFFFFEC00  }
0x16: {  	[spmem:s2] =	stream.indirect.scatter.add.f32 [tilespmem:s16], [sflag:$0x3], $0x40, s29, s15, $0xb8;
	[tilespmem:$0x16440] =	vst v63  }
0x17: {  	_ =	swait.ge [sflag:s13], $0x1400  }
0x18: {  	[sflag:s13] =	ssyncset.done $0x0  }
0x19: {  	s30 =	sadd.s32 $0xA0, s24;
	[sflag:s13] =	ssyncadd.s32 $0xFFFFEC00  }
0x1a: {  	[tilespmem:s16], [sflag:$0x1] =	stream.indirect.gather [hbm4b:s5+s15], $0x40, s30, s15, $0xb8;
	[tilespmem:$0x16440] =	vst v63  }
0x1b: {  	_ =	swait.ge [sflag:s19], $0x1400  }
0x1c: {  	[sflag:s19] =	ssyncset.done $0x0  }
0x1d: {  	s31 =	sadd.s32 $0x4E70, s24;
	[sflag:s19] =	ssyncadd.s32 $0xFFFFEC00  }
0x1e: {  	[spmem:s2] =	stream.indirect.scatter.add.f32 [tilespmem:s17], [sflag:$0x3], $0x40, s31, s15, $0xb8;
	[tilespmem:$0x16440] =	vst v63  }
0x1f: {  	_ =	swait.ge [sflag:s13], $0x1400  }
0x20: {  	[sflag:s13] =	ssyncset.done $0x0  }
0x21: {  	[sflag:s13] =	ssyncadd.s32 $0xFFFFEC00  }
0x22: {  	[tilespmem:s17], [sflag:$0x2] =	stream.indirect.gather [hbm4b:s5+s15], $0x40, s20, s15, $0xb8;
	[tilespmem:$0x16440] =	vst v63  }
.LBB2_8:
0x23: {  	_ =	swait.ge [sflag:s18], $0x1400  }
0x24: {  	[sflag:s18] =	ssyncset.done $0x0  }
0x25: {  	[sflag:s18] =	ssyncadd.s32 $0xFFFFEC00  }
0x26: {  	[spmem:s2] =	stream.indirect.scatter.add.f32 [tilespmem:s16], [sflag:$0x3], $0x40, s21, s15, $0xb8;
	[tilespmem:$0x16440] =	vst v63  }
0x27: {  	_ =	swait.ge [sflag:s13], $0x1400  }
0x28: {  	[sflag:s13] =	ssyncset.done $0x0  }
0x29: {  	[sflag:s13] =	ssyncadd.s32 $0xFFFFEC00  }
0x2a: {  	_ =	swait.ge [sflag:s19], $0x1400  }
0x2b: {  	[sflag:s19] =	ssyncset.done $0x0  }
0x2c: {  	[sflag:s19] =	ssyncadd.s32 $0xFFFFEC00  }
0x2d: {  	[spmem:s2] =	stream.indirect.scatter.add.f32 [tilespmem:s17], [sflag:$0x3], $0x40, s22, s15, $0xb8;
	[tilespmem:$0x16440] =	vst v63  }
0x2e: {  	_ =	swait.ge [sflag:s13], $0x1400  }
0x2f: {  	s23 =	sadd.s32 $0x1, s23;
	[sflag:s13] =	ssyncset.done $0x0  }
0x30: {  	p1 =	sne.s32 s23, s11;
	[sflag:s13] =	ssyncadd.s32 $0xFFFFEC00  }
.Ltmp1:
0x31: {  	[bflag:$0x0] =	sbarrier.arrive $0xFFFF;
	(pc) =	sbr.rel @!p1 .LBB2_9-.Ltmp1, $4  }
0x32: {  	[hbm:s10], [sflag:s7] =	dma.local [spmem:s12], $0x1400  }
0x33: {  	_ =	swait.ge [sflag:s13], $0x1400  }
0x34: {  	[sflag:s13] =	ssyncset.done $0x0  }
0x35: {  	[sflag:s13] =	ssyncadd.s32 $0xFFFFEC00  }
.LBB2_1:
0x36: {  	[spmem:s12], [sflag:s7] =	dma.local [hbm:s6], $0x1400  }
0x37: {  	_ =	swait.ge [sflag:s13], $0x1400  }
0x38: {  	[sflag:s13] =	ssyncset.done $0x0  }
0x39: {  	[sflag:s13] =	ssyncadd.s32 $0xFFFFEC00  }
0x3a: {  	[tilespmem:s3], [sflag:$0x3] =	stream.linear.gather [hbm4b:s8+s3], $0x4E20, $0x38;
	[tilespmem:$0x16440] =	vst v63  }
0x3b: {  	_ =	swait.ge [sflag:s13], $0x4E20  }
0x3c: {  	[sflag:s13] =	ssyncset.done $0x0  }
0x3d: {  	[sflag:s13] =	ssyncadd.s32 $0xFFFFB1E0  }
0x3e: {  	[tilespmem:s14], [sflag:$0x3] =	stream.linear.gather [hbm4b:s9+s3], $0x4E20, $0x38;
	[tilespmem:$0x16440] =	vst v63  }
.Ltmp2:
0x3f: {  	_ =	swait.ge [sflag:s13], $0x4E20;
	(pc) =	sbr.rel @!p0 .LBB2_2-.Ltmp2, $4  }
0x40: {  	[sflag:s13] =	ssyncset.done $0x0  }
0x41: {  	[sflag:s13] =	ssyncadd.s32 $0xFFFFB1E0  }
0x42: {  	[bflag:$0x0] =	sbarrier.arrive $0xFFFF  }
0x43: {  	s24 =	simm.s32 $0x0  }
0x44: {  	[tilespmem:s16], [sflag:$0x1] =	stream.indirect.gather [hbm4b:s5+s15], $0x40, s24, s15, $0xb8;
	[tilespmem:$0x16440] =	vst v63  }
0x45: {  	s28 =	simm.s32 $0x50  }
0x46: {  	[tilespmem:s17], [sflag:$0x2] =	stream.indirect.gather [hbm4b:s5+s15], $0x40, s28, s15, $0xb8;
	[tilespmem:$0x16440] =	vst v63  }
0x47: {  	_ =	swait.ge [sflag:s18], $0x1400  }
0x48: {  	[sflag:s18] =	ssyncset.done $0x0  }
0x49: {  	s29 =	simm.s32 $0x4E20;
	[sflag:s18] =	ssyncadd.s32 $0xFFFFEC00  }
0x4a: {  	[spmem:s2] =	stream.indirect.scatter.add.f32 [tilespmem:s16], [sflag:$0x3], $0x40, s29, s15, $0xb8;
	[tilespmem:$0x16440] =	vst v63  }
0x4b: {  	_ =	swait.ge [sflag:s13], $0x1400  }
0x4c: {  	[sflag:s13] =	ssyncset.done $0x0  }
0x4d: {  	s30 =	simm.s32 $0xA0;
	[sflag:s13] =	ssyncadd.s32 $0xFFFFEC00  }
0x4e: {  	[tilespmem:s16], [sflag:$0x1] =	stream.indirect.gather [hbm4b:s5+s15], $0x40, s30, s15, $0xb8;
	[tilespmem:$0x16440] =	vst v63  }
0x4f: {  	_ =	swait.ge [sflag:s19], $0x1400  }
0x50: {  	[sflag:s19] =	ssyncset.done $0x0  }
0x51: {  	s31 =	simm.s32 $0x4E70;
	[sflag:s19] =	ssyncadd.s32 $0xFFFFEC00  }
0x52: {  	[spmem:s2] =	stream.indirect.scatter.add.f32 [tilespmem:s17], [sflag:$0x3], $0x40, s31, s15, $0xb8;
	[tilespmem:$0x16440] =	vst v63  }
0x53: {  	_ =	swait.ge [sflag:s13], $0x1400  }
0x54: {  	s25 =	simm.s32 $0x500;
	s24 =	simm.s32 $0xA0;
	[sflag:s13] =	ssyncset.done $0x0  }
.LBB2_6:
0x55: {  	s26 =	sadd.s32 $0x50, s24  }
0x56: {  	[sflag:s13] =	ssyncadd.s32 $0xFFFFEC00;
	s28 =	smov.u32 s25;
	s29 =	sadd.s32 $0x280, s25  }
0x57: {  	[tilespmem:s17], [sflag:$0x2] =	stream.indirect.gather [hbm4b:s5+s15], $0x40, s26, s15, $0xb8;
	[tilespmem:$0x16440] =	vst v63  }
0x58: {  	p1 =	sne.s32 s25, $0x13380;
	_ =	swait.ge [sflag:s18], $0x1400  }
0x59: {  	[sflag:s18] =	ssyncset.done $0x0  }
0x5a: {  	s25 =	sadd.s32 $0x4E20, s24;
	[sflag:s18] =	ssyncadd.s32 $0xFFFFEC00  }
0x5b: {  	[spmem:s2] =	stream.indirect.scatter.add.f32 [tilespmem:s16], [sflag:$0x3], $0x40, s25, s15, $0xb8;
	[tilespmem:$0x16440] =	vst v63  }
0x5c: {  	_ =	swait.ge [sflag:s13], $0x1400  }
0x5d: {  	[sflag:s13] =	ssyncset.done $0x0  }
0x5e: {  	s25 =	sadd.s32 $0xA0, s24;
	[sflag:s13] =	ssyncadd.s32 $0xFFFFEC00  }
0x5f: {  	[tilespmem:s16], [sflag:$0x1] =	stream.indirect.gather [hbm4b:s5+s15], $0x40, s25, s15, $0xb8;
	[tilespmem:$0x16440] =	vst v63  }
0x60: {  	_ =	swait.ge [sflag:s19], $0x1400  }
.Ltmp3:
0x61: {  	[sflag:s19] =	ssyncset.done $0x0;
	(pc) =	sbr.rel @p1 .LBB2_6-.Ltmp3, $4  }
0x62: {  	s24 =	sadd.s32 $0x4E70, s24;
	[sflag:s19] =	ssyncadd.s32 $0xFFFFEC00  }
0x63: {  	[spmem:s2] =	stream.indirect.scatter.add.f32 [tilespmem:s17], [sflag:$0x3], $0x40, s24, s15, $0xb8;
	[tilespmem:$0x16440] =	vst v63  }
0x64: {  	_ =	swait.ge [sflag:s13], $0x1400  }
0x65: {  	s25 =	smov.u32 s29;
	s24 =	sshra.s32 s28, $0x2;
	[sflag:s13] =	ssyncset.done $0x0  }
.Ltmp4:
0x66: {  	_ = 	snop;
	(pc) =	sbr.rel .LBB2_7-.Ltmp4, $1  }
0x67: {  	_ =	sdelay $0x3  }
.LBB2_2:
0x68: {  	[tilespmem:s16], [sflag:$0x1] =	stream.indirect.gather [hbm4b:s4+s15], $0x40, s24, s15, $0xb8;
	[tilespmem:$0x16440] =	vst v63  }
0x69: {  	s28 =	simm.s32 $0x50  }
0x6a: {  	[tilespmem:s17], [sflag:$0x2] =	stream.indirect.gather [hbm4b:s4+s15], $0x40, s28, s15, $0xb8;
	[tilespmem:$0x16440] =	vst v63  }
0x6b: {  	_ =	swait.ge [sflag:s18], $0x1400  }
0x6c: {  	[sflag:s18] =	ssyncset.done $0x0  }
0x6d: {  	s29 =	simm.s32 $0x4E20;
	[sflag:s18] =	ssyncadd.s32 $0xFFFFEC00  }
0x6e: {  	[spmem:s2] =	stream.indirect.scatter.add.f32 [tilespmem:s16], [sflag:$0x3], $0x40, s29, s15, $0xb8;
	[tilespmem:$0x16440] =	vst v63  }
0x6f: {  	_ =	swait.ge [sflag:s13], $0x1400  }
0x70: {  	[sflag:s13] =	ssyncset.done $0x0  }
0x71: {  	s30 =	simm.s32 $0xA0;
	[sflag:s13] =	ssyncadd.s32 $0xFFFFEC00  }
0x72: {  	[tilespmem:s16], [sflag:$0x1] =	stream.indirect.gather [hbm4b:s4+s15], $0x40, s30, s15, $0xb8;
	[tilespmem:$0x16440] =	vst v63  }
0x73: {  	_ =	swait.ge [sflag:s19], $0x1400  }
0x74: {  	[sflag:s19] =	ssyncset.done $0x0  }
0x75: {  	s31 =	simm.s32 $0x4E70;
	[sflag:s19] =	ssyncadd.s32 $0xFFFFEC00  }
0x76: {  	[spmem:s2] =	stream.indirect.scatter.add.f32 [tilespmem:s17], [sflag:$0x3], $0x40, s31, s15, $0xb8;
	[tilespmem:$0x16440] =	vst v63  }
0x77: {  	_ =	swait.ge [sflag:s13], $0x1400  }
0x78: {  	s25 =	simm.s32 $0x500;
	s24 =	simm.s32 $0xA0;
	[sflag:s13] =	ssyncset.done $0x0  }
.LBB2_3:
0x79: {  	s26 =	sadd.s32 $0x50, s24  }
0x7a: {  	[sflag:s13] =	ssyncadd.s32 $0xFFFFEC00;
	s28 =	smov.u32 s25;
	s29 =	sadd.s32 $0x280, s25  }
0x7b: {  	[tilespmem:s17], [sflag:$0x2] =	stream.indirect.gather [hbm4b:s4+s15], $0x40, s26, s15, $0xb8;
	[tilespmem:$0x16440] =	vst v63  }
0x7c: {  	p1 =	seq.s32 s25, $0x13380;
	_ =	swait.ge [sflag:s18], $0x1400  }
0x7d: {  	[sflag:s18] =	ssyncset.done $0x0  }
0x7e: {  	s25 =	sadd.s32 $0x4E20, s24;
	[sflag:s18] =	ssyncadd.s32 $0xFFFFEC00  }
0x7f: {  	[spmem:s2] =	stream.indirect.scatter.add.f32 [tilespmem:s16], [sflag:$0x3], $0x40, s25, s15, $0xb8;
	[tilespmem:$0x16440] =	vst v63  }
0x80: {  	_ =	swait.ge [sflag:s13], $0x1400  }
0x81: {  	[sflag:s13] =	ssyncset.done $0x0  }
0x82: {  	s25 =	sadd.s32 $0xA0, s24;
	[sflag:s13] =	ssyncadd.s32 $0xFFFFEC00  }
0x83: {  	[tilespmem:s16], [sflag:$0x1] =	stream.indirect.gather [hbm4b:s4+s15], $0x40, s25, s15, $0xb8;
	[tilespmem:$0x16440] =	vst v63  }
0x84: {  	_ =	swait.ge [sflag:s19], $0x1400  }
.Ltmp5:
0x85: {  	[sflag:s19] =	ssyncset.done $0x0;
	(pc) =	sbr.rel @!p1 .LBB2_3-.Ltmp5, $4  }
0x86: {  	s24 =	sadd.s32 $0x4E70, s24;
	[sflag:s19] =	ssyncadd.s32 $0xFFFFEC00  }
0x87: {  	[spmem:s2] =	stream.indirect.scatter.add.f32 [tilespmem:s17], [sflag:$0x3], $0x40, s24, s15, $0xb8;
	[tilespmem:$0x16440] =	vst v63  }
0x88: {  	_ =	swait.ge [sflag:s13], $0x1400  }
0x89: {  	s25 =	smov.u32 s29;
	s24 =	sshra.s32 s28, $0x2;
	[sflag:s13] =	ssyncset.done $0x0  }
0x8a: {  	s25 =	sadd.s32 $0x50, s24;
	[sflag:s13] =	ssyncadd.s32 $0xFFFFEC00  }
0x8b: {  	[tilespmem:s17], [sflag:$0x2] =	stream.indirect.gather [hbm4b:s4+s15], $0x40, s25, s15, $0xb8;
	[tilespmem:$0x16440] =	vst v63  }
0x8c: {  	_ =	swait.ge [sflag:s18], $0x1400  }
0x8d: {  	[sflag:s18] =	ssyncset.done $0x0  }
0x8e: {  	s29 =	sadd.s32 $0x4E20, s24;
	[sflag:s18] =	ssyncadd.s32 $0xFFFFEC00  }
0x8f: {  	[spmem:s2] =	stream.indirect.scatter.add.f32 [tilespmem:s16], [sflag:$0x3], $0x40, s29, s15, $0xb8;
	[tilespmem:$0x16440] =	vst v63  }
0x90: {  	_ =	swait.ge [sflag:s13], $0x1400  }
0x91: {  	[sflag:s13] =	ssyncset.done $0x0  }
0x92: {  	s30 =	sadd.s32 $0xA0, s24;
	[sflag:s13] =	ssyncadd.s32 $0xFFFFEC00  }
0x93: {  	[tilespmem:s16], [sflag:$0x1] =	stream.indirect.gather [hbm4b:s4+s15], $0x40, s30, s15, $0xb8;
	[tilespmem:$0x16440] =	vst v63  }
0x94: {  	_ =	swait.ge [sflag:s19], $0x1400  }
0x95: {  	[sflag:s19] =	ssyncset.done $0x0  }
0x96: {  	s31 =	sadd.s32 $0x4E70, s24;
	[sflag:s19] =	ssyncadd.s32 $0xFFFFEC00  }
0x97: {  	[spmem:s2] =	stream.indirect.scatter.add.f32 [tilespmem:s17], [sflag:$0x3], $0x40, s31, s15, $0xb8;
	[tilespmem:$0x16440] =	vst v63  }
.Ltmp6:
0x98: {  	_ = 	snop;
	(pc) =	sbr.rel .LBB2_8-.Ltmp6, $4  }
0x99: {  	_ =	swait.ge [sflag:s13], $0x1400  }
0x9a: {  	[sflag:s13] =	ssyncset.done $0x0  }
0x9b: {  	[sflag:s13] =	ssyncadd.s32 $0xFFFFEC00  }
0x9c: {  	[tilespmem:s17], [sflag:$0x2] =	stream.indirect.gather [hbm4b:s4+s15], $0x40, s20, s15, $0xb8;
	[tilespmem:$0x16440] =	vst v63  }
.LBB2_9:
0x9d: {  	_ =	sfence.sel $0x180000  }
0x9e: {  	[bflag:$0x0] =	sbarrier.arrive $0xFFFF  }
0x9f: {  	p0 =	sne.s32 s1, $0x0;
	_ =	strace $0x9000004A  }
0xa0: {  	s0 =	sadd.s32 @!p0 $0x100000, s0;
	[bflag:$0x2] =	sbarrier.arrive $0xFFFF  }
0xa1: {  	[sflag:s0] =	ssyncadd.tile.s32 @!p0 $0x1;
	_ =	shalt  }
.Lfunc_end2:
_tile_overlayer_lowered:
.L_overlay_start_2:
0xa2: {  	(tag) =	ssettag $0x2  }
0xa3: {  	s0 =	rddreg [dreg:$0x0];
	s2 =	stileid.u32  }
0xa4: {  	s1 =	rddreg [dreg:$0x1];
	p0 =	sne.s32 s2, $0x0  }
0xa5: {  	s3 =	rddreg [dreg:$0x2];
	[bflag:$0x3] =	sbarrier.arrive $0xFFFF;
	s2 =	simm.s32 @!p0 $0x1C03  }
0xa6: {  	[timem:s3], [sflag:s2] =	dma.local @!p0 [hbm:s0], s1  }
0xa7: {  	s0 =	simm.s32 @!p0 $0x3  }
0xa8: {  	_ =	swait.ge @!p0 [sflag:s0], s1  }
0xa9: {  	s1 =	ssub.s32 @!p0 $0x0, s1;
	[sflag:s0] =	ssyncset.done @!p0 $0x0  }
0xaa: {  	[sflag:s0] =	ssyncadd.s32 @!p0 s1  }
0xab: {  	[bflag:$0x3] =	sbarrier.arrive $0xFFFF  }
0xac: {  	_ =	shalt  }

// kernel: kernel.19.cloned.1.call-start
scs
__scs_entry_jumppad:
0x0: {  	(pc) =	sbr.rel $0x88, $3  }
0x1: {  	(tag) =	ssettag $0x0;
	lr =	simm.s32 $0x1  }
0x2: {  	[smem:$0x3F8F] =	sst lr;
	_ =	strace $0xD0000000  }
0x3: {  	_ = 	snop  }
0x4: {  	_ = 	snop  }
0x5: {  	_ = 	snop  }
0x6: {  	_ = 	snop  }
0x7: {  	_ = 	snop  }
__scs_overlays_trampoline_lowered:
0x8: {  	[smem:$0x3F9E] =	sst s0  }
0x9: {  	[smem:$0x3F9F] =	sst s1  }
0xa: {  	[smem:$0x3FA0] =	sst s2  }
0xb: {  	[smem:$0x3FA1] =	sst s3  }
0xc: {  	[smem:$0x3FA2] =	sst s4  }
0xd: {  	[smem:$0x3FA3] =	sst s5  }
0xe: {  	[smem:$0x3FA4] =	sst s6  }
0xf: {  	[smem:$0x3FA5] =	sst s7  }
0x10: {  	[smem:$0x3FA6] =	sst s8  }
0x11: {  	[smem:$0x3FA7] =	sst s9;
	s0 =	simm.s32 @!p0 $0x0  }
0x12: {  	s1 =	sld [smem:$0x3F8D];
	s0 =	simm.s32 @p0 $0x1  }
0x13: {  	[smem:$0x3FA8] =	sst s0;
	s0 =	simm.s32 @!p1 $0x0  }
0x14: {  	s2 =	sld [smem:$0x3F8C];
	s0 =	simm.s32 @p1 $0x1  }
0x15: {  	[smem:$0x3FA9] =	sst s0;
	s0 =	simm.s32 @!p2 $0x0  }
0x16: {  	s3 =	sld [smem:$0x3FDB];
	s0 =	simm.s32 @p2 $0x1  }
0x17: {  	s4 =	simm.s32 $0x1BF5;
	[smem:$0x3FAB] =	sst s0  }
0x18: {  	s0 =	sld [smem:$0x3F8E];
	_ =	swait.ge [sflag:s4], $0x0  }
0x19: {  	s7 =	sld [smem:$0x3F8F]  }
0x1a: {  	s8 =	sadd.s32 $0xFFFFE003, lr  }
0x1b: {  	s9 =	sadd.s32 $0xFFFFFEF7, lr;
	s5 =	simm.s32 $0xFFFFFFFF;
	p2 =	slt.u32 s8, $0xFFFFF086  }
0x1c: {  	p1 =	slt.u32 s9, $0xF7A;
	s5 =	simm.s32 @!p2 $0x0  }
0x1d: {  	s5 =	simm.s32 @p1 $0x1;
	p0 =	seq.s32 s7, s2  }
0x1e: {  	s7 =	smul.u32 @!p0 $0xF7A, s2;
	p2 =	seq.s32 @!p0 s5, $0x0  }
0x1f: {  	s9 =	smul.u32 $0xF7A, s1;
	s8 =	simm.s32 @!p0 $0x1BF5;
	p2 =	por !p2, p0  }
0x20: {  	[sflag:s8] =	ssyncset.s32 @!p0 $0xFFFFF086;
	s6 =	sadd.s32 @!p0 s3, s7;
	s7 =	simm.s32 @!p0 $0x108  }
0x21: {  	s3 =	sadd.s32 s3, s9;
	s6 =	sadd.s32 @!p0 $0x88, s6;
	s7 =	simm.s32 @p2 $0x1082  }
0x22: {  	[simem:s7], [sflag:s8] =	dma.local @!p0 [hbm:s6], $0xF7A  }
0x23: {  	s9 =	sor.u32 $0xD0000000, s2;
	s6 =	simm.s32 $0x108;
	_ =	swait.ge @!p0 [sflag:s8], $0x0  }
0x24: {  	s3 =	sadd.s32 $0x88, s3;
	s6 =	simm.s32 @!p1 $0x1082;
	[sflag:s4] =	ssyncset.s32 $0xFFFFF086  }
0x25: {  	[simem:s6], [sflag:s4] =	dma.local [hbm:s3], $0xF7A  }
0x26: {  	[smem:$0x3F8F] =	sst s1;
	(tag) =	ssettag s2;
	_ =	strace s9  }
0x27: {  	s1 =	sld [smem:$0x3F9F]  }
0x28: {  	s2 =	sld [smem:$0x3FA0]  }
0x29: {  	s4 =	sld [smem:$0x3FA2]  }
0x2a: {  	p0 =	seq.s32 s5, $0x0;
	s5 =	sld [smem:$0x3FA3]  }
0x2b: {  	s6 =	sld [smem:$0x3FA4]  }
0x2c: {  	s7 =	sld [smem:$0x3FA5]  }
0x2d: {  	s3 =	simm.s32 $0x108;
	s8 =	sld [smem:$0x3FA6]  }
0x2e: {  	s3 =	simm.s32 @!p0 $0x1082;
	s9 =	sld [smem:$0x3FA7]  }
0x2f: {  	lr =	sadd.s32 s0, s3;
	s0 =	sld [smem:$0x3F9E]  }
0x30: {  	s3 =	sld [smem:$0x3FA1]  }
0x31: {  	[smem:$0x3FAA] =	sst s10  }
0x32: {  	s10 =	sld [smem:$0x3FA8];
	_ =	sdelay $0x3  }
0x33: {  	p0 =	seq.s32 s10, $0x1;
	s10 =	sld [smem:$0x3FAA];
	_ =	sdelay $0x3  }
0x34: {  	[smem:$0x3FAA] =	sst s10  }
0x35: {  	s10 =	sld [smem:$0x3FA9];
	_ =	sdelay $0x3  }
0x36: {  	p1 =	seq.s32 s10, $0x1;
	s10 =	sld [smem:$0x3FAA];
	_ =	sdelay $0x3  }
0x37: {  	[smem:$0x3FAA] =	sst s10  }
0x38: {  	s10 =	sld [smem:$0x3FAB]  }
0x39: {  	_ = 	snop;
	(pc) =	sbr.ind lr, $3  }
0x3a: {  	_ = 	snop  }
0x3b: {  	_ = 	snop  }
0x3c: {  	p2 =	seq.s32 s10, $0x1;
	s10 =	sld [smem:$0x3FAA]  }
0x3d: {  	_ =	shalt  }
0x3e: {  	_ =	shalt  }
0x3f: {  	_ =	shalt  }
0x40: {  	_ =	shalt  }
0x41: {  	_ =	shalt  }
0x42: {  	_ =	shalt  }
0x43: {  	_ =	shalt  }
0x44: {  	_ =	shalt  }
0x45: {  	_ =	shalt  }
0x46: {  	_ =	shalt  }
0x47: {  	_ =	shalt  }
0x48: {  	_ =	shalt  }
0x49: {  	_ =	shalt  }
0x4a: {  	_ =	shalt  }
0x4b: {  	_ =	shalt  }
0x4c: {  	_ =	shalt  }
0x4d: {  	_ =	shalt  }
0x4e: {  	_ =	shalt  }
0x4f: {  	_ =	shalt  }
0x50: {  	_ =	shalt  }
0x51: {  	_ =	shalt  }
0x52: {  	_ =	shalt  }
0x53: {  	_ =	shalt  }
0x54: {  	_ =	shalt  }
0x55: {  	_ =	shalt  }
0x56: {  	_ =	shalt  }
0x57: {  	_ =	shalt  }
0x58: {  	_ =	shalt  }
0x59: {  	_ =	shalt  }
0x5a: {  	_ =	shalt  }
0x5b: {  	_ =	shalt  }
0x5c: {  	_ =	shalt  }
0x5d: {  	_ =	shalt  }
0x5e: {  	_ =	shalt  }
0x5f: {  	_ =	shalt  }
0x60: {  	_ =	shalt  }
0x61: {  	_ =	shalt  }
0x62: {  	_ =	shalt  }
0x63: {  	_ =	shalt  }
0x64: {  	_ =	shalt  }
0x65: {  	_ =	shalt  }
0x66: {  	_ =	shalt  }
0x67: {  	_ =	shalt  }
0x68: {  	_ =	shalt  }
0x69: {  	_ =	shalt  }
0x6a: {  	_ =	shalt  }
0x6b: {  	_ =	shalt  }
0x6c: {  	_ =	shalt  }
0x6d: {  	_ =	shalt  }
0x6e: {  	_ =	shalt  }
0x6f: {  	_ =	shalt  }
0x70: {  	_ =	shalt  }
0x71: {  	_ =	shalt  }
0x72: {  	_ =	shalt  }
0x73: {  	_ =	shalt  }
0x74: {  	_ =	shalt  }
0x75: {  	_ =	shalt  }
0x76: {  	_ =	shalt  }
0x77: {  	_ =	shalt  }
0x78: {  	_ =	shalt  }
0x79: {  	_ =	shalt  }
0x7a: {  	_ =	shalt  }
0x7b: {  	_ =	shalt  }
0x7c: {  	_ =	shalt  }
0x7d: {  	_ =	shalt  }
0x7e: {  	_ =	shalt  }
0x7f: {  	_ =	shalt  }
0x80: {  	_ =	shalt  }
0x81: {  	_ =	shalt  }
0x82: {  	_ =	shalt  }
0x83: {  	_ =	shalt  }
0x84: {  	_ =	shalt  }
0x85: {  	_ =	shalt  }
0x86: {  	_ =	shalt  }
0x87: {  	_ =	shalt  }
.Lfunc_end0:
.L_simem_size_0:
called_computation.2_lowered:
.L_overlay_start_0:
0x88: {  	s2 =	sld [smem:$0x3FD9]  }
0x89: {  	s3 =	sld [smem:$0x3FFE];
	_ =	sdelay $0x1  }
0x8a: {  	s1 =	srdreg.scid  }
0x8b: {  	s0 =	sand.u32 $0x1, s1  }
0x8c: {  	s16 =	sshll.u32 s0, $0xA;
	s2 =	sadd.s32 s3, s2  }
0x8d: {  	s2 =	sadd.s32 s2, s16  }
0x8e: {  	[smem:$0x3FB6] =	sst s2  }
0x8f: {  	_ = 	snop  }
0x90: {  	(tm) =	ssettm $0x1  }
0x91: {  	s17 =	sld [smem:$0x3FFB];
	_ =	sdelay $0x3  }
0x92: {  	_ =	strace s17  }
0x93: {  	s2 =	sld [smem:$0x3FFC];
	_ =	sdelay $0x3  }
0x94: {  	_ =	strace s2  }
0x95: {  	s2 =	sld [smem:$0x3FFD];
	_ =	sdelay $0x3  }
0x96: {  	_ =	strace s2  }
0x97: {  	_ =	strace $0x8FFFFFFF  }
0x98: {  	s18 =	sld [smem:$0x3FDB];
	_ =	sdelay $0x1  }
0x99: {  	s19 =	simm.s32 $_scs_section_size  }
0x9a: {  	s4 =	simm.s32 $_size__tile_overlayer_lowered;
	s5 =	simm.s32 $_tile_overlayer_lowered  }
0x9b: {  	s22 =	simm.s32 $0x1BFF;
	s21 =	sshll.u32 s5, $0x1;
	s2 =	sadd.s32 s19, s18  }
0x9c: {  	s6 =	simm.s32 $0x0;
	s20 =	sshll.u32 s4, $0x1;
	s4 =	sadd.s32 s21, s2  }
0x9d: {  	[timem:s6], [sflag:s22] =	dma.local [hbm:s4], s20  }
0x9e: {  	_ =	swait.ge [sflag:s22], s20  }
0x9f: {  	s3 =	ssub.s32 $0x0, s20;
	[sflag:s22] =	ssyncset.done $0x0  }
0xa0: {  	[sflag:s22] =	ssyncadd.s32 s3;
	_ =	sdelay $0x1  }
0xa1: {  	s23 =	simm.s32 $0x1B8B  }
0xa2: {  	_ =	swait.ge [sflag:s23], $0x1  }
0xa3: {  	[sflag:s23] =	ssyncset.done $0x0  }
0xa4: {  	s25 =	simm.s32 $0x1B8E;
	s24 =	sld [smem:$0x3FFE];
	[sflag:s23] =	ssyncadd.s32 $0xFFFFFFFF  }
0xa5: {  	s26 =	simm.s32 $execute0_lowered;
	[smem:$0x3FD2] =	sst s25  }
0xa6: {  	s4 =	sshll.u32 s26, $0x1;
	_ =	strace $0x8000004C;
	[dreg:$0x1] =	wrdreg $0xFFFFFFFF  }
0xa7: {  	s28 =	simm.s32 $_size_execute0_lowered;
	s2 =	sadd.s32 s2, s4;
	[dreg:$0x0] =	wrdreg $0x0  }
0xa8: {  	s4 =	sshll.u32 s28, $0x1;
	[dreg:$0x2] =	wrdreg s2  }
0xa9: {  	[dreg:$0x3] =	wrdreg s4  }
0xaa: {  	[dreg:$0x4] =	wrdreg $0xC0  }
0xab: {  	_ =	task [dreg:s6], $0x5FFFF  }
0xac: {  	[dreg:$0x1] =	wrdreg $0xFFFFFFFF  }
0xad: {  	[dreg:$0x0] =	wrdreg $0x60  }
0xae: {  	[dreg:$0x2] =	wrdreg s24  }
0xaf: {  	[dreg:$0x3] =	wrdreg $0xC4400  }
0xb0: {  	[dreg:$0x4] =	wrdreg $0x9  }
0xb1: {  	_ =	task.clear_ibuf [dreg:s6], $0x5FFFF;
	_ =	strace $0x9000004C  }
0xb2: {  	s29 =	simm.s32 $0x9;
	_ =	strace $0x8000004E  }
0xb3: {  	_ =	swait.ge [sflag:s29], $0x1  }
0xb4: {  	[sflag:s29] =	ssyncadd.s32 $0xFFFFFFFF  }
0xb5: {  	_ =	strace $0x9000004E  }
0xb6: {  	_ =	sfence  }
0xb7: {  	s30 =	sld [smem:$0x0];
	_ =	sdelay $0x2  }
0xb8: {  	s31 =	sshll.u32 s1, $0xD;
	s1 =	sshrl.u32 s1, $0x2  }
0xb9: {  	s3 =	sand.u32 $0x4000, s31;
	s1 =	sadd.s32 s1, s30  }
0xba: {  	s0 =	sor.u32 s3, s0;
	s1 =	sshll.u32 s1, $0x11  }
0xbb: {  	s0 =	sor.u32 s1, s0  }
0xbc: {  	s0 =	sadd.s32 $0x8F2B, s0  }
0xbd: {  	[sflag:s0] =	ssyncadd.remote.s32 $0x1  }
0xbe: {  	_ =	sfence.sel $0xFFFF  }
0xbf: {  	[dreg:$0x0] =	wrdreg $0xFFFFFFFF;
	(pc) =	sbr.abs _section_cstart, $3  }
0xc0: {  	[dreg:$0x1] =	wrdreg $0xFFFFFFFF  }
0xc1: {  	_ =	task.clear_ibuf [dreg:s6], $0x2FFFF;
	_ =	strace $0x9FFFFFFF  }
0xc2: {  	(tm) =	ssettm $0x7FFFFFFF  }
0xc3: {  	_ =	shalt  }
tec
execute0_lowered:
.L_overlay_start_1:
0x0: {  	(tag) =	ssettag $0x1  }
0x1: {  	s7 =	rddreg [dreg:$0x0]  }
0x2: {  	s2 =	rddreg [dreg:$0x1]  }
0x3: {  	s0 =	rddreg [dreg:$0x2];
	s1 =	stileid.u32;
	s3 =	simm.s32 $0x0  }
0x4: {  	s4 =	srdreg.scid;
	s15 =	simm.s32 $0x50;
	s16 =	simm.s32 $0x9C40  }
0x5: {  	s17 =	simm.s32 $0xB040;
	s18 =	simm.s32 $0x1;
	s19 =	simm.s32 $0x2  }
0x6: {  	s20 =	simm.s32 $0x4DD0;
	s21 =	simm.s32 $0x9BA0;
	s22 =	simm.s32 $0x9BF0  }
0x7: {  	s23 =	simm.s32 $0x0;
	s6 =	smul.u32 $0x9C4, s1;
	[smem:$0x7FF] =	sst s3  }
0x8: {  	s10 =	sand.u32 $0x1, s4;
	s8 =	smul.u32 $0x1400, s1;
	s4 =	sadd.s32 $0x16600, s7  }
0x9: {  	s5 =	sadd.s32 $0x2600, s7;
	s12 =	smul.u32 $0x28000, s1;
	s31 =	sshll.u32 s1, $0x6  }
0xa: {  	_ =	strace $0x8000004D;
	s9 =	smul.u32 $0x14000, s10;
	s26 =	ssub.s32 $0x2, s10  }
0xb: {  	p0 =	seq.s32 s10, $0x1;
	s11 =	sadd.s32 s6, s7;
	s6 =	sadd.s32 $0x3E200, s7  }
.Ltmp0:
0xc: {  	s28 =	sshrl.u32 s26, $0x1;
	s29 =	sshrl.u32 s12, $0x2;
	(pc) =	sbr.rel .LBB2_1-.Ltmp0, $4  }
0xd: {  	s8 =	sadd.s32 s8, s9;
	s30 =	ssub.s32 s26, s28;
	s14 =	sadd.s32 s29, s2  }
0xe: {  	s9 =	sadd.s32 $0x2A600, s11;
	s13 =	sadd.s32 s8, s7;
	s7 =	sor.u32 $0x1C03, s31  }
0xf: {  	s8 =	sadd.s32 $0x34400, s11;
	s11 =	smax.u32 s30, $0x1;
	s12 =	sshrl.u32 s14, $0x3  }
0x10: {  	s14 =	simm.s32 $0x4E20;
	s10 =	sadd.s32 $0x3F600, s13;
	s13 =	simm.s32 $0x3  }
.LBB2_7:
0x11: {  	s25 =	sadd.s32 $0x50, s24;
	[sflag:s13] =	ssyncadd.s32 $0xFFFFEC00  }
0x12: {  	[tilespmem:s17], [sflag:$0x2] =	stream.indirect.gather [hbm4b:s5+s15], $0x40, s25, s15, $0xb8;
	[tilespmem:$0x16440] =	vst v63  }
0x13: {  	_ =	swait.ge [sflag:s18], $0x1400  }
0x14: {  	[sflag:s18] =	ssyncset.done $0x0  }
0x15: {  	s29 =	sadd.s32 $0x4E20, s24;
	[sflag:s18] =	ssyncadd.s32 $0xFFFFEC00  }
0x16: {  	[spmem:s2] =	stream.indirect.scatter.add.f32 [tilespmem:s16], [sflag:$0x3], $0x40, s29, s15, $0xb8;
	[tilespmem:$0x16440] =	vst v63  }
0x17: {  	_ =	swait.ge [sflag:s13], $0x1400  }
0x18: {  	[sflag:s13] =	ssyncset.done $0x0  }
0x19: {  	s30 =	sadd.s32 $0xA0, s24;
	[sflag:s13] =	ssyncadd.s32 $0xFFFFEC00  }
0x1a: {  	[tilespmem:s16], [sflag:$0x1] =	stream.indirect.gather [hbm4b:s5+s15], $0x40, s30, s15, $0xb8;
	[tilespmem:$0x16440] =	vst v63  }
0x1b: {  	_ =	swait.ge [sflag:s19], $0x1400  }
0x1c: {  	[sflag:s19] =	ssyncset.done $0x0  }
0x1d: {  	s31 =	sadd.s32 $0x4E70, s24;
	[sflag:s19] =	ssyncadd.s32 $0xFFFFEC00  }
0x1e: {  	[spmem:s2] =	stream.indirect.scatter.add.f32 [tilespmem:s17], [sflag:$0x3], $0x40, s31, s15, $0xb8;
	[tilespmem:$0x16440] =	vst v63  }
0x1f: {  	_ =	swait.ge [sflag:s13], $0x1400  }
0x20: {  	[sflag:s13] =	ssyncset.done $0x0  }
0x21: {  	[sflag:s13] =	ssyncadd.s32 $0xFFFFEC00  }
0x22: {  	[tilespmem:s17], [sflag:$0x2] =	stream.indirect.gather [hbm4b:s5+s15], $0x40, s20, s15, $0xb8;
	[tilespmem:$0x16440] =	vst v63  }
.LBB2_8:
0x23: {  	_ =	swait.ge [sflag:s18], $0x1400  }
0x24: {  	[sflag:s18] =	ssyncset.done $0x0  }
0x25: {  	[sflag:s18] =	ssyncadd.s32 $0xFFFFEC00  }
0x26: {  	[spmem:s2] =	stream.indirect.scatter.add.f32 [tilespmem:s16], [sflag:$0x3], $0x40, s21, s15, $0xb8;
	[tilespmem:$0x16440] =	vst v63  }
0x27: {  	_ =	swait.ge [sflag:s13], $0x1400  }
0x28: {  	[sflag:s13] =	ssyncset.done $0x0  }
0x29: {  	[sflag:s13] =	ssyncadd.s32 $0xFFFFEC00  }
0x2a: {  	_ =	swait.ge [sflag:s19], $0x1400  }
0x2b: {  	[sflag:s19] =	ssyncset.done $0x0  }
0x2c: {  	[sflag:s19] =	ssyncadd.s32 $0xFFFFEC00  }
0x2d: {  	[spmem:s2] =	stream.indirect.scatter.add.f32 [tilespmem:s17], [sflag:$0x3], $0x40, s22, s15, $0xb8;
	[tilespmem:$0x16440] =	vst v63  }
0x2e: {  	_ =	swait.ge [sflag:s13], $0x1400  }
0x2f: {  	s23 =	sadd.s32 $0x1, s23;
	[sflag:s13] =	ssyncset.done $0x0  }
0x30: {  	p1 =	sne.s32 s23, s11;
	[sflag:s13] =	ssyncadd.s32 $0xFFFFEC00  }
.Ltmp1:
0x31: {  	[bflag:$0x0] =	sbarrier.arrive $0xFFFF;
	(pc) =	sbr.rel @!p1 .LBB2_9-.Ltmp1, $4  }
0x32: {  	[hbm:s10], [sflag:s7] =	dma.local [spmem:s12], $0x1400  }
0x33: {  	_ =	swait.ge [sflag:s13], $0x1400  }
0x34: {  	[sflag:s13] =	ssyncset.done $0x0  }
0x35: {  	[sflag:s13] =	ssyncadd.s32 $0xFFFFEC00  }
.LBB2_1:
0x36: {  	[spmem:s12], [sflag:s7] =	dma.local [hbm:s6], $0x1400  }
0x37: {  	_ =	swait.ge [sflag:s13], $0x1400  }
0x38: {  	[sflag:s13] =	ssyncset.done $0x0  }
0x39: {  	[sflag:s13] =	ssyncadd.s32 $0xFFFFEC00  }
0x3a: {  	[tilespmem:s3], [sflag:$0x3] =	stream.linear.gather [hbm4b:s8+s3], $0x4E20, $0x38;
	[tilespmem:$0x16440] =	vst v63  }
0x3b: {  	_ =	swait.ge [sflag:s13], $0x4E20  }
0x3c: {  	[sflag:s13] =	ssyncset.done $0x0  }
0x3d: {  	[sflag:s13] =	ssyncadd.s32 $0xFFFFB1E0  }
0x3e: {  	[tilespmem:s14], [sflag:$0x3] =	stream.linear.gather [hbm4b:s9+s3], $0x4E20, $0x38;
	[tilespmem:$0x16440] =	vst v63  }
.Ltmp2:
0x3f: {  	_ =	swait.ge [sflag:s13], $0x4E20;
	(pc) =	sbr.rel @!p0 .LBB2_2-.Ltmp2, $4  }
0x40: {  	[sflag:s13] =	ssyncset.done $0x0  }
0x41: {  	[sflag:s13] =	ssyncadd.s32 $0xFFFFB1E0  }
0x42: {  	[bflag:$0x0] =	sbarrier.arrive $0xFFFF  }
0x43: {  	s24 =	simm.s32 $0x0  }
0x44: {  	[tilespmem:s16], [sflag:$0x1] =	stream.indirect.gather [hbm4b:s5+s15], $0x40, s24, s15, $0xb8;
	[tilespmem:$0x16440] =	vst v63  }
0x45: {  	s28 =	simm.s32 $0x50  }
0x46: {  	[tilespmem:s17], [sflag:$0x2] =	stream.indirect.gather [hbm4b:s5+s15], $0x40, s28, s15, $0xb8;
	[tilespmem:$0x16440] =	vst v63  }
0x47: {  	_ =	swait.ge [sflag:s18], $0x1400  }
0x48: {  	[sflag:s18] =	ssyncset.done $0x0  }
0x49: {  	s29 =	simm.s32 $0x4E20;
	[sflag:s18] =	ssyncadd.s32 $0xFFFFEC00  }
0x4a: {  	[spmem:s2] =	stream.indirect.scatter.add.f32 [tilespmem:s16], [sflag:$0x3], $0x40, s29, s15, $0xb8;
	[tilespmem:$0x16440] =	vst v63  }
0x4b: {  	_ =	swait.ge [sflag:s13], $0x1400  }
0x4c: {  	[sflag:s13] =	ssyncset.done $0x0  }
0x4d: {  	s30 =	simm.s32 $0xA0;
	[sflag:s13] =	ssyncadd.s32 $0xFFFFEC00  }
0x4e: {  	[tilespmem:s16], [sflag:$0x1] =	stream.indirect.gather [hbm4b:s5+s15], $0x40, s30, s15, $0xb8;
	[tilespmem:$0x16440] =	vst v63  }
0x4f: {  	_ =	swait.ge [sflag:s19], $0x1400  }
0x50: {  	[sflag:s19] =	ssyncset.done $0x0  }
0x51: {  	s31 =	simm.s32 $0x4E70;
	[sflag:s19] =	ssyncadd.s32 $0xFFFFEC00  }
0x52: {  	[spmem:s2] =	stream.indirect.scatter.add.f32 [tilespmem:s17], [sflag:$0x3], $0x40, s31, s15, $0xb8;
	[tilespmem:$0x16440] =	vst v63  }
0x53: {  	_ =	swait.ge [sflag:s13], $0x1400  }
0x54: {  	s25 =	simm.s32 $0x500;
	s24 =	simm.s32 $0xA0;
	[sflag:s13] =	ssyncset.done $0x0  }
.LBB2_6:
0x55: {  	s26 =	sadd.s32 $0x50, s24  }
0x56: {  	[sflag:s13] =	ssyncadd.s32 $0xFFFFEC00;
	s28 =	smov.u32 s25;
	s29 =	sadd.s32 $0x280, s25  }
0x57: {  	[tilespmem:s17], [sflag:$0x2] =	stream.indirect.gather [hbm4b:s5+s15], $0x40, s26, s15, $0xb8;
	[tilespmem:$0x16440] =	vst v63  }
0x58: {  	p1 =	sne.s32 s25, $0x13380;
	_ =	swait.ge [sflag:s18], $0x1400  }
0x59: {  	[sflag:s18] =	ssyncset.done $0x0  }
0x5a: {  	s25 =	sadd.s32 $0x4E20, s24;
	[sflag:s18] =	ssyncadd.s32 $0xFFFFEC00  }
0x5b: {  	[spmem:s2] =	stream.indirect.scatter.add.f32 [tilespmem:s16], [sflag:$0x3], $0x40, s25, s15, $0xb8;
	[tilespmem:$0x16440] =	vst v63  }
0x5c: {  	_ =	swait.ge [sflag:s13], $0x1400  }
0x5d: {  	[sflag:s13] =	ssyncset.done $0x0  }
0x5e: {  	s25 =	sadd.s32 $0xA0, s24;
	[sflag:s13] =	ssyncadd.s32 $0xFFFFEC00  }
0x5f: {  	[tilespmem:s16], [sflag:$0x1] =	stream.indirect.gather [hbm4b:s5+s15], $0x40, s25, s15, $0xb8;
	[tilespmem:$0x16440] =	vst v63  }
0x60: {  	_ =	swait.ge [sflag:s19], $0x1400  }
.Ltmp3:
0x61: {  	[sflag:s19] =	ssyncset.done $0x0;
	(pc) =	sbr.rel @p1 .LBB2_6-.Ltmp3, $4  }
0x62: {  	s24 =	sadd.s32 $0x4E70, s24;
	[sflag:s19] =	ssyncadd.s32 $0xFFFFEC00  }
0x63: {  	[spmem:s2] =	stream.indirect.scatter.add.f32 [tilespmem:s17], [sflag:$0x3], $0x40, s24, s15, $0xb8;
	[tilespmem:$0x16440] =	vst v63  }
0x64: {  	_ =	swait.ge [sflag:s13], $0x1400  }
0x65: {  	s25 =	smov.u32 s29;
	s24 =	sshra.s32 s28, $0x2;
	[sflag:s13] =	ssyncset.done $0x0  }
.Ltmp4:
0x66: {  	_ = 	snop;
	(pc) =	sbr.rel .LBB2_7-.Ltmp4, $1  }
0x67: {  	_ =	sdelay $0x3  }
.LBB2_2:
0x68: {  	[tilespmem:s16], [sflag:$0x1] =	stream.indirect.gather [hbm4b:s4+s15], $0x40, s24, s15, $0xb8;
	[tilespmem:$0x16440] =	vst v63  }
0x69: {  	s28 =	simm.s32 $0x50  }
0x6a: {  	[tilespmem:s17], [sflag:$0x2] =	stream.indirect.gather [hbm4b:s4+s15], $0x40, s28, s15, $0xb8;
	[tilespmem:$0x16440] =	vst v63  }
0x6b: {  	_ =	swait.ge [sflag:s18], $0x1400  }
0x6c: {  	[sflag:s18] =	ssyncset.done $0x0  }
0x6d: {  	s29 =	simm.s32 $0x4E20;
	[sflag:s18] =	ssyncadd.s32 $0xFFFFEC00  }
0x6e: {  	[spmem:s2] =	stream.indirect.scatter.add.f32 [tilespmem:s16], [sflag:$0x3], $0x40, s29, s15, $0xb8;
	[tilespmem:$0x16440] =	vst v63  }
0x6f: {  	_ =	swait.ge [sflag:s13], $0x1400  }
0x70: {  	[sflag:s13] =	ssyncset.done $0x0  }
0x71: {  	s30 =	simm.s32 $0xA0;
	[sflag:s13] =	ssyncadd.s32 $0xFFFFEC00  }
0x72: {  	[tilespmem:s16], [sflag:$0x1] =	stream.indirect.gather [hbm4b:s4+s15], $0x40, s30, s15, $0xb8;
	[tilespmem:$0x16440] =	vst v63  }
0x73: {  	_ =	swait.ge [sflag:s19], $0x1400  }
0x74: {  	[sflag:s19] =	ssyncset.done $0x0  }
0x75: {  	s31 =	simm.s32 $0x4E70;
	[sflag:s19] =	ssyncadd.s32 $0xFFFFEC00  }
0x76: {  	[spmem:s2] =	stream.indirect.scatter.add.f32 [tilespmem:s17], [sflag:$0x3], $0x40, s31, s15, $0xb8;
	[tilespmem:$0x16440] =	vst v63  }
0x77: {  	_ =	swait.ge [sflag:s13], $0x1400  }
0x78: {  	s25 =	simm.s32 $0x500;
	s24 =	simm.s32 $0xA0;
	[sflag:s13] =	ssyncset.done $0x0  }
.LBB2_3:
0x79: {  	s26 =	sadd.s32 $0x50, s24  }
0x7a: {  	[sflag:s13] =	ssyncadd.s32 $0xFFFFEC00;
	s28 =	smov.u32 s25;
	s29 =	sadd.s32 $0x280, s25  }
0x7b: {  	[tilespmem:s17], [sflag:$0x2] =	stream.indirect.gather [hbm4b:s4+s15], $0x40, s26, s15, $0xb8;
	[tilespmem:$0x16440] =	vst v63  }
0x7c: {  	p1 =	seq.s32 s25, $0x13380;
	_ =	swait.ge [sflag:s18], $0x1400  }
0x7d: {  	[sflag:s18] =	ssyncset.done $0x0  }
0x7e: {  	s25 =	sadd.s32 $0x4E20, s24;
	[sflag:s18] =	ssyncadd.s32 $0xFFFFEC00  }
0x7f: {  	[spmem:s2] =	stream.indirect.scatter.add.f32 [tilespmem:s16], [sflag:$0x3], $0x40, s25, s15, $0xb8;
	[tilespmem:$0x16440] =	vst v63  }
0x80: {  	_ =	swait.ge [sflag:s13], $0x1400  }
0x81: {  	[sflag:s13] =	ssyncset.done $0x0  }
0x82: {  	s25 =	sadd.s32 $0xA0, s24;
	[sflag:s13] =	ssyncadd.s32 $0xFFFFEC00  }
0x83: {  	[tilespmem:s16], [sflag:$0x1] =	stream.indirect.gather [hbm4b:s4+s15], $0x40, s25, s15, $0xb8;
	[tilespmem:$0x16440] =	vst v63  }
0x84: {  	_ =	swait.ge [sflag:s19], $0x1400  }
.Ltmp5:
0x85: {  	[sflag:s19] =	ssyncset.done $0x0;
	(pc) =	sbr.rel @!p1 .LBB2_3-.Ltmp5, $4  }
0x86: {  	s24 =	sadd.s32 $0x4E70, s24;
	[sflag:s19] =	ssyncadd.s32 $0xFFFFEC00  }
0x87: {  	[spmem:s2] =	stream.indirect.scatter.add.f32 [tilespmem:s17], [sflag:$0x3], $0x40, s24, s15, $0xb8;
	[tilespmem:$0x16440] =	vst v63  }
0x88: {  	_ =	swait.ge [sflag:s13], $0x1400  }
0x89: {  	s25 =	smov.u32 s29;
	s24 =	sshra.s32 s28, $0x2;
	[sflag:s13] =	ssyncset.done $0x0  }
0x8a: {  	s25 =	sadd.s32 $0x50, s24;
	[sflag:s13] =	ssyncadd.s32 $0xFFFFEC00  }
0x8b: {  	[tilespmem:s17], [sflag:$0x2] =	stream.indirect.gather [hbm4b:s4+s15], $0x40, s25, s15, $0xb8;
	[tilespmem:$0x16440] =	vst v63  }
0x8c: {  	_ =	swait.ge [sflag:s18], $0x1400  }
0x8d: {  	[sflag:s18] =	ssyncset.done $0x0  }
0x8e: {  	s29 =	sadd.s32 $0x4E20, s24;
	[sflag:s18] =	ssyncadd.s32 $0xFFFFEC00  }
0x8f: {  	[spmem:s2] =	stream.indirect.scatter.add.f32 [tilespmem:s16], [sflag:$0x3], $0x40, s29, s15, $0xb8;
	[tilespmem:$0x16440] =	vst v63  }
0x90: {  	_ =	swait.ge [sflag:s13], $0x1400  }
0x91: {  	[sflag:s13] =	ssyncset.done $0x0  }
0x92: {  	s30 =	sadd.s32 $0xA0, s24;
	[sflag:s13] =	ssyncadd.s32 $0xFFFFEC00  }
0x93: {  	[tilespmem:s16], [sflag:$0x1] =	stream.indirect.gather [hbm4b:s4+s15], $0x40, s30, s15, $0xb8;
	[tilespmem:$0x16440] =	vst v63  }
0x94: {  	_ =	swait.ge [sflag:s19], $0x1400  }
0x95: {  	[sflag:s19] =	ssyncset.done $0x0  }
0x96: {  	s31 =	sadd.s32 $0x4E70, s24;
	[sflag:s19] =	ssyncadd.s32 $0xFFFFEC00  }
0x97: {  	[spmem:s2] =	stream.indirect.scatter.add.f32 [tilespmem:s17], [sflag:$0x3], $0x40, s31, s15, $0xb8;
	[tilespmem:$0x16440] =	vst v63  }
.Ltmp6:
0x98: {  	_ = 	snop;
	(pc) =	sbr.rel .LBB2_8-.Ltmp6, $4  }
0x99: {  	_ =	swait.ge [sflag:s13], $0x1400  }
0x9a: {  	[sflag:s13] =	ssyncset.done $0x0  }
0x9b: {  	[sflag:s13] =	ssyncadd.s32 $0xFFFFEC00  }
0x9c: {  	[tilespmem:s17], [sflag:$0x2] =	stream.indirect.gather [hbm4b:s4+s15], $0x40, s20, s15, $0xb8;
	[tilespmem:$0x16440] =	vst v63  }
.LBB2_9:
0x9d: {  	_ =	sfence.sel $0x180000  }
0x9e: {  	[bflag:$0x0] =	sbarrier.arrive $0xFFFF  }
0x9f: {  	p0 =	sne.s32 s1, $0x0;
	_ =	strace $0x9000004D  }
0xa0: {  	s0 =	sadd.s32 @!p0 $0x100000, s0;
	[bflag:$0x2] =	sbarrier.arrive $0xFFFF  }
0xa1: {  	[sflag:s0] =	ssyncadd.tile.s32 @!p0 $0x1;
	_ =	shalt  }
.Lfunc_end2:
_tile_overlayer_lowered:
.L_overlay_start_2:
0xa2: {  	(tag) =	ssettag $0x2  }
0xa3: {  	s0 =	rddreg [dreg:$0x0];
	s2 =	stileid.u32  }
0xa4: {  	s1 =	rddreg [dreg:$0x1];
	p0 =	sne.s32 s2, $0x0  }
0xa5: {  	s3 =	rddreg [dreg:$0x2];
	[bflag:$0x3] =	sbarrier.arrive $0xFFFF;
	s2 =	simm.s32 @!p0 $0x1C03  }
0xa6: {  	[timem:s3], [sflag:s2] =	dma.local @!p0 [hbm:s0], s1  }
0xa7: {  	s0 =	simm.s32 @!p0 $0x3  }
0xa8: {  	_ =	swait.ge @!p0 [sflag:s0], s1  }
0xa9: {  	s1 =	ssub.s32 @!p0 $0x0, s1;
	[sflag:s0] =	ssyncset.done @!p0 $0x0  }
0xaa: {  	[sflag:s0] =	ssyncadd.s32 @!p0 s1  }
0xab: {  	[bflag:$0x3] =	sbarrier.arrive $0xFFFF  }
0xac: {  	_ =	shalt  }

</sc_bundles>
